<compile_context>
chip_gen: v7x
topology: tpu7x:2x2x1
jax: 0.10.2.dev20260603
libtpu: 0.0.44.dev20260713+nightly
codegen_flags: <defaults>
</compile_context>

<pallas_src>
import functools

import jax
import jax.numpy as jnp
from jax import lax
from jax.experimental import pallas as pl
from jax.experimental.pallas import tpu as pltpu
from jax.experimental.pallas import tpu_sc as plsc

N = 10000
E = 160000
D_IN = 256
D_H = 512
NCH = 4
CW = 128
NPAD = 10112
NB = 10240
NC, NS = 2, 16
NBATCH = 160
K = 64
NBUF = 4
DGRP = 8
NG = NBATCH // DGRP
EP = NS * NBATCH * K
DEG_PER_W = 5008
EPD = NC * NS * DEG_PER_W
MBLK = 400
GRID_M = N // MBLK
BN_SCALE = (1.0 + 1e-5) ** -0.5

PROBE_NO_SCATTER = True

_mesh = plsc.VectorSubcoreMesh(core_axis_name="c", subcore_axis_name="s")
_sc_params = pltpu.CompilerParams(needs_layout_passes=False)


def _deg_body(dst_hbm, hist_hbm, idx_v, hist_v):
    c = lax.axis_index("c")
    s = lax.axis_index("s")
    wid = c * NS + s
    pltpu.sync_copy(dst_hbm.at[wid], idx_v)
    zeros16 = jnp.zeros((16,), jnp.float32)
    ones16 = jnp.ones((16,), jnp.float32)

    def zbody(i, carry):
        hist_v[pl.ds(i * 16, 16)] = zeros16
        return carry

    lax.fori_loop(0, NB // 16, zbody, 0)

    def hbody(j, carry):
        idx = idx_v[pl.ds(j * 16, 16)]
        plsc.addupdate_scatter(hist_v, [idx], ones16)
        return carry

    lax.fori_loop(0, DEG_PER_W // 16, hbody, 0)
    pltpu.sync_copy(hist_v, hist_hbm.at[wid])


_deg_call = functools.partial(
    pl.kernel,
    out_type=jax.ShapeDtypeStruct((NC * NS, NB), jnp.float32),
    mesh=_mesh,
    scratch_types=[
        pltpu.VMEM((DEG_PER_W,), jnp.int32),
        pltpu.VMEM((NB,), jnp.float32),
    ],
    compiler_params=_sc_params,
)(_deg_body)


def _scatter_body(y_hbm, src_hbm, dst_hbm, z_hbm,
                  src_v, dbuf, rb0, rb1, rb2, rb3, acc,
                  gsem, ssem, isem):
    c = lax.axis_index("c")
    s = lax.axis_index("s")
    rowbufs = [rb0, rb1, rb2, rb3]
    pltpu.sync_copy(src_hbm.at[s], src_v)

    zeros16 = jnp.zeros((16,), jnp.float32)

    own = [(r0, 64) for r0 in range(0, 576, 64)] + [(576, 56)]
    base = s * (NPAD // NS)

    def process_chunk(chunk):
        y_view = y_hbm.at[chunk]
        z_view = z_hbm.at[chunk]

        def zb(r, carry):
            for k in range(CW // 16):
                rb0[r, pl.ds(k * 16, 16)] = zeros16
            return carry

        lax.fori_loop(0, K, zb, 0)
        for r0, sz in own:
            pltpu.sync_copy(rb0.at[pl.ds(0, sz)],
                            acc.at[pl.ds(base + r0, sz)])
        plsc.subcore_barrier()

        pltpu.sync_copy(dst_hbm.at[s, pl.ds(0, DGRP)], dbuf.at[0])
        pltpu.async_copy(y_view.at[src_v.at[0, pl.ds(0, K)]], rb0,
                         gsem.at[0])
        pltpu.async_copy(y_view.at[src_v.at[0, pl.ds(K, K)]], rb1,
                         gsem.at[1])
        if PROBE_NO_SCATTER:
            pltpu.async_copy(y_view.at[src_v.at[1, pl.ds(0, K)]], rb2,
                             gsem.at[2])
            pltpu.async_copy(y_view.at[src_v.at[1, pl.ds(K, K)]], rb3,
                             gsem.at[3])

        def gbody(g, carry):
            p = lax.rem(g, 2)
            for b in range(DGRP):
                j = g * DGRP + b
                bf = b % NBUF
                rb = rowbufs[bf]

                if not PROBE_NO_SCATTER:
                    @pl.when(j >= 2)
                    def _():
                        wf = (b + 2) % NBUF
                        pltpu.make_async_copy(
                            rowbufs[wf], acc.at[dbuf.at[p, b]],
                            ssem.at[wf]).wait()

                GDEPTH = 4 if PROBE_NO_SCATTER else 2

                @pl.when(j + GDEPTH < NBATCH)
                def _():
                    nf = (b + GDEPTH) % NBUF
                    sidx = src_v.at[4 * g + (b + GDEPTH) // 2,
                                    pl.ds(((b + GDEPTH) % 2) * K, K)]
                    pltpu.async_copy(y_view.at[sidx], rowbufs[nf],
                                     gsem.at[nf])

                if b == 2:
                    @pl.when(g + 1 < NG)
                    def _():
                        pltpu.async_copy(
                            dst_hbm.at[s, pl.ds((g + 1) * DGRP, DGRP)],
                            dbuf.at[1 - p], isem)

                widx = src_v.at[4 * g + b // 2, pl.ds((b % 2) * K, K)]
                pltpu.make_async_copy(y_view.at[widx], rb,
                                      gsem.at[bf]).wait()
                if not PROBE_NO_SCATTER:
                    pltpu.async_copy(rb, acc.at[dbuf.at[p, b]], ssem.at[bf],
                                     add=True)

            @pl.when(g + 1 < NG)
            def _():
                pltpu.make_async_copy(dst_hbm.at[s, pl.ds(0, DGRP)],
                                      dbuf.at[1 - p], isem).wait()
            return carry

        lax.fori_loop(0, NG, gbody, 0)
        if not PROBE_NO_SCATTER:
            for j in (NBATCH - 2, NBATCH - 1):
                bf = j % NBUF
                pltpu.make_async_copy(rowbufs[bf], acc.at[dbuf.at[0, 0]],
                                      ssem.at[bf]).wait()
        plsc.subcore_barrier()
        for r0, sz in own:
            pltpu.sync_copy(acc.at[pl.ds(base + r0, sz)],
                            z_view.at[pl.ds(base + r0, sz)])

    for cc in range(NCH // NC):
        for core in range(NC):
            @pl.when(c == core)
            def _(core=core, cc=cc):
                process_chunk(core * (NCH // NC) + cc)


_scatter_call = functools.partial(
    pl.kernel,
    out_type=jax.ShapeDtypeStruct((NCH, NPAD, CW), jnp.float32),
    mesh=_mesh,
    scratch_types=[
        pltpu.VMEM((NBATCH // 2, 2 * K), jnp.int32),
        pltpu.VMEM((2, DGRP, K), jnp.int32),
        pltpu.VMEM((K, CW), jnp.float32),
        pltpu.VMEM((K, CW), jnp.float32),
        pltpu.VMEM((K, CW), jnp.float32),
        pltpu.VMEM((K, CW), jnp.float32),
        pltpu.VMEM_SHARED((NPAD, CW), jnp.float32),
        pltpu.SemaphoreType.DMA((NBUF,)),
        pltpu.SemaphoreType.DMA((NBUF,)),
        pltpu.SemaphoreType.DMA,
    ],
    compiler_params=_sc_params,
)(_scatter_body)


def _probe_wide_body(y_hbm, src_hbm, out_hbm, src_v, ra, rb, gsem):
    s = lax.axis_index("s")
    pltpu.sync_copy(src_hbm.at[s], src_v)
    for rep in range(2):
        pltpu.async_copy(y_hbm.at[src_v.at[0, pl.ds(0, K)]], ra, gsem.at[0])
        pltpu.async_copy(y_hbm.at[src_v.at[0, pl.ds(K, K)]], rb, gsem.at[1])

        def gbody(g, carry):
            for b in range(8):
                j = g * 8 + b
                bf = b % 2
                buf = ra if bf == 0 else rb

                @pl.when(j + 2 < NBATCH)
                def _():
                    nb = ra if (b + 2) % 2 == 0 else rb
                    sidx = src_v.at[4 * g + (b + 2) // 2,
                                    pl.ds(((b + 2) % 2) * K, K)]
                    pltpu.async_copy(y_hbm.at[sidx], nb, gsem.at[(b + 2) % 2])

                widx = src_v.at[4 * g + b // 2, pl.ds((b % 2) * K, K)]
                pltpu.make_async_copy(y_hbm.at[widx], buf,
                                      gsem.at[bf]).wait()
            return carry

        lax.fori_loop(0, NG, gbody, 0)
    pltpu.sync_copy(ra, out_hbm.at[s])


_probe_wide_call = functools.partial(
    pl.kernel,
    out_type=jax.ShapeDtypeStruct((NS, K, D_IN), jnp.float32),
    mesh=_mesh,
    scratch_types=[
        pltpu.VMEM((NBATCH // 2, 2 * K), jnp.int32),
        pltpu.VMEM((K, D_IN), jnp.float32),
        pltpu.VMEM((K, D_IN), jnp.float32),
        pltpu.SemaphoreType.DMA((2,)),
    ],
    compiler_params=_sc_params,
)(_probe_wide_body)


def _dis_body(hist_ref, out_ref):
    h = hist_ref[...]
    deg = jnp.sum(h, axis=0, keepdims=True) + 1.0
    d = lax.rsqrt(deg)
    dcol = lax.transpose(d, (1, 0))
    out_ref[...] = jnp.broadcast_to(dcol[:N], (N, CW))


def _dis_call(hist):
    return pl.pallas_call(
        _dis_body,
        out_shape=jax.ShapeDtypeStruct((N, CW), jnp.float32),
    )(hist)


def _mm1_body(x_ref, w_ref, dis_ref, out_ref):
    xb = x_ref[...]
    w = w_ref[...]
    dis = dis_ref[...]
    for ci in range(NCH):
        out_ref[ci] = dis * jnp.dot(xb, w[:, ci * CW:(ci + 1) * CW],
                                    preferred_element_type=jnp.float32)


def _mm1_call(x, W1, dis_b):
    return pl.pallas_call(
        _mm1_body,
        grid=(GRID_M,),
        in_specs=[
            pl.BlockSpec((MBLK, D_IN), lambda i: (i, 0)),
            pl.BlockSpec((D_IN, D_H), lambda i: (0, 0)),
            pl.BlockSpec((MBLK, CW), lambda i: (i, 0)),
        ],
        out_specs=pl.BlockSpec((NCH, MBLK, CW), lambda i: (0, i, 0)),
        out_shape=jax.ShapeDtypeStruct((NCH, N, CW), jnp.float32),
    )(x, W1, dis_b)


def _mid_body(z_ref, y_ref, dis_ref, b1_ref, g_ref, bt_ref, w2_ref, out_ref):
    dis = dis_ref[...]
    w2 = w2_ref[...]
    acc = jnp.zeros((MBLK, D_H), jnp.float32)
    for ci in range(NCH):
        t = dis * (z_ref[ci] + y_ref[ci]) + b1_ref[ci]
        t = t * (BN_SCALE * g_ref[ci]) + bt_ref[ci]
        t = jnp.maximum(t, 0.0)
        acc = acc + jnp.dot(t, w2[ci * CW:(ci + 1) * CW, :],
                            preferred_element_type=jnp.float32)
    y2 = dis[:, 0:1] * acc
    for co in range(NCH):
        out_ref[co] = y2[:, co * CW:(co + 1) * CW]


def _mid_call(z1, y1, dis_b, b1c, gc, btc, W2):
    return pl.pallas_call(
        _mid_body,
        grid=(GRID_M,),
        in_specs=[
            pl.BlockSpec((NCH, MBLK, CW), lambda i: (0, i, 0)),
            pl.BlockSpec((NCH, MBLK, CW), lambda i: (0, i, 0)),
            pl.BlockSpec((MBLK, CW), lambda i: (i, 0)),
            pl.BlockSpec((NCH, 1, CW), lambda i: (0, 0, 0)),
            pl.BlockSpec((NCH, 1, CW), lambda i: (0, 0, 0)),
            pl.BlockSpec((NCH, 1, CW), lambda i: (0, 0, 0)),
            pl.BlockSpec((D_H, D_H), lambda i: (0, 0)),
        ],
        out_specs=pl.BlockSpec((NCH, MBLK, CW), lambda i: (0, i, 0)),
        out_shape=jax.ShapeDtypeStruct((NCH, N, CW), jnp.float32),
    )(z1, y1, dis_b, b1c, gc, btc, W2)


def _fin_body(z_ref, y_ref, dis_ref, b2_ref, out_ref):
    dis = dis_ref[...]
    for ci in range(NCH):
        out_ref[:, ci * CW:(ci + 1) * CW] = (
            dis * (z_ref[ci] + y_ref[ci]) + b2_ref[ci])


def _fin_call(z2, y2, dis_b, b2c):
    return pl.pallas_call(
        _fin_body,
        grid=(GRID_M,),
        in_specs=[
            pl.BlockSpec((NCH, MBLK, CW), lambda i: (0, i, 0)),
            pl.BlockSpec((NCH, MBLK, CW), lambda i: (0, i, 0)),
            pl.BlockSpec((MBLK, CW), lambda i: (i, 0)),
            pl.BlockSpec((NCH, 1, CW), lambda i: (0, 0, 0)),
        ],
        out_specs=pl.BlockSpec((MBLK, D_H), lambda i: (i, 0)),
        out_shape=jax.ShapeDtypeStruct((N, D_H), jnp.float32),
    )(z2, y2, dis_b, b2c)


def kernel(x, edge_index, W1, b1, gamma, beta, W2, b2):
    src = edge_index[0].astype(jnp.int32)
    dst = edge_index[1].astype(jnp.int32)

    srcp = jnp.concatenate(
        [src, jnp.zeros((EP - E,), jnp.int32)]).reshape(NS, NBATCH // 2,
                                                        2 * K)
    dstp = jnp.concatenate(
        [dst, jnp.full((EP - E,), N, jnp.int32)]).reshape(NS, NBATCH, K)
    dstd = jnp.concatenate(
        [dst, jnp.full((EPD - E,), N, jnp.int32)]).reshape(NC * NS, DEG_PER_W)

    b1c = b1.reshape(NCH, 1, CW)
    gc = gamma.reshape(NCH, 1, CW)
    btc = beta.reshape(NCH, 1, CW)
    b2c = b2.reshape(NCH, 1, CW)

    hist = _deg_call(dstd)
    dis_b = _dis_call(hist)
    y1 = _mm1_call(x, W1, dis_b)
    if PROBE_NO_SCATTER:
        p1 = _probe_wide_call(x, srcp)
        z1 = jnp.zeros((NCH, NPAD, CW), jnp.float32) + jnp.sum(p1)
        y2 = _mid_call(z1, y1, dis_b, b1c, gc, btc, W2)
        p2 = _probe_wide_call(x, srcp)
        z2 = jnp.zeros((NCH, NPAD, CW), jnp.float32) + jnp.sum(p2)
    else:
        z1 = _scatter_call(y1, srcp, dstp)
        y2 = _mid_call(z1, y1, dis_b, b1c, gc, btc, W2)
        z2 = _scatter_call(y2, srcp, dstp)
    out = _fin_call(z2, y2, dis_b, b2c)
    return out

# --- scband reference (transcript-rebuilt; emitter-appended) ---
"""Pipeline reference for scband-gcnencoder-4355096838631 (READ-ONLY COPY).

The authoritative reference and input builder live on the scoring server;
editing this copy changes nothing except your own understanding.
"""

import jax, jax.numpy as jnp
import numpy as np

IN_CH = 256
HID = 512
N_NODES = 10000
N_EDGES = 160000
BN_EPS = 1e-5


def gcn_conv(x, edge_index, W, b):
    # Faithful PyG GCNConv: add self-loops, symmetric normalization,
    # linear transform, scatter-add aggregation, bias.
    num_nodes = x.shape[0]
    xw = x @ W
    loop = jnp.arange(num_nodes, dtype=edge_index.dtype)
    src = jnp.concatenate([edge_index[0], loop])
    dst = jnp.concatenate([edge_index[1], loop])
    deg = jnp.zeros((num_nodes,), x.dtype).at[dst].add(1.0)
    deg_inv_sqrt = jnp.where(deg > 0, deg ** -0.5, 0.0)
    norm = deg_inv_sqrt[src] * deg_inv_sqrt[dst]
    msg = xw[src] * norm[:, None]
    out = jax.ops.segment_sum(msg, dst, num_segments=num_nodes)
    return out + b


def setup_inputs(seed: int = 0) -> dict:
    key = jax.random.key(seed)
    ks = jax.random.split(key, 8)
    x = jax.random.normal(ks[0], (N_NODES, IN_CH), jnp.float32)
    edge_index = jax.random.randint(ks[1], (2, N_EDGES), 0, N_NODES, dtype=jnp.int64)
    s1 = (1.0 / IN_CH) ** 0.5
    W1 = jax.random.uniform(ks[2], (IN_CH, HID), jnp.float32, -s1, s1)
    b1 = jnp.zeros((HID,), jnp.float32)
    gamma = jnp.ones((HID,), jnp.float32)
    beta = jnp.zeros((HID,), jnp.float32)
    s2 = (1.0 / HID) ** 0.5
    W2 = jax.random.uniform(ks[3], (HID, HID), jnp.float32, -s2, s2)
    b2 = jnp.zeros((HID,), jnp.float32)
    return {
        'x': x,
        'edge_index': edge_index,
        'W1': W1,
        'b1': b1,
        'gamma': gamma,
        'beta': beta,
        'W2': W2,
        'b2': b2,
    }


def reference(x, edge_index, W1, b1, gamma, beta, W2, b2):
    h = gcn_conv(x, edge_index, W1, b1)
    # BatchNorm1d in eval mode: running_mean=0, running_var=1
    h = (h - 0.0) / jnp.sqrt(1.0 + BN_EPS) * gamma + beta
    h = jax.nn.relu(h)
    # Dropout(0.2) is identity in eval mode
    out = gcn_conv(h, edge_index, W2, b2)
    return out

if __name__ == "__main__":
    import jax
    _d = setup_inputs()
    print(jax.jit(kernel)(*tuple(_d.values())))

</pallas_src>

<mosaic_0001>
#map = affine_map<(d0, d1) -> (0, 0)>
module attributes {stable_mosaic.version = 14 : i64} {
  func.func @_deg_body(%arg0: i32, %arg1: i32, %arg2: memref<32x5008xi32, #tpu.memory_space<hbm>>, %arg3: memref<32x10240xf32, #tpu.memory_space<hbm>>, %arg4: memref<5008xi32, #tpu.memory_space<vmem>>, %arg5: memref<10240xf32, #tpu.memory_space<vmem>>) attributes {dimension_semantics = [#tpu.dimension_semantics<core_parallel>, #tpu.dimension_semantics<subcore_parallel>], iteration_bounds = array<i64: 2, 16>, scalar_prefetch = 0 : i64, scratch_operands = 2 : i64, tpu.core_type = #tpu.core_type<sc_vector_subcore>, window_params = [{transform_indices = #map}, {transform_indices = #map}]} {
    %mul3A = arith.constant 16 : i32
    %mul3A_0 = arith.muli %arg0, %mul3A : i32
    %add3A = arith.addi %mul3A_0, %arg1 : i32
    "tpu.region"() ({
      %run_scoped3A = tpu.sem_alloc : memref<!tpu.dma_semaphore, #tpu.memory_space<semaphore_mem>>
      %dma_start3A = arith.constant 0 : i32
      %dma_start3A_15 = tpu.memref_slice %arg2[%add3A, %dma_start3A] : memref<32x5008xi32, #tpu.memory_space<hbm>> -> memref<1x5008xi32, #tpu.memory_space<hbm>>
      %dma_start3A_16 = tpu.memref_squeeze %dma_start3A_15 : memref<1x5008xi32, #tpu.memory_space<hbm>> -> memref<5008xi32, #tpu.memory_space<hbm>>
      %dma_start3A_17 = arith.constant 0 : i32
      %dma_start3A_18 = tpu.memref_slice %arg2[%add3A, %dma_start3A_17] : memref<32x5008xi32, #tpu.memory_space<hbm>> -> memref<1x5008xi32, #tpu.memory_space<hbm>>
      %dma_start3A_19 = tpu.memref_squeeze %dma_start3A_18 : memref<1x5008xi32, #tpu.memory_space<hbm>> -> memref<5008xi32, #tpu.memory_space<hbm>>
      tpu.enqueue_dma source(%dma_start3A_19 : memref<5008xi32, #tpu.memory_space<hbm>>) target(%arg4 : memref<5008xi32, #tpu.memory_space<vmem>>) target_semaphore(%run_scoped3A : memref<!tpu.dma_semaphore, #tpu.memory_space<semaphore_mem>>)
      %dma_wait3A = arith.constant 0 : i32
      %dma_wait3A_20 = tpu.memref_slice %arg2[%add3A, %dma_wait3A] : memref<32x5008xi32, #tpu.memory_space<hbm>> -> memref<1x5008xi32, #tpu.memory_space<hbm>>
      %dma_wait3A_21 = tpu.memref_squeeze %dma_wait3A_20 : memref<1x5008xi32, #tpu.memory_space<hbm>> -> memref<5008xi32, #tpu.memory_space<hbm>>
      %dma_wait3A_22 = arith.constant 0 : i32
      %dma_wait3A_23 = tpu.memref_slice %arg2[%add3A, %dma_wait3A_22] : memref<32x5008xi32, #tpu.memory_space<hbm>> -> memref<1x5008xi32, #tpu.memory_space<hbm>>
      %dma_wait3A_24 = tpu.memref_squeeze %dma_wait3A_23 : memref<1x5008xi32, #tpu.memory_space<hbm>> -> memref<5008xi32, #tpu.memory_space<hbm>>
      tpu.wait_dma2 semaphore(%run_scoped3A : memref<!tpu.dma_semaphore, #tpu.memory_space<semaphore_mem>>) src(%dma_wait3A_24 : memref<5008xi32, #tpu.memory_space<hbm>>) dst(%arg4 : memref<5008xi32, #tpu.memory_space<vmem>>)
      tpu.yield
    }) : () -> ()
    %broadcast_in_dim3A = arith.constant 0.000000e+00 : f32
    %broadcast_in_dim3A_1 = vector.broadcast %broadcast_in_dim3A : f32 to vector<16xf32>
    %broadcast_in_dim3A_2 = arith.constant 1.000000e+00 : f32
    %broadcast_in_dim3A_3 = vector.broadcast %broadcast_in_dim3A_2 : f32 to vector<16xf32>
    %scan3A = arith.constant 0 : i32
    %scan3A_4 = arith.constant 0 : i32
    %scan3A_5 = arith.constant 640 : i32
    %scan3A_6 = arith.addi %scan3A_4, %scan3A_5 : i32
    %scan3A_7 = arith.constant 1 : i32
    scf.for %scan3A_15 = %scan3A_4 to %scan3A_6 step %scan3A_7  : i32 {
      %mul3A_16 = arith.constant 16 : i32
      %mul3A_17 = arith.muli %scan3A_15, %mul3A_16 : i32
      %swap3A = arith.index_cast %mul3A_17 : i32 to index
      %swap3A_18 = tpu.vector_load %arg5[%swap3A] {strides = array<i32>} : memref<10240xf32, #tpu.memory_space<vmem>>, vector<16xf32>,
      tpu.vector_store %arg5[%swap3A], %broadcast_in_dim3A_1 {strides = array<i32>} : memref<10240xf32, #tpu.memory_space<vmem>>, vector<16xf32>,
    }
    %scan3A_8 = arith.constant 640 : i32
    %scan3A_9 = arith.constant 0 : i32
    %scan3A_10 = arith.constant 0 : i32
    %scan3A_11 = arith.constant 313 : i32
    %scan3A_12 = arith.addi %scan3A_10, %scan3A_11 : i32
    %scan3A_13 = arith.constant 1 : i32
    scf.for %scan3A_15 = %scan3A_10 to %scan3A_12 step %scan3A_13  : i32 {
      %mul3A_16 = arith.constant 16 : i32
      %mul3A_17 = arith.muli %scan3A_15, %mul3A_16 : i32
      %get3A = arith.index_cast %mul3A_17 : i32 to index
      %get3A_18 = tpu.vector_load %arg4[%get3A] {strides = array<i32>} : memref<5008xi32, #tpu.memory_space<vmem>>, vector<16xi32>,
      tpu.vector_store_idx %arg5[%get3A_18], %broadcast_in_dim3A_3 {add = true} : memref<10240xf32, #tpu.memory_space<vmem>>[vector<16xi32>], vector<16xf32>,
    }
    %scan3A_14 = arith.constant 313 : i32
    "tpu.region"() ({
      %run_scoped3A = tpu.sem_alloc : memref<!tpu.dma_semaphore, #tpu.memory_space<semaphore_mem>>
      %dma_start3A = arith.constant 0 : i32
      %dma_start3A_15 = tpu.memref_slice %arg3[%add3A, %dma_start3A] : memref<32x10240xf32, #tpu.memory_space<hbm>> -> memref<1x10240xf32, #tpu.memory_space<hbm>>
      %dma_start3A_16 = tpu.memref_squeeze %dma_start3A_15 : memref<1x10240xf32, #tpu.memory_space<hbm>> -> memref<10240xf32, #tpu.memory_space<hbm>>
      %dma_start3A_17 = arith.constant 0 : i32
      %dma_start3A_18 = tpu.memref_slice %arg3[%add3A, %dma_start3A_17] : memref<32x10240xf32, #tpu.memory_space<hbm>> -> memref<1x10240xf32, #tpu.memory_space<hbm>>
      %dma_start3A_19 = tpu.memref_squeeze %dma_start3A_18 : memref<1x10240xf32, #tpu.memory_space<hbm>> -> memref<10240xf32, #tpu.memory_space<hbm>>
      tpu.enqueue_dma source(%arg5 : memref<10240xf32, #tpu.memory_space<vmem>>) target(%dma_start3A_19 : memref<10240xf32, #tpu.memory_space<hbm>>) target_semaphore(%run_scoped3A : memref<!tpu.dma_semaphore, #tpu.memory_space<semaphore_mem>>)
      %dma_wait3A = arith.constant 0 : i32
      %dma_wait3A_20 = tpu.memref_slice %arg3[%add3A, %dma_wait3A] : memref<32x10240xf32, #tpu.memory_space<hbm>> -> memref<1x10240xf32, #tpu.memory_space<hbm>>
      %dma_wait3A_21 = tpu.memref_squeeze %dma_wait3A_20 : memref<1x10240xf32, #tpu.memory_space<hbm>> -> memref<10240xf32, #tpu.memory_space<hbm>>
      %dma_wait3A_22 = arith.constant 0 : i32
      %dma_wait3A_23 = tpu.memref_slice %arg3[%add3A, %dma_wait3A_22] : memref<32x10240xf32, #tpu.memory_space<hbm>> -> memref<1x10240xf32, #tpu.memory_space<hbm>>
      %dma_wait3A_24 = tpu.memref_squeeze %dma_wait3A_23 : memref<1x10240xf32, #tpu.memory_space<hbm>> -> memref<10240xf32, #tpu.memory_space<hbm>>
      tpu.wait_dma2 semaphore(%run_scoped3A : memref<!tpu.dma_semaphore, #tpu.memory_space<semaphore_mem>>) src(%arg5 : memref<10240xf32, #tpu.memory_space<vmem>>) dst(%dma_wait3A_24 : memref<10240xf32, #tpu.memory_space<hbm>>)
      tpu.yield
    }) : () -> ()
    return
  }
}

#map = affine_map<(d0, d1) -> (0, 0)>
#map1 = affine_map<(d0, d1) -> (0, 0, 0)>
module attributes {stable_mosaic.version = 14 : i64} {
  func.func @_probe_wide_body(%arg0: i32, %arg1: i32, %arg2: memref<10000x256xf32, #tpu.memory_space<hbm>>, %arg3: memref<16x80x128xi32, #tpu.memory_space<hbm>>, %arg4: memref<16x64x256xf32, #tpu.memory_space<hbm>>, %arg5: memref<80x128xi32, #tpu.memory_space<vmem>>, %arg6: memref<64x256xf32, #tpu.memory_space<vmem>>, %arg7: memref<64x256xf32, #tpu.memory_space<vmem>>, %arg8: memref<2x!tpu.dma_semaphore, #tpu.memory_space<semaphore_mem>>) attributes {dimension_semantics = [#tpu.dimension_semantics<core_parallel>, #tpu.dimension_semantics<subcore_parallel>], iteration_bounds = array<i64: 2, 16>, scalar_prefetch = 0 : i64, scratch_operands = 4 : i64, tpu.core_type = #tpu.core_type<sc_vector_subcore>, window_params = [{transform_indices = #map}, {transform_indices = #map1}, {transform_indices = #map1}]} {
    "tpu.region"() ({
      %run_scoped3A = tpu.sem_alloc : memref<!tpu.dma_semaphore, #tpu.memory_space<semaphore_mem>>
      %dma_start3A_50 = arith.constant 0 : i32
      %dma_start3A_51 = arith.constant 0 : i32
      %dma_start3A_52 = tpu.memref_slice %arg3[%arg1, %dma_start3A_50, %dma_start3A_51] : memref<16x80x128xi32, #tpu.memory_space<hbm>> -> memref<1x80x128xi32, #tpu.memory_space<hbm>>
      %dma_start3A_53 = tpu.memref_squeeze %dma_start3A_52 : memref<1x80x128xi32, #tpu.memory_space<hbm>> -> memref<80x128xi32, #tpu.memory_space<hbm>>
      %dma_start3A_54 = arith.constant 0 : i32
      %dma_start3A_55 = arith.constant 0 : i32
      %dma_start3A_56 = tpu.memref_slice %arg3[%arg1, %dma_start3A_54, %dma_start3A_55] : memref<16x80x128xi32, #tpu.memory_space<hbm>> -> memref<1x80x128xi32, #tpu.memory_space<hbm>>
      %dma_start3A_57 = tpu.memref_squeeze %dma_start3A_56 : memref<1x80x128xi32, #tpu.memory_space<hbm>> -> memref<80x128xi32, #tpu.memory_space<hbm>>
      tpu.enqueue_dma source(%dma_start3A_57 : memref<80x128xi32, #tpu.memory_space<hbm>>) target(%arg5 : memref<80x128xi32, #tpu.memory_space<vmem>>) target_semaphore(%run_scoped3A : memref<!tpu.dma_semaphore, #tpu.memory_space<semaphore_mem>>)
      %dma_wait3A = arith.constant 0 : i32
      %dma_wait3A_58 = arith.constant 0 : i32
      %dma_wait3A_59 = tpu.memref_slice %arg3[%arg1, %dma_wait3A, %dma_wait3A_58] : memref<16x80x128xi32, #tpu.memory_space<hbm>> -> memref<1x80x128xi32, #tpu.memory_space<hbm>>
      %dma_wait3A_60 = tpu.memref_squeeze %dma_wait3A_59 : memref<1x80x128xi32, #tpu.memory_space<hbm>> -> memref<80x128xi32, #tpu.memory_space<hbm>>
      %dma_wait3A_61 = arith.constant 0 : i32
      %dma_wait3A_62 = arith.constant 0 : i32
      %dma_wait3A_63 = tpu.memref_slice %arg3[%arg1, %dma_wait3A_61, %dma_wait3A_62] : memref<16x80x128xi32, #tpu.memory_space<hbm>> -> memref<1x80x128xi32, #tpu.memory_space<hbm>>
      %dma_wait3A_64 = tpu.memref_squeeze %dma_wait3A_63 : memref<1x80x128xi32, #tpu.memory_space<hbm>> -> memref<80x128xi32, #tpu.memory_space<hbm>>
      tpu.wait_dma2 semaphore(%run_scoped3A : memref<!tpu.dma_semaphore, #tpu.memory_space<semaphore_mem>>) src(%dma_wait3A_64 : memref<80x128xi32, #tpu.memory_space<hbm>>) dst(%arg5 : memref<80x128xi32, #tpu.memory_space<vmem>>)
      tpu.yield
    }) : () -> ()
    %dma_start3A = arith.constant 0 : i32
    %dma_start3A_0 = arith.constant 0 : i32
    %dma_start3A_1 = arith.constant 0 : i32
    %dma_start3A_2 = tpu.memref_slice %arg5[%dma_start3A, %dma_start3A_1] : memref<80x128xi32, #tpu.memory_space<vmem>> -> memref<1x64xi32, #tpu.memory_space<vmem>>
    %dma_start3A_3 = tpu.memref_squeeze %dma_start3A_2 : memref<1x64xi32, #tpu.memory_space<vmem>> -> memref<64xi32, #tpu.memory_space<vmem>>
    %dma_start3A_4 = arith.constant 0 : i32
    %dma_start3A_5 = arith.constant 0 : i32
    %dma_start3A_6 = tpu.memref_slice %arg2[%dma_start3A_4, %dma_start3A_5] : memref<10000x256xf32, #tpu.memory_space<hbm>> -> memref<10000x256xf32, #tpu.memory_space<hbm>>
    %dma_start3A_7 = tpu.memref_slice %arg8[%dma_start3A_0] : memref<2x!tpu.dma_semaphore, #tpu.memory_space<semaphore_mem>> -> memref<1x!tpu.dma_semaphore, #tpu.memory_space<semaphore_mem>>
    %dma_start3A_8 = tpu.memref_squeeze %dma_start3A_7 : memref<1x!tpu.dma_semaphore, #tpu.memory_space<semaphore_mem>> -> memref<!tpu.dma_semaphore, #tpu.memory_space<semaphore_mem>>
    tpu.enqueue_indirect_dma source(%dma_start3A_6 : memref<10000x256xf32, #tpu.memory_space<hbm>>) target(%arg6 : memref<64x256xf32, #tpu.memory_space<vmem>>) offsets(%dma_start3A_3 : memref<64xi32, #tpu.memory_space<vmem>>) semaphore(%dma_start3A_8 : memref<!tpu.dma_semaphore, #tpu.memory_space<semaphore_mem>>)
    %dma_start3A_9 = arith.constant 0 : i32
    %dma_start3A_10 = arith.constant 1 : i32
    %dma_start3A_11 = arith.constant 64 : i32
    %dma_start3A_12 = tpu.memref_slice %arg5[%dma_start3A_9, %dma_start3A_11] : memref<80x128xi32, #tpu.memory_space<vmem>> -> memref<1x64xi32, #tpu.memory_space<vmem>>
    %dma_start3A_13 = tpu.memref_squeeze %dma_start3A_12 : memref<1x64xi32, #tpu.memory_space<vmem>> -> memref<64xi32, #tpu.memory_space<vmem>>
    %dma_start3A_14 = arith.constant 0 : i32
    %dma_start3A_15 = arith.constant 0 : i32
    %dma_start3A_16 = tpu.memref_slice %arg2[%dma_start3A_14, %dma_start3A_15] : memref<10000x256xf32, #tpu.memory_space<hbm>> -> memref<10000x256xf32, #tpu.memory_space<hbm>>
    %dma_start3A_17 = tpu.memref_slice %arg8[%dma_start3A_10] : memref<2x!tpu.dma_semaphore, #tpu.memory_space<semaphore_mem>> -> memref<1x!tpu.dma_semaphore, #tpu.memory_space<semaphore_mem>>
    %dma_start3A_18 = tpu.memref_squeeze %dma_start3A_17 : memref<1x!tpu.dma_semaphore, #tpu.memory_space<semaphore_mem>> -> memref<!tpu.dma_semaphore, #tpu.memory_space<semaphore_mem>>
    tpu.enqueue_indirect_dma source(%dma_start3A_16 : memref<10000x256xf32, #tpu.memory_space<hbm>>) target(%arg7 : memref<64x256xf32, #tpu.memory_space<vmem>>) offsets(%dma_start3A_13 : memref<64xi32, #tpu.memory_space<vmem>>) semaphore(%dma_start3A_18 : memref<!tpu.dma_semaphore, #tpu.memory_space<semaphore_mem>>)
    %scan3A = arith.constant 0 : i32
    %scan3A_19 = arith.constant 0 : i32
    %scan3A_20 = arith.constant 20 : i32
    %scan3A_21 = arith.addi %scan3A_19, %scan3A_20 : i32
    %scan3A_22 = arith.constant 1 : i32
    scf.for %scan3A_50 = %scan3A_19 to %scan3A_21 step %scan3A_22  : i32 {
      %mul3A = arith.constant 8 : i32
      %mul3A_51 = arith.muli %scan3A_50, %mul3A : i32
      %add3A = arith.constant 0 : i32
      %add3A_52 = arith.addi %mul3A_51, %add3A : i32
      %add3A_53 = arith.constant 2 : i32
      %add3A_54 = arith.addi %add3A_52, %add3A_53 : i32
      %lt3A = arith.constant 160 : i32
      %lt3A_55 = arith.cmpi slt, %add3A_54, %lt3A : i32
      %convert_element_type3A = arith.extui %lt3A_55 : i1 to i32
      %cond3A = arith.constant 0 : i32
      %cond3A_56 = arith.cmpi ne, %convert_element_type3A, %cond3A : i32
      scf.if %cond3A_56 {
        %mul3A_237 = arith.constant 4 : i32
        %mul3A_238 = arith.muli %mul3A_237, %scan3A_50 : i32
        %add3A_239 = arith.constant 1 : i32
        %add3A_240 = arith.addi %mul3A_238, %add3A_239 : i32
        %dma_start3A_241 = arith.constant 0 : i32
        %dma_start3A_242 = arith.constant 0 : i32
        %dma_start3A_243 = tpu.memref_slice %arg5[%add3A_240, %dma_start3A_242] : memref<80x128xi32, #tpu.memory_space<vmem>> -> memref<1x64xi32, #tpu.memory_space<vmem>>
        %dma_start3A_244 = tpu.memref_squeeze %dma_start3A_243 : memref<1x64xi32, #tpu.memory_space<vmem>> -> memref<64xi32, #tpu.memory_space<vmem>>
        %dma_start3A_245 = arith.constant 0 : i32
        %dma_start3A_246 = arith.constant 0 : i32
        %dma_start3A_247 = tpu.memref_slice %arg2[%dma_start3A_245, %dma_start3A_246] : memref<10000x256xf32, #tpu.memory_space<hbm>> -> memref<10000x256xf32, #tpu.memory_space<hbm>>
        %dma_start3A_248 = tpu.memref_slice %arg8[%dma_start3A_241] : memref<2x!tpu.dma_semaphore, #tpu.memory_space<semaphore_mem>> -> memref<1x!tpu.dma_semaphore, #tpu.memory_space<semaphore_mem>>
        %dma_start3A_249 = tpu.memref_squeeze %dma_start3A_248 : memref<1x!tpu.dma_semaphore, #tpu.memory_space<semaphore_mem>> -> memref<!tpu.dma_semaphore, #tpu.memory_space<semaphore_mem>>
        tpu.enqueue_indirect_dma source(%dma_start3A_247 : memref<10000x256xf32, #tpu.memory_space<hbm>>) target(%arg6 : memref<64x256xf32, #tpu.memory_space<vmem>>) offsets(%dma_start3A_244 : memref<64xi32, #tpu.memory_space<vmem>>) semaphore(%dma_start3A_249 : memref<!tpu.dma_semaphore, #tpu.memory_space<semaphore_mem>>)
      } else {
      }
      %mul3A_57 = arith.constant 4 : i32
      %mul3A_58 = arith.muli %mul3A_57, %scan3A_50 : i32
      %add3A_59 = arith.constant 0 : i32
      %add3A_60 = arith.addi %mul3A_58, %add3A_59 : i32
      %dma_wait3A = arith.constant 0 : i32
      %dma_wait3A_61 = arith.constant 0 : i32
      %dma_wait3A_62 = tpu.memref_slice %arg5[%add3A_60, %dma_wait3A_61] : memref<80x128xi32, #tpu.memory_space<vmem>> -> memref<1x64xi32, #tpu.memory_space<vmem>>
      %dma_wait3A_63 = tpu.memref_squeeze %dma_wait3A_62 : memref<1x64xi32, #tpu.memory_space<vmem>> -> memref<64xi32, #tpu.memory_space<vmem>>
      %dma_wait3A_64 = arith.constant 0 : i32
      %dma_wait3A_65 = arith.constant 0 : i32
      %dma_wait3A_66 = tpu.memref_slice %arg2[%dma_wait3A_64, %dma_wait3A_65] : memref<10000x256xf32, #tpu.memory_space<hbm>> -> memref<10000x256xf32, #tpu.memory_space<hbm>>
      %dma_wait3A_67 = tpu.memref_slice %arg8[%dma_wait3A] : memref<2x!tpu.dma_semaphore, #tpu.memory_space<semaphore_mem>> -> memref<1x!tpu.dma_semaphore, #tpu.memory_space<semaphore_mem>>
      %dma_wait3A_68 = tpu.memref_squeeze %dma_wait3A_67 : memref<1x!tpu.dma_semaphore, #tpu.memory_space<semaphore_mem>> -> memref<!tpu.dma_semaphore, #tpu.memory_space<semaphore_mem>>
      tpu.wait_indirect_dma semaphore(%dma_wait3A_68 : memref<!tpu.dma_semaphore, #tpu.memory_space<semaphore_mem>>) src(%dma_wait3A_66 : memref<10000x256xf32, #tpu.memory_space<hbm>>) dst(%arg6 : memref<64x256xf32, #tpu.memory_space<vmem>>)
      %mul3A_69 = arith.constant 8 : i32
      %mul3A_70 = arith.muli %scan3A_50, %mul3A_69 : i32
      %add3A_71 = arith.constant 1 : i32
      %add3A_72 = arith.addi %mul3A_70, %add3A_71 : i32
      %add3A_73 = arith.constant 2 : i32
      %add3A_74 = arith.addi %add3A_72, %add3A_73 : i32
      %lt3A_75 = arith.constant 160 : i32
      %lt3A_76 = arith.cmpi slt, %add3A_74, %lt3A_75 : i32
      %convert_element_type3A_77 = arith.extui %lt3A_76 : i1 to i32
      %cond3A_78 = arith.constant 0 : i32
      %cond3A_79 = arith.cmpi ne, %convert_element_type3A_77, %cond3A_78 : i32
      scf.if %cond3A_79 {
        %mul3A_237 = arith.constant 4 : i32
        %mul3A_238 = arith.muli %mul3A_237, %scan3A_50 : i32
        %add3A_239 = arith.constant 1 : i32
        %add3A_240 = arith.addi %mul3A_238, %add3A_239 : i32
        %dma_start3A_241 = arith.constant 1 : i32
        %dma_start3A_242 = arith.constant 64 : i32
        %dma_start3A_243 = tpu.memref_slice %arg5[%add3A_240, %dma_start3A_242] : memref<80x128xi32, #tpu.memory_space<vmem>> -> memref<1x64xi32, #tpu.memory_space<vmem>>
        %dma_start3A_244 = tpu.memref_squeeze %dma_start3A_243 : memref<1x64xi32, #tpu.memory_space<vmem>> -> memref<64xi32, #tpu.memory_space<vmem>>
        %dma_start3A_245 = arith.constant 0 : i32
        %dma_start3A_246 = arith.constant 0 : i32
        %dma_start3A_247 = tpu.memref_slice %arg2[%dma_start3A_245, %dma_start3A_246] : memref<10000x256xf32, #tpu.memory_space<hbm>> -> memref<10000x256xf32, #tpu.memory_space<hbm>>
        %dma_start3A_248 = tpu.memref_slice %arg8[%dma_start3A_241] : memref<2x!tpu.dma_semaphore, #tpu.memory_space<semaphore_mem>> -> memref<1x!tpu.dma_semaphore, #tpu.memory_space<semaphore_mem>>
        %dma_start3A_249 = tpu.memref_squeeze %dma_start3A_248 : memref<1x!tpu.dma_semaphore, #tpu.memory_space<semaphore_mem>> -> memref<!tpu.dma_semaphore, #tpu.memory_space<semaphore_mem>>
        tpu.enqueue_indirect_dma source(%dma_start3A_247 : memref<10000x256xf32, #tpu.memory_space<hbm>>) target(%arg7 : memref<64x256xf32, #tpu.memory_space<vmem>>) offsets(%dma_start3A_244 : memref<64xi32, #tpu.memory_space<vmem>>) semaphore(%dma_start3A_249 : memref<!tpu.dma_semaphore, #tpu.memory_space<semaphore_mem>>)
      } else {
      }
      %mul3A_80 = arith.constant 4 : i32
      %mul3A_81 = arith.muli %mul3A_80, %scan3A_50 : i32
      %add3A_82 = arith.constant 0 : i32
      %add3A_83 = arith.addi %mul3A_81, %add3A_82 : i32
      %dma_wait3A_84 = arith.constant 1 : i32
      %dma_wait3A_85 = arith.constant 64 : i32
      %dma_wait3A_86 = tpu.memref_slice %arg5[%add3A_83, %dma_wait3A_85] : memref<80x128xi32, #tpu.memory_space<vmem>> -> memref<1x64xi32, #tpu.memory_space<vmem>>
      %dma_wait3A_87 = tpu.memref_squeeze %dma_wait3A_86 : memref<1x64xi32, #tpu.memory_space<vmem>> -> memref<64xi32, #tpu.memory_space<vmem>>
      %dma_wait3A_88 = arith.constant 0 : i32
      %dma_wait3A_89 = arith.constant 0 : i32
      %dma_wait3A_90 = tpu.memref_slice %arg2[%dma_wait3A_88, %dma_wait3A_89] : memref<10000x256xf32, #tpu.memory_space<hbm>> -> memref<10000x256xf32, #tpu.memory_space<hbm>>
      %dma_wait3A_91 = tpu.memref_slice %arg8[%dma_wait3A_84] : memref<2x!tpu.dma_semaphore, #tpu.memory_space<semaphore_mem>> -> memref<1x!tpu.dma_semaphore, #tpu.memory_space<semaphore_mem>>
      %dma_wait3A_92 = tpu.memref_squeeze %dma_wait3A_91 : memref<1x!tpu.dma_semaphore, #tpu.memory_space<semaphore_mem>> -> memref<!tpu.dma_semaphore, #tpu.memory_space<semaphore_mem>>
      tpu.wait_indirect_dma semaphore(%dma_wait3A_92 : memref<!tpu.dma_semaphore, #tpu.memory_space<semaphore_mem>>) src(%dma_wait3A_90 : memref<10000x256xf32, #tpu.memory_space<hbm>>) dst(%arg7 : memref<64x256xf32, #tpu.memory_space<vmem>>)
      %mul3A_93 = arith.constant 8 : i32
      %mul3A_94 = arith.muli %scan3A_50, %mul3A_93 : i32
      %add3A_95 = arith.constant 2 : i32
      %add3A_96 = arith.addi %mul3A_94, %add3A_95 : i32
      %add3A_97 = arith.constant 2 : i32
      %add3A_98 = arith.addi %add3A_96, %add3A_97 : i32
      %lt3A_99 = arith.constant 160 : i32
      %lt3A_100 = arith.cmpi slt, %add3A_98, %lt3A_99 : i32
      %convert_element_type3A_101 = arith.extui %lt3A_100 : i1 to i32
      %cond3A_102 = arith.constant 0 : i32
      %cond3A_103 = arith.cmpi ne, %convert_element_type3A_101, %cond3A_102 : i32
      scf.if %cond3A_103 {
        %mul3A_237 = arith.constant 4 : i32
        %mul3A_238 = arith.muli %mul3A_237, %scan3A_50 : i32
        %add3A_239 = arith.constant 2 : i32
        %add3A_240 = arith.addi %mul3A_238, %add3A_239 : i32
        %dma_start3A_241 = arith.constant 0 : i32
        %dma_start3A_242 = arith.constant 0 : i32
        %dma_start3A_243 = tpu.memref_slice %arg5[%add3A_240, %dma_start3A_242] : memref<80x128xi32, #tpu.memory_space<vmem>> -> memref<1x64xi32, #tpu.memory_space<vmem>>
        %dma_start3A_244 = tpu.memref_squeeze %dma_start3A_243 : memref<1x64xi32, #tpu.memory_space<vmem>> -> memref<64xi32, #tpu.memory_space<vmem>>
        %dma_start3A_245 = arith.constant 0 : i32
        %dma_start3A_246 = arith.constant 0 : i32
        %dma_start3A_247 = tpu.memref_slice %arg2[%dma_start3A_245, %dma_start3A_246] : memref<10000x256xf32, #tpu.memory_space<hbm>> -> memref<10000x256xf32, #tpu.memory_space<hbm>>
        %dma_start3A_248 = tpu.memref_slice %arg8[%dma_start3A_241] : memref<2x!tpu.dma_semaphore, #tpu.memory_space<semaphore_mem>> -> memref<1x!tpu.dma_semaphore, #tpu.memory_space<semaphore_mem>>
        %dma_start3A_249 = tpu.memref_squeeze %dma_start3A_248 : memref<1x!tpu.dma_semaphore, #tpu.memory_space<semaphore_mem>> -> memref<!tpu.dma_semaphore, #tpu.memory_space<semaphore_mem>>
        tpu.enqueue_indirect_dma source(%dma_start3A_247 : memref<10000x256xf32, #tpu.memory_space<hbm>>) target(%arg6 : memref<64x256xf32, #tpu.memory_space<vmem>>) offsets(%dma_start3A_244 : memref<64xi32, #tpu.memory_space<vmem>>) semaphore(%dma_start3A_249 : memref<!tpu.dma_semaphore, #tpu.memory_space<semaphore_mem>>)
      } else {
      }
      %mul3A_104 = arith.constant 4 : i32
      %mul3A_105 = arith.muli %mul3A_104, %scan3A_50 : i32
      %add3A_106 = arith.constant 1 : i32
      %add3A_107 = arith.addi %mul3A_105, %add3A_106 : i32
      %dma_wait3A_108 = arith.constant 0 : i32
      %dma_wait3A_109 = arith.constant 0 : i32
      %dma_wait3A_110 = tpu.memref_slice %arg5[%add3A_107, %dma_wait3A_109] : memref<80x128xi32, #tpu.memory_space<vmem>> -> memref<1x64xi32, #tpu.memory_space<vmem>>
      %dma_wait3A_111 = tpu.memref_squeeze %dma_wait3A_110 : memref<1x64xi32, #tpu.memory_space<vmem>> -> memref<64xi32, #tpu.memory_space<vmem>>
      %dma_wait3A_112 = arith.constant 0 : i32
      %dma_wait3A_113 = arith.constant 0 : i32
      %dma_wait3A_114 = tpu.memref_slice %arg2[%dma_wait3A_112, %dma_wait3A_113] : memref<10000x256xf32, #tpu.memory_space<hbm>> -> memref<10000x256xf32, #tpu.memory_space<hbm>>
      %dma_wait3A_115 = tpu.memref_slice %arg8[%dma_wait3A_108] : memref<2x!tpu.dma_semaphore, #tpu.memory_space<semaphore_mem>> -> memref<1x!tpu.dma_semaphore, #tpu.memory_space<semaphore_mem>>
      %dma_wait3A_116 = tpu.memref_squeeze %dma_wait3A_115 : memref<1x!tpu.dma_semaphore, #tpu.memory_space<semaphore_mem>> -> memref<!tpu.dma_semaphore, #tpu.memory_space<semaphore_mem>>
      tpu.wait_indirect_dma semaphore(%dma_wait3A_116 : memref<!tpu.dma_semaphore, #tpu.memory_space<semaphore_mem>>) src(%dma_wait3A_114 : memref<10000x256xf32, #tpu.memory_space<hbm>>) dst(%arg6 : memref<64x256xf32, #tpu.memory_space<vmem>>)
      %mul3A_117 = arith.constant 8 : i32
      %mul3A_118 = arith.muli %scan3A_50, %mul3A_117 : i32
      %add3A_119 = arith.constant 3 : i32
      %add3A_120 = arith.addi %mul3A_118, %add3A_119 : i32
      %add3A_121 = arith.constant 2 : i32
      %add3A_122 = arith.addi %add3A_120, %add3A_121 : i32
      %lt3A_123 = arith.constant 160 : i32
      %lt3A_124 = arith.cmpi slt, %add3A_122, %lt3A_123 : i32
      %convert_element_type3A_125 = arith.extui %lt3A_124 : i1 to i32
      %cond3A_126 = arith.constant 0 : i32
      %cond3A_127 = arith.cmpi ne, %convert_element_type3A_125, %cond3A_126 : i32
      scf.if %cond3A_127 {
        %mul3A_237 = arith.constant 4 : i32
        %mul3A_238 = arith.muli %mul3A_237, %scan3A_50 : i32
        %add3A_239 = arith.constant 2 : i32
        %add3A_240 = arith.addi %mul3A_238, %add3A_239 : i32
        %dma_start3A_241 = arith.constant 1 : i32
        %dma_start3A_242 = arith.constant 64 : i32
        %dma_start3A_243 = tpu.memref_slice %arg5[%add3A_240, %dma_start3A_242] : memref<80x128xi32, #tpu.memory_space<vmem>> -> memref<1x64xi32, #tpu.memory_space<vmem>>
        %dma_start3A_244 = tpu.memref_squeeze %dma_start3A_243 : memref<1x64xi32, #tpu.memory_space<vmem>> -> memref<64xi32, #tpu.memory_space<vmem>>
        %dma_start3A_245 = arith.constant 0 : i32
        %dma_start3A_246 = arith.constant 0 : i32
        %dma_start3A_247 = tpu.memref_slice %arg2[%dma_start3A_245, %dma_start3A_246] : memref<10000x256xf32, #tpu.memory_space<hbm>> -> memref<10000x256xf32, #tpu.memory_space<hbm>>
        %dma_start3A_248 = tpu.memref_slice %arg8[%dma_start3A_241] : memref<2x!tpu.dma_semaphore, #tpu.memory_space<semaphore_mem>> -> memref<1x!tpu.dma_semaphore, #tpu.memory_space<semaphore_mem>>
        %dma_start3A_249 = tpu.memref_squeeze %dma_start3A_248 : memref<1x!tpu.dma_semaphore, #tpu.memory_space<semaphore_mem>> -> memref<!tpu.dma_semaphore, #tpu.memory_space<semaphore_mem>>
        tpu.enqueue_indirect_dma source(%dma_start3A_247 : memref<10000x256xf32, #tpu.memory_space<hbm>>) target(%arg7 : memref<64x256xf32, #tpu.memory_space<vmem>>) offsets(%dma_start3A_244 : memref<64xi32, #tpu.memory_space<vmem>>) semaphore(%dma_start3A_249 : memref<!tpu.dma_semaphore, #tpu.memory_space<semaphore_mem>>)
      } else {
      }
      %mul3A_128 = arith.constant 4 : i32
      %mul3A_129 = arith.muli %mul3A_128, %scan3A_50 : i32
      %add3A_130 = arith.constant 1 : i32
      %add3A_131 = arith.addi %mul3A_129, %add3A_130 : i32
      %dma_wait3A_132 = arith.constant 1 : i32
      %dma_wait3A_133 = arith.constant 64 : i32
      %dma_wait3A_134 = tpu.memref_slice %arg5[%add3A_131, %dma_wait3A_133] : memref<80x128xi32, #tpu.memory_space<vmem>> -> memref<1x64xi32, #tpu.memory_space<vmem>>
      %dma_wait3A_135 = tpu.memref_squeeze %dma_wait3A_134 : memref<1x64xi32, #tpu.memory_space<vmem>> -> memref<64xi32, #tpu.memory_space<vmem>>
      %dma_wait3A_136 = arith.constant 0 : i32
      %dma_wait3A_137 = arith.constant 0 : i32
      %dma_wait3A_138 = tpu.memref_slice %arg2[%dma_wait3A_136, %dma_wait3A_137] : memref<10000x256xf32, #tpu.memory_space<hbm>> -> memref<10000x256xf32, #tpu.memory_space<hbm>>
      %dma_wait3A_139 = tpu.memref_slice %arg8[%dma_wait3A_132] : memref<2x!tpu.dma_semaphore, #tpu.memory_space<semaphore_mem>> -> memref<1x!tpu.dma_semaphore, #tpu.memory_space<semaphore_mem>>
      %dma_wait3A_140 = tpu.memref_squeeze %dma_wait3A_139 : memref<1x!tpu.dma_semaphore, #tpu.memory_space<semaphore_mem>> -> memref<!tpu.dma_semaphore, #tpu.memory_space<semaphore_mem>>
      tpu.wait_indirect_dma semaphore(%dma_wait3A_140 : memref<!tpu.dma_semaphore, #tpu.memory_space<semaphore_mem>>) src(%dma_wait3A_138 : memref<10000x256xf32, #tpu.memory_space<hbm>>) dst(%arg7 : memref<64x256xf32, #tpu.memory_space<vmem>>)
      %mul3A_141 = arith.constant 8 : i32
      %mul3A_142 = arith.muli %scan3A_50, %mul3A_141 : i32
      %add3A_143 = arith.constant 4 : i32
      %add3A_144 = arith.addi %mul3A_142, %add3A_143 : i32
      %add3A_145 = arith.constant 2 : i32
      %add3A_146 = arith.addi %add3A_144, %add3A_145 : i32
      %lt3A_147 = arith.constant 160 : i32
      %lt3A_148 = arith.cmpi slt, %add3A_146, %lt3A_147 : i32
      %convert_element_type3A_149 = arith.extui %lt3A_148 : i1 to i32
      %cond3A_150 = arith.constant 0 : i32
      %cond3A_151 = arith.cmpi ne, %convert_element_type3A_149, %cond3A_150 : i32
      scf.if %cond3A_151 {
        %mul3A_237 = arith.constant 4 : i32
        %mul3A_238 = arith.muli %mul3A_237, %scan3A_50 : i32
        %add3A_239 = arith.constant 3 : i32
        %add3A_240 = arith.addi %mul3A_238, %add3A_239 : i32
        %dma_start3A_241 = arith.constant 0 : i32
        %dma_start3A_242 = arith.constant 0 : i32
        %dma_start3A_243 = tpu.memref_slice %arg5[%add3A_240, %dma_start3A_242] : memref<80x128xi32, #tpu.memory_space<vmem>> -> memref<1x64xi32, #tpu.memory_space<vmem>>
        %dma_start3A_244 = tpu.memref_squeeze %dma_start3A_243 : memref<1x64xi32, #tpu.memory_space<vmem>> -> memref<64xi32, #tpu.memory_space<vmem>>
        %dma_start3A_245 = arith.constant 0 : i32
        %dma_start3A_246 = arith.constant 0 : i32
        %dma_start3A_247 = tpu.memref_slice %arg2[%dma_start3A_245, %dma_start3A_246] : memref<10000x256xf32, #tpu.memory_space<hbm>> -> memref<10000x256xf32, #tpu.memory_space<hbm>>
        %dma_start3A_248 = tpu.memref_slice %arg8[%dma_start3A_241] : memref<2x!tpu.dma_semaphore, #tpu.memory_space<semaphore_mem>> -> memref<1x!tpu.dma_semaphore, #tpu.memory_space<semaphore_mem>>
        %dma_start3A_249 = tpu.memref_squeeze %dma_start3A_248 : memref<1x!tpu.dma_semaphore, #tpu.memory_space<semaphore_mem>> -> memref<!tpu.dma_semaphore, #tpu.memory_space<semaphore_mem>>
        tpu.enqueue_indirect_dma source(%dma_start3A_247 : memref<10000x256xf32, #tpu.memory_space<hbm>>) target(%arg6 : memref<64x256xf32, #tpu.memory_space<vmem>>) offsets(%dma_start3A_244 : memref<64xi32, #tpu.memory_space<vmem>>) semaphore(%dma_start3A_249 : memref<!tpu.dma_semaphore, #tpu.memory_space<semaphore_mem>>)
      } else {
      }
      %mul3A_152 = arith.constant 4 : i32
      %mul3A_153 = arith.muli %mul3A_152, %scan3A_50 : i32
      %add3A_154 = arith.constant 2 : i32
      %add3A_155 = arith.addi %mul3A_153, %add3A_154 : i32
      %dma_wait3A_156 = arith.constant 0 : i32
      %dma_wait3A_157 = arith.constant 0 : i32
      %dma_wait3A_158 = tpu.memref_slice %arg5[%add3A_155, %dma_wait3A_157] : memref<80x128xi32, #tpu.memory_space<vmem>> -> memref<1x64xi32, #tpu.memory_space<vmem>>
      %dma_wait3A_159 = tpu.memref_squeeze %dma_wait3A_158 : memref<1x64xi32, #tpu.memory_space<vmem>> -> memref<64xi32, #tpu.memory_space<vmem>>
      %dma_wait3A_160 = arith.constant 0 : i32
      %dma_wait3A_161 = arith.constant 0 : i32
      %dma_wait3A_162 = tpu.memref_slice %arg2[%dma_wait3A_160, %dma_wait3A_161] : memref<10000x256xf32, #tpu.memory_space<hbm>> -> memref<10000x256xf32, #tpu.memory_space<hbm>>
      %dma_wait3A_163 = tpu.memref_slice %arg8[%dma_wait3A_156] : memref<2x!tpu.dma_semaphore, #tpu.memory_space<semaphore_mem>> -> memref<1x!tpu.dma_semaphore, #tpu.memory_space<semaphore_mem>>
      %dma_wait3A_164 = tpu.memref_squeeze %dma_wait3A_163 : memref<1x!tpu.dma_semaphore, #tpu.memory_space<semaphore_mem>> -> memref<!tpu.dma_semaphore, #tpu.memory_space<semaphore_mem>>
      tpu.wait_indirect_dma semaphore(%dma_wait3A_164 : memref<!tpu.dma_semaphore, #tpu.memory_space<semaphore_mem>>) src(%dma_wait3A_162 : memref<10000x256xf32, #tpu.memory_space<hbm>>) dst(%arg6 : memref<64x256xf32, #tpu.memory_space<vmem>>)
      %mul3A_165 = arith.constant 8 : i32
      %mul3A_166 = arith.muli %scan3A_50, %mul3A_165 : i32
      %add3A_167 = arith.constant 5 : i32
      %add3A_168 = arith.addi %mul3A_166, %add3A_167 : i32
      %add3A_169 = arith.constant 2 : i32
      %add3A_170 = arith.addi %add3A_168, %add3A_169 : i32
      %lt3A_171 = arith.constant 160 : i32
      %lt3A_172 = arith.cmpi slt, %add3A_170, %lt3A_171 : i32
      %convert_element_type3A_173 = arith.extui %lt3A_172 : i1 to i32
      %cond3A_174 = arith.constant 0 : i32
      %cond3A_175 = arith.cmpi ne, %convert_element_type3A_173, %cond3A_174 : i32
      scf.if %cond3A_175 {
        %mul3A_237 = arith.constant 4 : i32
        %mul3A_238 = arith.muli %mul3A_237, %scan3A_50 : i32
        %add3A_239 = arith.constant 3 : i32
        %add3A_240 = arith.addi %mul3A_238, %add3A_239 : i32
        %dma_start3A_241 = arith.constant 1 : i32
        %dma_start3A_242 = arith.constant 64 : i32
        %dma_start3A_243 = tpu.memref_slice %arg5[%add3A_240, %dma_start3A_242] : memref<80x128xi32, #tpu.memory_space<vmem>> -> memref<1x64xi32, #tpu.memory_space<vmem>>
        %dma_start3A_244 = tpu.memref_squeeze %dma_start3A_243 : memref<1x64xi32, #tpu.memory_space<vmem>> -> memref<64xi32, #tpu.memory_space<vmem>>
        %dma_start3A_245 = arith.constant 0 : i32
        %dma_start3A_246 = arith.constant 0 : i32
        %dma_start3A_247 = tpu.memref_slice %arg2[%dma_start3A_245, %dma_start3A_246] : memref<10000x256xf32, #tpu.memory_space<hbm>> -> memref<10000x256xf32, #tpu.memory_space<hbm>>
        %dma_start3A_248 = tpu.memref_slice %arg8[%dma_start3A_241] : memref<2x!tpu.dma_semaphore, #tpu.memory_space<semaphore_mem>> -> memref<1x!tpu.dma_semaphore, #tpu.memory_space<semaphore_mem>>
        %dma_start3A_249 = tpu.memref_squeeze %dma_start3A_248 : memref<1x!tpu.dma_semaphore, #tpu.memory_space<semaphore_mem>> -> memref<!tpu.dma_semaphore, #tpu.memory_space<semaphore_mem>>
        tpu.enqueue_indirect_dma source(%dma_start3A_247 : memref<10000x256xf32, #tpu.memory_space<hbm>>) target(%arg7 : memref<64x256xf32, #tpu.memory_space<vmem>>) offsets(%dma_start3A_244 : memref<64xi32, #tpu.memory_space<vmem>>) semaphore(%dma_start3A_249 : memref<!tpu.dma_semaphore, #tpu.memory_space<semaphore_mem>>)
      } else {
      }
      %mul3A_176 = arith.constant 4 : i32
      %mul3A_177 = arith.muli %mul3A_176, %scan3A_50 : i32
      %add3A_178 = arith.constant 2 : i32
      %add3A_179 = arith.addi %mul3A_177, %add3A_178 : i32
      %dma_wait3A_180 = arith.constant 1 : i32
      %dma_wait3A_181 = arith.constant 64 : i32
      %dma_wait3A_182 = tpu.memref_slice %arg5[%add3A_179, %dma_wait3A_181] : memref<80x128xi32, #tpu.memory_space<vmem>> -> memref<1x64xi32, #tpu.memory_space<vmem>>
      %dma_wait3A_183 = tpu.memref_squeeze %dma_wait3A_182 : memref<1x64xi32, #tpu.memory_space<vmem>> -> memref<64xi32, #tpu.memory_space<vmem>>
      %dma_wait3A_184 = arith.constant 0 : i32
      %dma_wait3A_185 = arith.constant 0 : i32
      %dma_wait3A_186 = tpu.memref_slice %arg2[%dma_wait3A_184, %dma_wait3A_185] : memref<10000x256xf32, #tpu.memory_space<hbm>> -> memref<10000x256xf32, #tpu.memory_space<hbm>>
      %dma_wait3A_187 = tpu.memref_slice %arg8[%dma_wait3A_180] : memref<2x!tpu.dma_semaphore, #tpu.memory_space<semaphore_mem>> -> memref<1x!tpu.dma_semaphore, #tpu.memory_space<semaphore_mem>>
      %dma_wait3A_188 = tpu.memref_squeeze %dma_wait3A_187 : memref<1x!tpu.dma_semaphore, #tpu.memory_space<semaphore_mem>> -> memref<!tpu.dma_semaphore, #tpu.memory_space<semaphore_mem>>
      tpu.wait_indirect_dma semaphore(%dma_wait3A_188 : memref<!tpu.dma_semaphore, #tpu.memory_space<semaphore_mem>>) src(%dma_wait3A_186 : memref<10000x256xf32, #tpu.memory_space<hbm>>) dst(%arg7 : memref<64x256xf32, #tpu.memory_space<vmem>>)
      %mul3A_189 = arith.constant 8 : i32
      %mul3A_190 = arith.muli %scan3A_50, %mul3A_189 : i32
      %add3A_191 = arith.constant 6 : i32
      %add3A_192 = arith.addi %mul3A_190, %add3A_191 : i32
      %add3A_193 = arith.constant 2 : i32
      %add3A_194 = arith.addi %add3A_192, %add3A_193 : i32
      %lt3A_195 = arith.constant 160 : i32
      %lt3A_196 = arith.cmpi slt, %add3A_194, %lt3A_195 : i32
      %convert_element_type3A_197 = arith.extui %lt3A_196 : i1 to i32
      %cond3A_198 = arith.constant 0 : i32
      %cond3A_199 = arith.cmpi ne, %convert_element_type3A_197, %cond3A_198 : i32
      scf.if %cond3A_199 {
        %mul3A_237 = arith.constant 4 : i32
        %mul3A_238 = arith.muli %mul3A_237, %scan3A_50 : i32
        %add3A_239 = arith.constant 4 : i32
        %add3A_240 = arith.addi %mul3A_238, %add3A_239 : i32
        %dma_start3A_241 = arith.constant 0 : i32
        %dma_start3A_242 = arith.constant 0 : i32
        %dma_start3A_243 = tpu.memref_slice %arg5[%add3A_240, %dma_start3A_242] : memref<80x128xi32, #tpu.memory_space<vmem>> -> memref<1x64xi32, #tpu.memory_space<vmem>>
        %dma_start3A_244 = tpu.memref_squeeze %dma_start3A_243 : memref<1x64xi32, #tpu.memory_space<vmem>> -> memref<64xi32, #tpu.memory_space<vmem>>
        %dma_start3A_245 = arith.constant 0 : i32
        %dma_start3A_246 = arith.constant 0 : i32
        %dma_start3A_247 = tpu.memref_slice %arg2[%dma_start3A_245, %dma_start3A_246] : memref<10000x256xf32, #tpu.memory_space<hbm>> -> memref<10000x256xf32, #tpu.memory_space<hbm>>
        %dma_start3A_248 = tpu.memref_slice %arg8[%dma_start3A_241] : memref<2x!tpu.dma_semaphore, #tpu.memory_space<semaphore_mem>> -> memref<1x!tpu.dma_semaphore, #tpu.memory_space<semaphore_mem>>
        %dma_start3A_249 = tpu.memref_squeeze %dma_start3A_248 : memref<1x!tpu.dma_semaphore, #tpu.memory_space<semaphore_mem>> -> memref<!tpu.dma_semaphore, #tpu.memory_space<semaphore_mem>>
        tpu.enqueue_indirect_dma source(%dma_start3A_247 : memref<10000x256xf32, #tpu.memory_space<hbm>>) target(%arg6 : memref<64x256xf32, #tpu.memory_space<vmem>>) offsets(%dma_start3A_244 : memref<64xi32, #tpu.memory_space<vmem>>) semaphore(%dma_start3A_249 : memref<!tpu.dma_semaphore, #tpu.memory_space<semaphore_mem>>)
      } else {
      }
      %mul3A_200 = arith.constant 4 : i32
      %mul3A_201 = arith.muli %mul3A_200, %scan3A_50 : i32
      %add3A_202 = arith.constant 3 : i32
      %add3A_203 = arith.addi %mul3A_201, %add3A_202 : i32
      %dma_wait3A_204 = arith.constant 0 : i32
      %dma_wait3A_205 = arith.constant 0 : i32
      %dma_wait3A_206 = tpu.memref_slice %arg5[%add3A_203, %dma_wait3A_205] : memref<80x128xi32, #tpu.memory_space<vmem>> -> memref<1x64xi32, #tpu.memory_space<vmem>>
      %dma_wait3A_207 = tpu.memref_squeeze %dma_wait3A_206 : memref<1x64xi32, #tpu.memory_space<vmem>> -> memref<64xi32, #tpu.memory_space<vmem>>
      %dma_wait3A_208 = arith.constant 0 : i32
      %dma_wait3A_209 = arith.constant 0 : i32
      %dma_wait3A_210 = tpu.memref_slice %arg2[%dma_wait3A_208, %dma_wait3A_209] : memref<10000x256xf32, #tpu.memory_space<hbm>> -> memref<10000x256xf32, #tpu.memory_space<hbm>>
      %dma_wait3A_211 = tpu.memref_slice %arg8[%dma_wait3A_204] : memref<2x!tpu.dma_semaphore, #tpu.memory_space<semaphore_mem>> -> memref<1x!tpu.dma_semaphore, #tpu.memory_space<semaphore_mem>>
      %dma_wait3A_212 = tpu.memref_squeeze %dma_wait3A_211 : memref<1x!tpu.dma_semaphore, #tpu.memory_space<semaphore_mem>> -> memref<!tpu.dma_semaphore, #tpu.memory_space<semaphore_mem>>
      tpu.wait_indirect_dma semaphore(%dma_wait3A_212 : memref<!tpu.dma_semaphore, #tpu.memory_space<semaphore_mem>>) src(%dma_wait3A_210 : memref<10000x256xf32, #tpu.memory_space<hbm>>) dst(%arg6 : memref<64x256xf32, #tpu.memory_space<vmem>>)
      %mul3A_213 = arith.constant 8 : i32
      %mul3A_214 = arith.muli %scan3A_50, %mul3A_213 : i32
      %add3A_215 = arith.constant 7 : i32
      %add3A_216 = arith.addi %mul3A_214, %add3A_215 : i32
      %add3A_217 = arith.constant 2 : i32
      %add3A_218 = arith.addi %add3A_216, %add3A_217 : i32
      %lt3A_219 = arith.constant 160 : i32
      %lt3A_220 = arith.cmpi slt, %add3A_218, %lt3A_219 : i32
      %convert_element_type3A_221 = arith.extui %lt3A_220 : i1 to i32
      %cond3A_222 = arith.constant 0 : i32
      %cond3A_223 = arith.cmpi ne, %convert_element_type3A_221, %cond3A_222 : i32
      scf.if %cond3A_223 {
        %mul3A_237 = arith.constant 4 : i32
        %mul3A_238 = arith.muli %mul3A_237, %scan3A_50 : i32
        %add3A_239 = arith.constant 4 : i32
        %add3A_240 = arith.addi %mul3A_238, %add3A_239 : i32
        %dma_start3A_241 = arith.constant 1 : i32
        %dma_start3A_242 = arith.constant 64 : i32
        %dma_start3A_243 = tpu.memref_slice %arg5[%add3A_240, %dma_start3A_242] : memref<80x128xi32, #tpu.memory_space<vmem>> -> memref<1x64xi32, #tpu.memory_space<vmem>>
        %dma_start3A_244 = tpu.memref_squeeze %dma_start3A_243 : memref<1x64xi32, #tpu.memory_space<vmem>> -> memref<64xi32, #tpu.memory_space<vmem>>
        %dma_start3A_245 = arith.constant 0 : i32
        %dma_start3A_246 = arith.constant 0 : i32
        %dma_start3A_247 = tpu.memref_slice %arg2[%dma_start3A_245, %dma_start3A_246] : memref<10000x256xf32, #tpu.memory_space<hbm>> -> memref<10000x256xf32, #tpu.memory_space<hbm>>
        %dma_start3A_248 = tpu.memref_slice %arg8[%dma_start3A_241] : memref<2x!tpu.dma_semaphore, #tpu.memory_space<semaphore_mem>> -> memref<1x!tpu.dma_semaphore, #tpu.memory_space<semaphore_mem>>
        %dma_start3A_249 = tpu.memref_squeeze %dma_start3A_248 : memref<1x!tpu.dma_semaphore, #tpu.memory_space<semaphore_mem>> -> memref<!tpu.dma_semaphore, #tpu.memory_space<semaphore_mem>>
        tpu.enqueue_indirect_dma source(%dma_start3A_247 : memref<10000x256xf32, #tpu.memory_space<hbm>>) target(%arg7 : memref<64x256xf32, #tpu.memory_space<vmem>>) offsets(%dma_start3A_244 : memref<64xi32, #tpu.memory_space<vmem>>) semaphore(%dma_start3A_249 : memref<!tpu.dma_semaphore, #tpu.memory_space<semaphore_mem>>)
      } else {
      }
      %mul3A_224 = arith.constant 4 : i32
      %mul3A_225 = arith.muli %mul3A_224, %scan3A_50 : i32
      %add3A_226 = arith.constant 3 : i32
      %add3A_227 = arith.addi %mul3A_225, %add3A_226 : i32
      %dma_wait3A_228 = arith.constant 1 : i32
      %dma_wait3A_229 = arith.constant 64 : i32
      %dma_wait3A_230 = tpu.memref_slice %arg5[%add3A_227, %dma_wait3A_229] : memref<80x128xi32, #tpu.memory_space<vmem>> -> memref<1x64xi32, #tpu.memory_space<vmem>>
      %dma_wait3A_231 = tpu.memref_squeeze %dma_wait3A_230 : memref<1x64xi32, #tpu.memory_space<vmem>> -> memref<64xi32, #tpu.memory_space<vmem>>
      %dma_wait3A_232 = arith.constant 0 : i32
      %dma_wait3A_233 = arith.constant 0 : i32
      %dma_wait3A_234 = tpu.memref_slice %arg2[%dma_wait3A_232, %dma_wait3A_233] : memref<10000x256xf32, #tpu.memory_space<hbm>> -> memref<10000x256xf32, #tpu.memory_space<hbm>>
      %dma_wait3A_235 = tpu.memref_slice %arg8[%dma_wait3A_228] : memref<2x!tpu.dma_semaphore, #tpu.memory_space<semaphore_mem>> -> memref<1x!tpu.dma_semaphore, #tpu.memory_space<semaphore_mem>>
      %dma_wait3A_236 = tpu.memref_squeeze %dma_wait3A_235 : memref<1x!tpu.dma_semaphore, #tpu.memory_space<semaphore_mem>> -> memref<!tpu.dma_semaphore, #tpu.memory_space<semaphore_mem>>
      tpu.wait_indirect_dma semaphore(%dma_wait3A_236 : memref<!tpu.dma_semaphore, #tpu.memory_space<semaphore_mem>>) src(%dma_wait3A_234 : memref<10000x256xf32, #tpu.memory_space<hbm>>) dst(%arg7 : memref<64x256xf32, #tpu.memory_space<vmem>>)
    }
    %scan3A_23 = arith.constant 20 : i32
    %dma_start3A_24 = arith.constant 0 : i32
    %dma_start3A_25 = arith.constant 0 : i32
    %dma_start3A_26 = arith.constant 0 : i32
    %dma_start3A_27 = tpu.memref_slice %arg5[%dma_start3A_24, %dma_start3A_26] : memref<80x128xi32, #tpu.memory_space<vmem>> -> memref<1x64xi32, #tpu.memory_space<vmem>>
    %dma_start3A_28 = tpu.memref_squeeze %dma_start3A_27 : memref<1x64xi32, #tpu.memory_space<vmem>> -> memref<64xi32, #tpu.memory_space<vmem>>
    %dma_start3A_29 = arith.constant 0 : i32
    %dma_start3A_30 = arith.constant 0 : i32
    %dma_start3A_31 = tpu.memref_slice %arg2[%dma_start3A_29, %dma_start3A_30] : memref<10000x256xf32, #tpu.memory_space<hbm>> -> memref<10000x256xf32, #tpu.memory_space<hbm>>
    %dma_start3A_32 = tpu.memref_slice %arg8[%dma_start3A_25] : memref<2x!tpu.dma_semaphore, #tpu.memory_space<semaphore_mem>> -> memref<1x!tpu.dma_semaphore, #tpu.memory_space<semaphore_mem>>
    %dma_start3A_33 = tpu.memref_squeeze %dma_start3A_32 : memref<1x!tpu.dma_semaphore, #tpu.memory_space<semaphore_mem>> -> memref<!tpu.dma_semaphore, #tpu.memory_space<semaphore_mem>>
    tpu.enqueue_indirect_dma source(%dma_start3A_31 : memref<10000x256xf32, #tpu.memory_space<hbm>>) target(%arg6 : memref<64x256xf32, #tpu.memory_space<vmem>>) offsets(%dma_start3A_28 : memref<64xi32, #tpu.memory_space<vmem>>) semaphore(%dma_start3A_33 : memref<!tpu.dma_semaphore, #tpu.memory_space<semaphore_mem>>)
    %dma_start3A_34 = arith.constant 0 : i32
    %dma_start3A_35 = arith.constant 1 : i32
    %dma_start3A_36 = arith.constant 64 : i32
    %dma_start3A_37 = tpu.memref_slice %arg5[%dma_start3A_34, %dma_start3A_36] : memref<80x128xi32, #tpu.memory_space<vmem>> -> memref<1x64xi32, #tpu.memory_space<vmem>>
    %dma_start3A_38 = tpu.memref_squeeze %dma_start3A_37 : memref<1x64xi32, #tpu.memory_space<vmem>> -> memref<64xi32, #tpu.memory_space<vmem>>
    %dma_start3A_39 = arith.constant 0 : i32
    %dma_start3A_40 = arith.constant 0 : i32
    %dma_start3A_41 = tpu.memref_slice %arg2[%dma_start3A_39, %dma_start3A_40] : memref<10000x256xf32, #tpu.memory_space<hbm>> -> memref<10000x256xf32, #tpu.memory_space<hbm>>
    %dma_start3A_42 = tpu.memref_slice %arg8[%dma_start3A_35] : memref<2x!tpu.dma_semaphore, #tpu.memory_space<semaphore_mem>> -> memref<1x!tpu.dma_semaphore, #tpu.memory_space<semaphore_mem>>
    %dma_start3A_43 = tpu.memref_squeeze %dma_start3A_42 : memref<1x!tpu.dma_semaphore, #tpu.memory_space<semaphore_mem>> -> memref<!tpu.dma_semaphore, #tpu.memory_space<semaphore_mem>>
    tpu.enqueue_indirect_dma source(%dma_start3A_41 : memref<10000x256xf32, #tpu.memory_space<hbm>>) target(%arg7 : memref<64x256xf32, #tpu.memory_space<vmem>>) offsets(%dma_start3A_38 : memref<64xi32, #tpu.memory_space<vmem>>) semaphore(%dma_start3A_43 : memref<!tpu.dma_semaphore, #tpu.memory_space<semaphore_mem>>)
    %scan3A_44 = arith.constant 0 : i32
    %scan3A_45 = arith.constant 0 : i32
    %scan3A_46 = arith.constant 20 : i32
    %scan3A_47 = arith.addi %scan3A_45, %scan3A_46 : i32
    %scan3A_48 = arith.constant 1 : i32
    scf.for %scan3A_50 = %scan3A_45 to %scan3A_47 step %scan3A_48  : i32 {
      %mul3A = arith.constant 8 : i32
      %mul3A_51 = arith.muli %scan3A_50, %mul3A : i32
      %add3A = arith.constant 0 : i32
      %add3A_52 = arith.addi %mul3A_51, %add3A : i32
      %add3A_53 = arith.constant 2 : i32
      %add3A_54 = arith.addi %add3A_52, %add3A_53 : i32
      %lt3A = arith.constant 160 : i32
      %lt3A_55 = arith.cmpi slt, %add3A_54, %lt3A : i32
      %convert_element_type3A = arith.extui %lt3A_55 : i1 to i32
      %cond3A = arith.constant 0 : i32
      %cond3A_56 = arith.cmpi ne, %convert_element_type3A, %cond3A : i32
      scf.if %cond3A_56 {
        %mul3A_237 = arith.constant 4 : i32
        %mul3A_238 = arith.muli %mul3A_237, %scan3A_50 : i32
        %add3A_239 = arith.constant 1 : i32
        %add3A_240 = arith.addi %mul3A_238, %add3A_239 : i32
        %dma_start3A_241 = arith.constant 0 : i32
        %dma_start3A_242 = arith.constant 0 : i32
        %dma_start3A_243 = tpu.memref_slice %arg5[%add3A_240, %dma_start3A_242] : memref<80x128xi32, #tpu.memory_space<vmem>> -> memref<1x64xi32, #tpu.memory_space<vmem>>
        %dma_start3A_244 = tpu.memref_squeeze %dma_start3A_243 : memref<1x64xi32, #tpu.memory_space<vmem>> -> memref<64xi32, #tpu.memory_space<vmem>>
        %dma_start3A_245 = arith.constant 0 : i32
        %dma_start3A_246 = arith.constant 0 : i32
        %dma_start3A_247 = tpu.memref_slice %arg2[%dma_start3A_245, %dma_start3A_246] : memref<10000x256xf32, #tpu.memory_space<hbm>> -> memref<10000x256xf32, #tpu.memory_space<hbm>>
        %dma_start3A_248 = tpu.memref_slice %arg8[%dma_start3A_241] : memref<2x!tpu.dma_semaphore, #tpu.memory_space<semaphore_mem>> -> memref<1x!tpu.dma_semaphore, #tpu.memory_space<semaphore_mem>>
        %dma_start3A_249 = tpu.memref_squeeze %dma_start3A_248 : memref<1x!tpu.dma_semaphore, #tpu.memory_space<semaphore_mem>> -> memref<!tpu.dma_semaphore, #tpu.memory_space<semaphore_mem>>
        tpu.enqueue_indirect_dma source(%dma_start3A_247 : memref<10000x256xf32, #tpu.memory_space<hbm>>) target(%arg6 : memref<64x256xf32, #tpu.memory_space<vmem>>) offsets(%dma_start3A_244 : memref<64xi32, #tpu.memory_space<vmem>>) semaphore(%dma_start3A_249 : memref<!tpu.dma_semaphore, #tpu.memory_space<semaphore_mem>>)
      } else {
      }
      %mul3A_57 = arith.constant 4 : i32
      %mul3A_58 = arith.muli %mul3A_57, %scan3A_50 : i32
      %add3A_59 = arith.constant 0 : i32
      %add3A_60 = arith.addi %mul3A_58, %add3A_59 : i32
      %dma_wait3A = arith.constant 0 : i32
      %dma_wait3A_61 = arith.constant 0 : i32
      %dma_wait3A_62 = tpu.memref_slice %arg5[%add3A_60, %dma_wait3A_61] : memref<80x128xi32, #tpu.memory_space<vmem>> -> memref<1x64xi32, #tpu.memory_space<vmem>>
      %dma_wait3A_63 = tpu.memref_squeeze %dma_wait3A_62 : memref<1x64xi32, #tpu.memory_space<vmem>> -> memref<64xi32, #tpu.memory_space<vmem>>
      %dma_wait3A_64 = arith.constant 0 : i32
      %dma_wait3A_65 = arith.constant 0 : i32
      %dma_wait3A_66 = tpu.memref_slice %arg2[%dma_wait3A_64, %dma_wait3A_65] : memref<10000x256xf32, #tpu.memory_space<hbm>> -> memref<10000x256xf32, #tpu.memory_space<hbm>>
      %dma_wait3A_67 = tpu.memref_slice %arg8[%dma_wait3A] : memref<2x!tpu.dma_semaphore, #tpu.memory_space<semaphore_mem>> -> memref<1x!tpu.dma_semaphore, #tpu.memory_space<semaphore_mem>>
      %dma_wait3A_68 = tpu.memref_squeeze %dma_wait3A_67 : memref<1x!tpu.dma_semaphore, #tpu.memory_space<semaphore_mem>> -> memref<!tpu.dma_semaphore, #tpu.memory_space<semaphore_mem>>
      tpu.wait_indirect_dma semaphore(%dma_wait3A_68 : memref<!tpu.dma_semaphore, #tpu.memory_space<semaphore_mem>>) src(%dma_wait3A_66 : memref<10000x256xf32, #tpu.memory_space<hbm>>) dst(%arg6 : memref<64x256xf32, #tpu.memory_space<vmem>>)
      %mul3A_69 = arith.constant 8 : i32
      %mul3A_70 = arith.muli %scan3A_50, %mul3A_69 : i32
      %add3A_71 = arith.constant 1 : i32
      %add3A_72 = arith.addi %mul3A_70, %add3A_71 : i32
      %add3A_73 = arith.constant 2 : i32
      %add3A_74 = arith.addi %add3A_72, %add3A_73 : i32
      %lt3A_75 = arith.constant 160 : i32
      %lt3A_76 = arith.cmpi slt, %add3A_74, %lt3A_75 : i32
      %convert_element_type3A_77 = arith.extui %lt3A_76 : i1 to i32
      %cond3A_78 = arith.constant 0 : i32
      %cond3A_79 = arith.cmpi ne, %convert_element_type3A_77, %cond3A_78 : i32
      scf.if %cond3A_79 {
        %mul3A_237 = arith.constant 4 : i32
        %mul3A_238 = arith.muli %mul3A_237, %scan3A_50 : i32
        %add3A_239 = arith.constant 1 : i32
        %add3A_240 = arith.addi %mul3A_238, %add3A_239 : i32
        %dma_start3A_241 = arith.constant 1 : i32
        %dma_start3A_242 = arith.constant 64 : i32
        %dma_start3A_243 = tpu.memref_slice %arg5[%add3A_240, %dma_start3A_242] : memref<80x128xi32, #tpu.memory_space<vmem>> -> memref<1x64xi32, #tpu.memory_space<vmem>>
        %dma_start3A_244 = tpu.memref_squeeze %dma_start3A_243 : memref<1x64xi32, #tpu.memory_space<vmem>> -> memref<64xi32, #tpu.memory_space<vmem>>
        %dma_start3A_245 = arith.constant 0 : i32
        %dma_start3A_246 = arith.constant 0 : i32
        %dma_start3A_247 = tpu.memref_slice %arg2[%dma_start3A_245, %dma_start3A_246] : memref<10000x256xf32, #tpu.memory_space<hbm>> -> memref<10000x256xf32, #tpu.memory_space<hbm>>
        %dma_start3A_248 = tpu.memref_slice %arg8[%dma_start3A_241] : memref<2x!tpu.dma_semaphore, #tpu.memory_space<semaphore_mem>> -> memref<1x!tpu.dma_semaphore, #tpu.memory_space<semaphore_mem>>
        %dma_start3A_249 = tpu.memref_squeeze %dma_start3A_248 : memref<1x!tpu.dma_semaphore, #tpu.memory_space<semaphore_mem>> -> memref<!tpu.dma_semaphore, #tpu.memory_space<semaphore_mem>>
        tpu.enqueue_indirect_dma source(%dma_start3A_247 : memref<10000x256xf32, #tpu.memory_space<hbm>>) target(%arg7 : memref<64x256xf32, #tpu.memory_space<vmem>>) offsets(%dma_start3A_244 : memref<64xi32, #tpu.memory_space<vmem>>) semaphore(%dma_start3A_249 : memref<!tpu.dma_semaphore, #tpu.memory_space<semaphore_mem>>)
      } else {
      }
      %mul3A_80 = arith.constant 4 : i32
      %mul3A_81 = arith.muli %mul3A_80, %scan3A_50 : i32
      %add3A_82 = arith.constant 0 : i32
      %add3A_83 = arith.addi %mul3A_81, %add3A_82 : i32
      %dma_wait3A_84 = arith.constant 1 : i32
      %dma_wait3A_85 = arith.constant 64 : i32
      %dma_wait3A_86 = tpu.memref_slice %arg5[%add3A_83, %dma_wait3A_85] : memref<80x128xi32, #tpu.memory_space<vmem>> -> memref<1x64xi32, #tpu.memory_space<vmem>>
      %dma_wait3A_87 = tpu.memref_squeeze %dma_wait3A_86 : memref<1x64xi32, #tpu.memory_space<vmem>> -> memref<64xi32, #tpu.memory_space<vmem>>
      %dma_wait3A_88 = arith.constant 0 : i32
      %dma_wait3A_89 = arith.constant 0 : i32
      %dma_wait3A_90 = tpu.memref_slice %arg2[%dma_wait3A_88, %dma_wait3A_89] : memref<10000x256xf32, #tpu.memory_space<hbm>> -> memref<10000x256xf32, #tpu.memory_space<hbm>>
      %dma_wait3A_91 = tpu.memref_slice %arg8[%dma_wait3A_84] : memref<2x!tpu.dma_semaphore, #tpu.memory_space<semaphore_mem>> -> memref<1x!tpu.dma_semaphore, #tpu.memory_space<semaphore_mem>>
      %dma_wait3A_92 = tpu.memref_squeeze %dma_wait3A_91 : memref<1x!tpu.dma_semaphore, #tpu.memory_space<semaphore_mem>> -> memref<!tpu.dma_semaphore, #tpu.memory_space<semaphore_mem>>
      tpu.wait_indirect_dma semaphore(%dma_wait3A_92 : memref<!tpu.dma_semaphore, #tpu.memory_space<semaphore_mem>>) src(%dma_wait3A_90 : memref<10000x256xf32, #tpu.memory_space<hbm>>) dst(%arg7 : memref<64x256xf32, #tpu.memory_space<vmem>>)
      %mul3A_93 = arith.constant 8 : i32
      %mul3A_94 = arith.muli %scan3A_50, %mul3A_93 : i32
      %add3A_95 = arith.constant 2 : i32
      %add3A_96 = arith.addi %mul3A_94, %add3A_95 : i32
      %add3A_97 = arith.constant 2 : i32
      %add3A_98 = arith.addi %add3A_96, %add3A_97 : i32
      %lt3A_99 = arith.constant 160 : i32
      %lt3A_100 = arith.cmpi slt, %add3A_98, %lt3A_99 : i32
      %convert_element_type3A_101 = arith.extui %lt3A_100 : i1 to i32
      %cond3A_102 = arith.constant 0 : i32
      %cond3A_103 = arith.cmpi ne, %convert_element_type3A_101, %cond3A_102 : i32
      scf.if %cond3A_103 {
        %mul3A_237 = arith.constant 4 : i32
        %mul3A_238 = arith.muli %mul3A_237, %scan3A_50 : i32
        %add3A_239 = arith.constant 2 : i32
        %add3A_240 = arith.addi %mul3A_238, %add3A_239 : i32
        %dma_start3A_241 = arith.constant 0 : i32
        %dma_start3A_242 = arith.constant 0 : i32
        %dma_start3A_243 = tpu.memref_slice %arg5[%add3A_240, %dma_start3A_242] : memref<80x128xi32, #tpu.memory_space<vmem>> -> memref<1x64xi32, #tpu.memory_space<vmem>>
        %dma_start3A_244 = tpu.memref_squeeze %dma_start3A_243 : memref<1x64xi32, #tpu.memory_space<vmem>> -> memref<64xi32, #tpu.memory_space<vmem>>
        %dma_start3A_245 = arith.constant 0 : i32
        %dma_start3A_246 = arith.constant 0 : i32
        %dma_start3A_247 = tpu.memref_slice %arg2[%dma_start3A_245, %dma_start3A_246] : memref<10000x256xf32, #tpu.memory_space<hbm>> -> memref<10000x256xf32, #tpu.memory_space<hbm>>
        %dma_start3A_248 = tpu.memref_slice %arg8[%dma_start3A_241] : memref<2x!tpu.dma_semaphore, #tpu.memory_space<semaphore_mem>> -> memref<1x!tpu.dma_semaphore, #tpu.memory_space<semaphore_mem>>
        %dma_start3A_249 = tpu.memref_squeeze %dma_start3A_248 : memref<1x!tpu.dma_semaphore, #tpu.memory_space<semaphore_mem>> -> memref<!tpu.dma_semaphore, #tpu.memory_space<semaphore_mem>>
        tpu.enqueue_indirect_dma source(%dma_start3A_247 : memref<10000x256xf32, #tpu.memory_space<hbm>>) target(%arg6 : memref<64x256xf32, #tpu.memory_space<vmem>>) offsets(%dma_start3A_244 : memref<64xi32, #tpu.memory_space<vmem>>) semaphore(%dma_start3A_249 : memref<!tpu.dma_semaphore, #tpu.memory_space<semaphore_mem>>)
      } else {
      }
      %mul3A_104 = arith.constant 4 : i32
      %mul3A_105 = arith.muli %mul3A_104, %scan3A_50 : i32
      %add3A_106 = arith.constant 1 : i32
      %add3A_107 = arith.addi %mul3A_105, %add3A_106 : i32
      %dma_wait3A_108 = arith.constant 0 : i32
      %dma_wait3A_109 = arith.constant 0 : i32
      %dma_wait3A_110 = tpu.memref_slice %arg5[%add3A_107, %dma_wait3A_109] : memref<80x128xi32, #tpu.memory_space<vmem>> -> memref<1x64xi32, #tpu.memory_space<vmem>>
      %dma_wait3A_111 = tpu.memref_squeeze %dma_wait3A_110 : memref<1x64xi32, #tpu.memory_space<vmem>> -> memref<64xi32, #tpu.memory_space<vmem>>
      %dma_wait3A_112 = arith.constant 0 : i32
      %dma_wait3A_113 = arith.constant 0 : i32
      %dma_wait3A_114 = tpu.memref_slice %arg2[%dma_wait3A_112, %dma_wait3A_113] : memref<10000x256xf32, #tpu.memory_space<hbm>> -> memref<10000x256xf32, #tpu.memory_space<hbm>>
      %dma_wait3A_115 = tpu.memref_slice %arg8[%dma_wait3A_108] : memref<2x!tpu.dma_semaphore, #tpu.memory_space<semaphore_mem>> -> memref<1x!tpu.dma_semaphore, #tpu.memory_space<semaphore_mem>>
      %dma_wait3A_116 = tpu.memref_squeeze %dma_wait3A_115 : memref<1x!tpu.dma_semaphore, #tpu.memory_space<semaphore_mem>> -> memref<!tpu.dma_semaphore, #tpu.memory_space<semaphore_mem>>
      tpu.wait_indirect_dma semaphore(%dma_wait3A_116 : memref<!tpu.dma_semaphore, #tpu.memory_space<semaphore_mem>>) src(%dma_wait3A_114 : memref<10000x256xf32, #tpu.memory_space<hbm>>) dst(%arg6 : memref<64x256xf32, #tpu.memory_space<vmem>>)
      %mul3A_117 = arith.constant 8 : i32
      %mul3A_118 = arith.muli %scan3A_50, %mul3A_117 : i32
      %add3A_119 = arith.constant 3 : i32
      %add3A_120 = arith.addi %mul3A_118, %add3A_119 : i32
      %add3A_121 = arith.constant 2 : i32
      %add3A_122 = arith.addi %add3A_120, %add3A_121 : i32
      %lt3A_123 = arith.constant 160 : i32
      %lt3A_124 = arith.cmpi slt, %add3A_122, %lt3A_123 : i32
      %convert_element_type3A_125 = arith.extui %lt3A_124 : i1 to i32
      %cond3A_126 = arith.constant 0 : i32
      %cond3A_127 = arith.cmpi ne, %convert_element_type3A_125, %cond3A_126 : i32
      scf.if %cond3A_127 {
        %mul3A_237 = arith.constant 4 : i32
        %mul3A_238 = arith.muli %mul3A_237, %scan3A_50 : i32
        %add3A_239 = arith.constant 2 : i32
        %add3A_240 = arith.addi %mul3A_238, %add3A_239 : i32
        %dma_start3A_241 = arith.constant 1 : i32
        %dma_start3A_242 = arith.constant 64 : i32
        %dma_start3A_243 = tpu.memref_slice %arg5[%add3A_240, %dma_start3A_242] : memref<80x128xi32, #tpu.memory_space<vmem>> -> memref<1x64xi32, #tpu.memory_space<vmem>>
        %dma_start3A_244 = tpu.memref_squeeze %dma_start3A_243 : memref<1x64xi32, #tpu.memory_space<vmem>> -> memref<64xi32, #tpu.memory_space<vmem>>
        %dma_start3A_245 = arith.constant 0 : i32
        %dma_start3A_246 = arith.constant 0 : i32
        %dma_start3A_247 = tpu.memref_slice %arg2[%dma_start3A_245, %dma_start3A_246] : memref<10000x256xf32, #tpu.memory_space<hbm>> -> memref<10000x256xf32, #tpu.memory_space<hbm>>
        %dma_start3A_248 = tpu.memref_slice %arg8[%dma_start3A_241] : memref<2x!tpu.dma_semaphore, #tpu.memory_space<semaphore_mem>> -> memref<1x!tpu.dma_semaphore, #tpu.memory_space<semaphore_mem>>
        %dma_start3A_249 = tpu.memref_squeeze %dma_start3A_248 : memref<1x!tpu.dma_semaphore, #tpu.memory_space<semaphore_mem>> -> memref<!tpu.dma_semaphore, #tpu.memory_space<semaphore_mem>>
        tpu.enqueue_indirect_dma source(%dma_start3A_247 : memref<10000x256xf32, #tpu.memory_space<hbm>>) target(%arg7 : memref<64x256xf32, #tpu.memory_space<vmem>>) offsets(%dma_start3A_244 : memref<64xi32, #tpu.memory_space<vmem>>) semaphore(%dma_start3A_249 : memref<!tpu.dma_semaphore, #tpu.memory_space<semaphore_mem>>)
      } else {
      }
      %mul3A_128 = arith.constant 4 : i32
      %mul3A_129 = arith.muli %mul3A_128, %scan3A_50 : i32
      %add3A_130 = arith.constant 1 : i32
      %add3A_131 = arith.addi %mul3A_129, %add3A_130 : i32
      %dma_wait3A_132 = arith.constant 1 : i32
      %dma_wait3A_133 = arith.constant 64 : i32
      %dma_wait3A_134 = tpu.memref_slice %arg5[%add3A_131, %dma_wait3A_133] : memref<80x128xi32, #tpu.memory_space<vmem>> -> memref<1x64xi32, #tpu.memory_space<vmem>>
      %dma_wait3A_135 = tpu.memref_squeeze %dma_wait3A_134 : memref<1x64xi32, #tpu.memory_space<vmem>> -> memref<64xi32, #tpu.memory_space<vmem>>
      %dma_wait3A_136 = arith.constant 0 : i32
      %dma_wait3A_137 = arith.constant 0 : i32
      %dma_wait3A_138 = tpu.memref_slice %arg2[%dma_wait3A_136, %dma_wait3A_137] : memref<10000x256xf32, #tpu.memory_space<hbm>> -> memref<10000x256xf32, #tpu.memory_space<hbm>>
      %dma_wait3A_139 = tpu.memref_slice %arg8[%dma_wait3A_132] : memref<2x!tpu.dma_semaphore, #tpu.memory_space<semaphore_mem>> -> memref<1x!tpu.dma_semaphore, #tpu.memory_space<semaphore_mem>>
      %dma_wait3A_140 = tpu.memref_squeeze %dma_wait3A_139 : memref<1x!tpu.dma_semaphore, #tpu.memory_space<semaphore_mem>> -> memref<!tpu.dma_semaphore, #tpu.memory_space<semaphore_mem>>
      tpu.wait_indirect_dma semaphore(%dma_wait3A_140 : memref<!tpu.dma_semaphore, #tpu.memory_space<semaphore_mem>>) src(%dma_wait3A_138 : memref<10000x256xf32, #tpu.memory_space<hbm>>) dst(%arg7 : memref<64x256xf32, #tpu.memory_space<vmem>>)
      %mul3A_141 = arith.constant 8 : i32
      %mul3A_142 = arith.muli %scan3A_50, %mul3A_141 : i32
      %add3A_143 = arith.constant 4 : i32
      %add3A_144 = arith.addi %mul3A_142, %add3A_143 : i32
      %add3A_145 = arith.constant 2 : i32
      %add3A_146 = arith.addi %add3A_144, %add3A_145 : i32
      %lt3A_147 = arith.constant 160 : i32
      %lt3A_148 = arith.cmpi slt, %add3A_146, %lt3A_147 : i32
      %convert_element_type3A_149 = arith.extui %lt3A_148 : i1 to i32
      %cond3A_150 = arith.constant 0 : i32
      %cond3A_151 = arith.cmpi ne, %convert_element_type3A_149, %cond3A_150 : i32
      scf.if %cond3A_151 {
        %mul3A_237 = arith.constant 4 : i32
        %mul3A_238 = arith.muli %mul3A_237, %scan3A_50 : i32
        %add3A_239 = arith.constant 3 : i32
        %add3A_240 = arith.addi %mul3A_238, %add3A_239 : i32
        %dma_start3A_241 = arith.constant 0 : i32
        %dma_start3A_242 = arith.constant 0 : i32
        %dma_start3A_243 = tpu.memref_slice %arg5[%add3A_240, %dma_start3A_242] : memref<80x128xi32, #tpu.memory_space<vmem>> -> memref<1x64xi32, #tpu.memory_space<vmem>>
        %dma_start3A_244 = tpu.memref_squeeze %dma_start3A_243 : memref<1x64xi32, #tpu.memory_space<vmem>> -> memref<64xi32, #tpu.memory_space<vmem>>
        %dma_start3A_245 = arith.constant 0 : i32
        %dma_start3A_246 = arith.constant 0 : i32
        %dma_start3A_247 = tpu.memref_slice %arg2[%dma_start3A_245, %dma_start3A_246] : memref<10000x256xf32, #tpu.memory_space<hbm>> -> memref<10000x256xf32, #tpu.memory_space<hbm>>
        %dma_start3A_248 = tpu.memref_slice %arg8[%dma_start3A_241] : memref<2x!tpu.dma_semaphore, #tpu.memory_space<semaphore_mem>> -> memref<1x!tpu.dma_semaphore, #tpu.memory_space<semaphore_mem>>
        %dma_start3A_249 = tpu.memref_squeeze %dma_start3A_248 : memref<1x!tpu.dma_semaphore, #tpu.memory_space<semaphore_mem>> -> memref<!tpu.dma_semaphore, #tpu.memory_space<semaphore_mem>>
        tpu.enqueue_indirect_dma source(%dma_start3A_247 : memref<10000x256xf32, #tpu.memory_space<hbm>>) target(%arg6 : memref<64x256xf32, #tpu.memory_space<vmem>>) offsets(%dma_start3A_244 : memref<64xi32, #tpu.memory_space<vmem>>) semaphore(%dma_start3A_249 : memref<!tpu.dma_semaphore, #tpu.memory_space<semaphore_mem>>)
      } else {
      }
      %mul3A_152 = arith.constant 4 : i32
      %mul3A_153 = arith.muli %mul3A_152, %scan3A_50 : i32
      %add3A_154 = arith.constant 2 : i32
      %add3A_155 = arith.addi %mul3A_153, %add3A_154 : i32
      %dma_wait3A_156 = arith.constant 0 : i32
      %dma_wait3A_157 = arith.constant 0 : i32
      %dma_wait3A_158 = tpu.memref_slice %arg5[%add3A_155, %dma_wait3A_157] : memref<80x128xi32, #tpu.memory_space<vmem>> -> memref<1x64xi32, #tpu.memory_space<vmem>>
      %dma_wait3A_159 = tpu.memref_squeeze %dma_wait3A_158 : memref<1x64xi32, #tpu.memory_space<vmem>> -> memref<64xi32, #tpu.memory_space<vmem>>
      %dma_wait3A_160 = arith.constant 0 : i32
      %dma_wait3A_161 = arith.constant 0 : i32
      %dma_wait3A_162 = tpu.memref_slice %arg2[%dma_wait3A_160, %dma_wait3A_161] : memref<10000x256xf32, #tpu.memory_space<hbm>> -> memref<10000x256xf32, #tpu.memory_space<hbm>>
      %dma_wait3A_163 = tpu.memref_slice %arg8[%dma_wait3A_156] : memref<2x!tpu.dma_semaphore, #tpu.memory_space<semaphore_mem>> -> memref<1x!tpu.dma_semaphore, #tpu.memory_space<semaphore_mem>>
      %dma_wait3A_164 = tpu.memref_squeeze %dma_wait3A_163 : memref<1x!tpu.dma_semaphore, #tpu.memory_space<semaphore_mem>> -> memref<!tpu.dma_semaphore, #tpu.memory_space<semaphore_mem>>
      tpu.wait_indirect_dma semaphore(%dma_wait3A_164 : memref<!tpu.dma_semaphore, #tpu.memory_space<semaphore_mem>>) src(%dma_wait3A_162 : memref<10000x256xf32, #tpu.memory_space<hbm>>) dst(%arg6 : memref<64x256xf32, #tpu.memory_space<vmem>>)
      %mul3A_165 = arith.constant 8 : i32
      %mul3A_166 = arith.muli %scan3A_50, %mul3A_165 : i32
      %add3A_167 = arith.constant 5 : i32
      %add3A_168 = arith.addi %mul3A_166, %add3A_167 : i32
      %add3A_169 = arith.constant 2 : i32
      %add3A_170 = arith.addi %add3A_168, %add3A_169 : i32
      %lt3A_171 = arith.constant 160 : i32
      %lt3A_172 = arith.cmpi slt, %add3A_170, %lt3A_171 : i32
      %convert_element_type3A_173 = arith.extui %lt3A_172 : i1 to i32
      %cond3A_174 = arith.constant 0 : i32
      %cond3A_175 = arith.cmpi ne, %convert_element_type3A_173, %cond3A_174 : i32
      scf.if %cond3A_175 {
        %mul3A_237 = arith.constant 4 : i32
        %mul3A_238 = arith.muli %mul3A_237, %scan3A_50 : i32
        %add3A_239 = arith.constant 3 : i32
        %add3A_240 = arith.addi %mul3A_238, %add3A_239 : i32
        %dma_start3A_241 = arith.constant 1 : i32
        %dma_start3A_242 = arith.constant 64 : i32
        %dma_start3A_243 = tpu.memref_slice %arg5[%add3A_240, %dma_start3A_242] : memref<80x128xi32, #tpu.memory_space<vmem>> -> memref<1x64xi32, #tpu.memory_space<vmem>>
        %dma_start3A_244 = tpu.memref_squeeze %dma_start3A_243 : memref<1x64xi32, #tpu.memory_space<vmem>> -> memref<64xi32, #tpu.memory_space<vmem>>
        %dma_start3A_245 = arith.constant 0 : i32
        %dma_start3A_246 = arith.constant 0 : i32
        %dma_start3A_247 = tpu.memref_slice %arg2[%dma_start3A_245, %dma_start3A_246] : memref<10000x256xf32, #tpu.memory_space<hbm>> -> memref<10000x256xf32, #tpu.memory_space<hbm>>
        %dma_start3A_248 = tpu.memref_slice %arg8[%dma_start3A_241] : memref<2x!tpu.dma_semaphore, #tpu.memory_space<semaphore_mem>> -> memref<1x!tpu.dma_semaphore, #tpu.memory_space<semaphore_mem>>
        %dma_start3A_249 = tpu.memref_squeeze %dma_start3A_248 : memref<1x!tpu.dma_semaphore, #tpu.memory_space<semaphore_mem>> -> memref<!tpu.dma_semaphore, #tpu.memory_space<semaphore_mem>>
        tpu.enqueue_indirect_dma source(%dma_start3A_247 : memref<10000x256xf32, #tpu.memory_space<hbm>>) target(%arg7 : memref<64x256xf32, #tpu.memory_space<vmem>>) offsets(%dma_start3A_244 : memref<64xi32, #tpu.memory_space<vmem>>) semaphore(%dma_start3A_249 : memref<!tpu.dma_semaphore, #tpu.memory_space<semaphore_mem>>)
      } else {
      }
      %mul3A_176 = arith.constant 4 : i32
      %mul3A_177 = arith.muli %mul3A_176, %scan3A_50 : i32
      %add3A_178 = arith.constant 2 : i32
      %add3A_179 = arith.addi %mul3A_177, %add3A_178 : i32
      %dma_wait3A_180 = arith.constant 1 : i32
      %dma_wait3A_181 = arith.constant 64 : i32
      %dma_wait3A_182 = tpu.memref_slice %arg5[%add3A_179, %dma_wait3A_181] : memref<80x128xi32, #tpu.memory_space<vmem>> -> memref<1x64xi32, #tpu.memory_space<vmem>>
      %dma_wait3A_183 = tpu.memref_squeeze %dma_wait3A_182 : memref<1x64xi32, #tpu.memory_space<vmem>> -> memref<64xi32, #tpu.memory_space<vmem>>
      %dma_wait3A_184 = arith.constant 0 : i32
      %dma_wait3A_185 = arith.constant 0 : i32
      %dma_wait3A_186 = tpu.memref_slice %arg2[%dma_wait3A_184, %dma_wait3A_185] : memref<10000x256xf32, #tpu.memory_space<hbm>> -> memref<10000x256xf32, #tpu.memory_space<hbm>>
      %dma_wait3A_187 = tpu.memref_slice %arg8[%dma_wait3A_180] : memref<2x!tpu.dma_semaphore, #tpu.memory_space<semaphore_mem>> -> memref<1x!tpu.dma_semaphore, #tpu.memory_space<semaphore_mem>>
      %dma_wait3A_188 = tpu.memref_squeeze %dma_wait3A_187 : memref<1x!tpu.dma_semaphore, #tpu.memory_space<semaphore_mem>> -> memref<!tpu.dma_semaphore, #tpu.memory_space<semaphore_mem>>
      tpu.wait_indirect_dma semaphore(%dma_wait3A_188 : memref<!tpu.dma_semaphore, #tpu.memory_space<semaphore_mem>>) src(%dma_wait3A_186 : memref<10000x256xf32, #tpu.memory_space<hbm>>) dst(%arg7 : memref<64x256xf32, #tpu.memory_space<vmem>>)
      %mul3A_189 = arith.constant 8 : i32
      %mul3A_190 = arith.muli %scan3A_50, %mul3A_189 : i32
      %add3A_191 = arith.constant 6 : i32
      %add3A_192 = arith.addi %mul3A_190, %add3A_191 : i32
      %add3A_193 = arith.constant 2 : i32
      %add3A_194 = arith.addi %add3A_192, %add3A_193 : i32
      %lt3A_195 = arith.constant 160 : i32
      %lt3A_196 = arith.cmpi slt, %add3A_194, %lt3A_195 : i32
      %convert_element_type3A_197 = arith.extui %lt3A_196 : i1 to i32
      %cond3A_198 = arith.constant 0 : i32
      %cond3A_199 = arith.cmpi ne, %convert_element_type3A_197, %cond3A_198 : i32
      scf.if %cond3A_199 {
        %mul3A_237 = arith.constant 4 : i32
        %mul3A_238 = arith.muli %mul3A_237, %scan3A_50 : i32
        %add3A_239 = arith.constant 4 : i32
        %add3A_240 = arith.addi %mul3A_238, %add3A_239 : i32
        %dma_start3A_241 = arith.constant 0 : i32
        %dma_start3A_242 = arith.constant 0 : i32
        %dma_start3A_243 = tpu.memref_slice %arg5[%add3A_240, %dma_start3A_242] : memref<80x128xi32, #tpu.memory_space<vmem>> -> memref<1x64xi32, #tpu.memory_space<vmem>>
        %dma_start3A_244 = tpu.memref_squeeze %dma_start3A_243 : memref<1x64xi32, #tpu.memory_space<vmem>> -> memref<64xi32, #tpu.memory_space<vmem>>
        %dma_start3A_245 = arith.constant 0 : i32
        %dma_start3A_246 = arith.constant 0 : i32
        %dma_start3A_247 = tpu.memref_slice %arg2[%dma_start3A_245, %dma_start3A_246] : memref<10000x256xf32, #tpu.memory_space<hbm>> -> memref<10000x256xf32, #tpu.memory_space<hbm>>
        %dma_start3A_248 = tpu.memref_slice %arg8[%dma_start3A_241] : memref<2x!tpu.dma_semaphore, #tpu.memory_space<semaphore_mem>> -> memref<1x!tpu.dma_semaphore, #tpu.memory_space<semaphore_mem>>
        %dma_start3A_249 = tpu.memref_squeeze %dma_start3A_248 : memref<1x!tpu.dma_semaphore, #tpu.memory_space<semaphore_mem>> -> memref<!tpu.dma_semaphore, #tpu.memory_space<semaphore_mem>>
        tpu.enqueue_indirect_dma source(%dma_start3A_247 : memref<10000x256xf32, #tpu.memory_space<hbm>>) target(%arg6 : memref<64x256xf32, #tpu.memory_space<vmem>>) offsets(%dma_start3A_244 : memref<64xi32, #tpu.memory_space<vmem>>) semaphore(%dma_start3A_249 : memref<!tpu.dma_semaphore, #tpu.memory_space<semaphore_mem>>)
      } else {
      }
      %mul3A_200 = arith.constant 4 : i32
      %mul3A_201 = arith.muli %mul3A_200, %scan3A_50 : i32
      %add3A_202 = arith.constant 3 : i32
      %add3A_203 = arith.addi %mul3A_201, %add3A_202 : i32
      %dma_wait3A_204 = arith.constant 0 : i32
      %dma_wait3A_205 = arith.constant 0 : i32
      %dma_wait3A_206 = tpu.memref_slice %arg5[%add3A_203, %dma_wait3A_205] : memref<80x128xi32, #tpu.memory_space<vmem>> -> memref<1x64xi32, #tpu.memory_space<vmem>>
      %dma_wait3A_207 = tpu.memref_squeeze %dma_wait3A_206 : memref<1x64xi32, #tpu.memory_space<vmem>> -> memref<64xi32, #tpu.memory_space<vmem>>
      %dma_wait3A_208 = arith.constant 0 : i32
      %dma_wait3A_209 = arith.constant 0 : i32
      %dma_wait3A_210 = tpu.memref_slice %arg2[%dma_wait3A_208, %dma_wait3A_209] : memref<10000x256xf32, #tpu.memory_space<hbm>> -> memref<10000x256xf32, #tpu.memory_space<hbm>>
      %dma_wait3A_211 = tpu.memref_slice %arg8[%dma_wait3A_204] : memref<2x!tpu.dma_semaphore, #tpu.memory_space<semaphore_mem>> -> memref<1x!tpu.dma_semaphore, #tpu.memory_space<semaphore_mem>>
      %dma_wait3A_212 = tpu.memref_squeeze %dma_wait3A_211 : memref<1x!tpu.dma_semaphore, #tpu.memory_space<semaphore_mem>> -> memref<!tpu.dma_semaphore, #tpu.memory_space<semaphore_mem>>
      tpu.wait_indirect_dma semaphore(%dma_wait3A_212 : memref<!tpu.dma_semaphore, #tpu.memory_space<semaphore_mem>>) src(%dma_wait3A_210 : memref<10000x256xf32, #tpu.memory_space<hbm>>) dst(%arg6 : memref<64x256xf32, #tpu.memory_space<vmem>>)
      %mul3A_213 = arith.constant 8 : i32
      %mul3A_214 = arith.muli %scan3A_50, %mul3A_213 : i32
      %add3A_215 = arith.constant 7 : i32
      %add3A_216 = arith.addi %mul3A_214, %add3A_215 : i32
      %add3A_217 = arith.constant 2 : i32
      %add3A_218 = arith.addi %add3A_216, %add3A_217 : i32
      %lt3A_219 = arith.constant 160 : i32
      %lt3A_220 = arith.cmpi slt, %add3A_218, %lt3A_219 : i32
      %convert_element_type3A_221 = arith.extui %lt3A_220 : i1 to i32
      %cond3A_222 = arith.constant 0 : i32
      %cond3A_223 = arith.cmpi ne, %convert_element_type3A_221, %cond3A_222 : i32
      scf.if %cond3A_223 {
        %mul3A_237 = arith.constant 4 : i32
        %mul3A_238 = arith.muli %mul3A_237, %scan3A_50 : i32
        %add3A_239 = arith.constant 4 : i32
        %add3A_240 = arith.addi %mul3A_238, %add3A_239 : i32
        %dma_start3A_241 = arith.constant 1 : i32
        %dma_start3A_242 = arith.constant 64 : i32
        %dma_start3A_243 = tpu.memref_slice %arg5[%add3A_240, %dma_start3A_242] : memref<80x128xi32, #tpu.memory_space<vmem>> -> memref<1x64xi32, #tpu.memory_space<vmem>>
        %dma_start3A_244 = tpu.memref_squeeze %dma_start3A_243 : memref<1x64xi32, #tpu.memory_space<vmem>> -> memref<64xi32, #tpu.memory_space<vmem>>
        %dma_start3A_245 = arith.constant 0 : i32
        %dma_start3A_246 = arith.constant 0 : i32
        %dma_start3A_247 = tpu.memref_slice %arg2[%dma_start3A_245, %dma_start3A_246] : memref<10000x256xf32, #tpu.memory_space<hbm>> -> memref<10000x256xf32, #tpu.memory_space<hbm>>
        %dma_start3A_248 = tpu.memref_slice %arg8[%dma_start3A_241] : memref<2x!tpu.dma_semaphore, #tpu.memory_space<semaphore_mem>> -> memref<1x!tpu.dma_semaphore, #tpu.memory_space<semaphore_mem>>
        %dma_start3A_249 = tpu.memref_squeeze %dma_start3A_248 : memref<1x!tpu.dma_semaphore, #tpu.memory_space<semaphore_mem>> -> memref<!tpu.dma_semaphore, #tpu.memory_space<semaphore_mem>>
        tpu.enqueue_indirect_dma source(%dma_start3A_247 : memref<10000x256xf32, #tpu.memory_space<hbm>>) target(%arg7 : memref<64x256xf32, #tpu.memory_space<vmem>>) offsets(%dma_start3A_244 : memref<64xi32, #tpu.memory_space<vmem>>) semaphore(%dma_start3A_249 : memref<!tpu.dma_semaphore, #tpu.memory_space<semaphore_mem>>)
      } else {
      }
      %mul3A_224 = arith.constant 4 : i32
      %mul3A_225 = arith.muli %mul3A_224, %scan3A_50 : i32
      %add3A_226 = arith.constant 3 : i32
      %add3A_227 = arith.addi %mul3A_225, %add3A_226 : i32
      %dma_wait3A_228 = arith.constant 1 : i32
      %dma_wait3A_229 = arith.constant 64 : i32
      %dma_wait3A_230 = tpu.memref_slice %arg5[%add3A_227, %dma_wait3A_229] : memref<80x128xi32, #tpu.memory_space<vmem>> -> memref<1x64xi32, #tpu.memory_space<vmem>>
      %dma_wait3A_231 = tpu.memref_squeeze %dma_wait3A_230 : memref<1x64xi32, #tpu.memory_space<vmem>> -> memref<64xi32, #tpu.memory_space<vmem>>
      %dma_wait3A_232 = arith.constant 0 : i32
      %dma_wait3A_233 = arith.constant 0 : i32
      %dma_wait3A_234 = tpu.memref_slice %arg2[%dma_wait3A_232, %dma_wait3A_233] : memref<10000x256xf32, #tpu.memory_space<hbm>> -> memref<10000x256xf32, #tpu.memory_space<hbm>>
      %dma_wait3A_235 = tpu.memref_slice %arg8[%dma_wait3A_228] : memref<2x!tpu.dma_semaphore, #tpu.memory_space<semaphore_mem>> -> memref<1x!tpu.dma_semaphore, #tpu.memory_space<semaphore_mem>>
      %dma_wait3A_236 = tpu.memref_squeeze %dma_wait3A_235 : memref<1x!tpu.dma_semaphore, #tpu.memory_space<semaphore_mem>> -> memref<!tpu.dma_semaphore, #tpu.memory_space<semaphore_mem>>
      tpu.wait_indirect_dma semaphore(%dma_wait3A_236 : memref<!tpu.dma_semaphore, #tpu.memory_space<semaphore_mem>>) src(%dma_wait3A_234 : memref<10000x256xf32, #tpu.memory_space<hbm>>) dst(%arg7 : memref<64x256xf32, #tpu.memory_space<vmem>>)
    }
    %scan3A_49 = arith.constant 20 : i32
    "tpu.region"() ({
      %run_scoped3A = tpu.sem_alloc : memref<!tpu.dma_semaphore, #tpu.memory_space<semaphore_mem>>
      %dma_start3A_50 = arith.constant 0 : i32
      %dma_start3A_51 = arith.constant 0 : i32
      %dma_start3A_52 = tpu.memref_slice %arg4[%arg1, %dma_start3A_50, %dma_start3A_51] : memref<16x64x256xf32, #tpu.memory_space<hbm>> -> memref<1x64x256xf32, #tpu.memory_space<hbm>>
      %dma_start3A_53 = tpu.memref_squeeze %dma_start3A_52 : memref<1x64x256xf32, #tpu.memory_space<hbm>> -> memref<64x256xf32, #tpu.memory_space<hbm>>
      %dma_start3A_54 = arith.constant 0 : i32
      %dma_start3A_55 = arith.constant 0 : i32
      %dma_start3A_56 = tpu.memref_slice %arg4[%arg1, %dma_start3A_54, %dma_start3A_55] : memref<16x64x256xf32, #tpu.memory_space<hbm>> -> memref<1x64x256xf32, #tpu.memory_space<hbm>>
      %dma_start3A_57 = tpu.memref_squeeze %dma_start3A_56 : memref<1x64x256xf32, #tpu.memory_space<hbm>> -> memref<64x256xf32, #tpu.memory_space<hbm>>
      tpu.enqueue_dma source(%arg6 : memref<64x256xf32, #tpu.memory_space<vmem>>) target(%dma_start3A_57 : memref<64x256xf32, #tpu.memory_space<hbm>>) target_semaphore(%run_scoped3A : memref<!tpu.dma_semaphore, #tpu.memory_space<semaphore_mem>>)
      %dma_wait3A = arith.constant 0 : i32
      %dma_wait3A_58 = arith.constant 0 : i32
      %dma_wait3A_59 = tpu.memref_slice %arg4[%arg1, %dma_wait3A, %dma_wait3A_58] : memref<16x64x256xf32, #tpu.memory_space<hbm>> -> memref<1x64x256xf32, #tpu.memory_space<hbm>>
      %dma_wait3A_60 = tpu.memref_squeeze %dma_wait3A_59 : memref<1x64x256xf32, #tpu.memory_space<hbm>> -> memref<64x256xf32, #tpu.memory_space<hbm>>
      %dma_wait3A_61 = arith.constant 0 : i32
      %dma_wait3A_62 = arith.constant 0 : i32
      %dma_wait3A_63 = tpu.memref_slice %arg4[%arg1, %dma_wait3A_61, %dma_wait3A_62] : memref<16x64x256xf32, #tpu.memory_space<hbm>> -> memref<1x64x256xf32, #tpu.memory_space<hbm>>
      %dma_wait3A_64 = tpu.memref_squeeze %dma_wait3A_63 : memref<1x64x256xf32, #tpu.memory_space<hbm>> -> memref<64x256xf32, #tpu.memory_space<hbm>>
      tpu.wait_dma2 semaphore(%run_scoped3A : memref<!tpu.dma_semaphore, #tpu.memory_space<semaphore_mem>>) src(%arg6 : memref<64x256xf32, #tpu.memory_space<vmem>>) dst(%dma_wait3A_64 : memref<64x256xf32, #tpu.memory_space<hbm>>)
      tpu.yield
    }) : () -> ()
    return
  }
}

module attributes {stable_mosaic.version = 14 : i64} {
  func.func @_dis_body(%arg0: memref<32x10240xf32, #tpu.memory_space<vmem>>, %arg1: memref<10000x128xf32, #tpu.memory_space<vmem>>) attributes {dimension_semantics = [], scalar_prefetch = 0 : i64, scratch_operands = 0 : i64, tpu.core_type = #tpu.core_type<tc>} {
    %get3A = arith.constant 0 : index
    %get3A_0 = arith.constant 0 : index
    %get3A_1 = vector.load %arg0[%get3A, %get3A_0] : memref<32x10240xf32, #tpu.memory_space<vmem>>, vector<32x10240xf32>
    %reduce_sum3A = arith.constant dense<0.000000e+00> : vector<10240xf32>
    %reduce_sum3A_2 = vector.multi_reduction <add>, %get3A_1, %reduce_sum3A [0] : vector<32x10240xf32> to vector<10240xf32>
    %broadcast_in_dim3A = vector.shape_cast %reduce_sum3A_2 : vector<10240xf32> to vector<1x10240xf32>
    %add3A = arith.constant 1.000000e+00 : f32
    %add3A_3 = vector.broadcast %add3A : f32 to vector<1x10240xf32>
    %add3A_4 = arith.addf %broadcast_in_dim3A, %add3A_3 : vector<1x10240xf32>
    %rsqrt3A = math.rsqrt %add3A_4 : vector<1x10240xf32>
    %transpose3A = tpu.transpose %rsqrt3A, [1, 0] : vector<1x10240xf32> -> vector<10240x1xf32>
    %slice3A = vector.extract_strided_slice %transpose3A {offsets = [0, 0], sizes = [10000, 1], strides = [1, 1]} : vector<10240x1xf32> to vector<10000x1xf32>
    %broadcast_in_dim3A_5 = vector.shape_cast %slice3A : vector<10000x1xf32> to vector<10000x1xf32>
    %broadcast_in_dim3A_6 = vector.broadcast %broadcast_in_dim3A_5 : vector<10000x1xf32> to vector<10000x128xf32>
    %swap3A = arith.constant 0 : index
    %swap3A_7 = arith.constant 0 : index
    %swap3A_8 = vector.load %arg1[%swap3A, %swap3A_7] : memref<10000x128xf32, #tpu.memory_space<vmem>>, vector<10000x128xf32>
    tpu.vector_store %arg1[%swap3A, %swap3A_7], %broadcast_in_dim3A_6 {strides = array<i32>} : memref<10000x128xf32, #tpu.memory_space<vmem>>, vector<10000x128xf32>,
    return
  }
}

module attributes {stable_mosaic.version = 14 : i64} {
  func.func @_mm1_body(%arg0: i32, %arg1: memref<400x256xf32, #tpu.memory_space<vmem>>, %arg2: memref<256x512xf32, #tpu.memory_space<vmem>>, %arg3: memref<400x128xf32, #tpu.memory_space<vmem>>, %arg4: memref<4x400x128xf32, #tpu.memory_space<vmem>>) attributes {dimension_semantics = [#tpu.dimension_semantics<arbitrary>], iteration_bounds = array<i64: 25>, scalar_prefetch = 0 : i64, scratch_operands = 0 : i64, tpu.core_type = #tpu.core_type<tc>, window_params = [{transform_indices = @transform_0, window_bounds = array<i64: 400, 256>}, {pipeline_mode = #tpu.pipeline_mode<synchronous>, transform_indices = @transform_1, window_bounds = array<i64: 256, 512>}, {transform_indices = @transform_2, window_bounds = array<i64: 400, 128>}, {transform_indices = @transform_3, window_bounds = array<i64: 4, 400, 128>}]} {
    %get3A = arith.constant 0 : index
    %get3A_0 = arith.constant 0 : index
    %get3A_1 = vector.load %arg1[%get3A, %get3A_0] : memref<400x256xf32, #tpu.memory_space<vmem>>, vector<400x256xf32>
    %get3A_2 = arith.constant 0 : index
    %get3A_3 = arith.constant 0 : index
    %get3A_4 = vector.load %arg2[%get3A_2, %get3A_3] : memref<256x512xf32, #tpu.memory_space<vmem>>, vector<256x512xf32>
    %get3A_5 = arith.constant 0 : index
    %get3A_6 = arith.constant 0 : index
    %get3A_7 = vector.load %arg3[%get3A_5, %get3A_6] : memref<400x128xf32, #tpu.memory_space<vmem>>, vector<400x128xf32>
    %slice3A = vector.extract_strided_slice %get3A_4 {offsets = [0, 0], sizes = [256, 128], strides = [1, 1]} : vector<256x512xf32> to vector<256x128xf32>
    %dot_general3A = arith.constant dense<0.000000e+00> : vector<400x128xf32>
    %dot_general3A_8 = tpu.matmul %get3A_1, %slice3A, %dot_general3A {dimension_numbers = #tpu.dot_dimension_numbers<[1], [0], [0], [1], [0, 0, 1, 1], [], []>, transpose_lhs_hint = false} : vector<400x256xf32>, vector<256x128xf32>, vector<400x128xf32> -> vector<400x128xf32>
    %mul3A = arith.mulf %get3A_7, %dot_general3A_8 : vector<400x128xf32>
    %swap3A = arith.constant 0 : index
    %swap3A_9 = arith.constant 0 : index
    %swap3A_10 = arith.constant 0 : index
    %swap3A_11 = vector.load %arg4[%swap3A, %swap3A_9, %swap3A_10] : memref<4x400x128xf32, #tpu.memory_space<vmem>>, vector<1x400x128xf32>
    %swap3A_12 = vector.shape_cast %swap3A_11 : vector<1x400x128xf32> to vector<400x128xf32>
    %swap3A_13 = vector.shape_cast %mul3A : vector<400x128xf32> to vector<1x400x128xf32>
    tpu.vector_store %arg4[%swap3A, %swap3A_9, %swap3A_10], %swap3A_13 {strides = array<i32>} : memref<4x400x128xf32, #tpu.memory_space<vmem>>, vector<1x400x128xf32>,
    %slice3A_14 = vector.extract_strided_slice %get3A_4 {offsets = [0, 128], sizes = [256, 128], strides = [1, 1]} : vector<256x512xf32> to vector<256x128xf32>
    %dot_general3A_15 = arith.constant dense<0.000000e+00> : vector<400x128xf32>
    %dot_general3A_16 = tpu.matmul %get3A_1, %slice3A_14, %dot_general3A_15 {dimension_numbers = #tpu.dot_dimension_numbers<[1], [0], [0], [1], [0, 0, 1, 1], [], []>, transpose_lhs_hint = false} : vector<400x256xf32>, vector<256x128xf32>, vector<400x128xf32> -> vector<400x128xf32>
    %mul3A_17 = arith.mulf %get3A_7, %dot_general3A_16 : vector<400x128xf32>
    %swap3A_18 = arith.constant 1 : index
    %swap3A_19 = arith.constant 0 : index
    %swap3A_20 = arith.constant 0 : index
    %swap3A_21 = vector.load %arg4[%swap3A_18, %swap3A_19, %swap3A_20] : memref<4x400x128xf32, #tpu.memory_space<vmem>>, vector<1x400x128xf32>
    %swap3A_22 = vector.shape_cast %swap3A_21 : vector<1x400x128xf32> to vector<400x128xf32>
    %swap3A_23 = vector.shape_cast %mul3A_17 : vector<400x128xf32> to vector<1x400x128xf32>
    tpu.vector_store %arg4[%swap3A_18, %swap3A_19, %swap3A_20], %swap3A_23 {strides = array<i32>} : memref<4x400x128xf32, #tpu.memory_space<vmem>>, vector<1x400x128xf32>,
    %slice3A_24 = vector.extract_strided_slice %get3A_4 {offsets = [0, 256], sizes = [256, 128], strides = [1, 1]} : vector<256x512xf32> to vector<256x128xf32>
    %dot_general3A_25 = arith.constant dense<0.000000e+00> : vector<400x128xf32>
    %dot_general3A_26 = tpu.matmul %get3A_1, %slice3A_24, %dot_general3A_25 {dimension_numbers = #tpu.dot_dimension_numbers<[1], [0], [0], [1], [0, 0, 1, 1], [], []>, transpose_lhs_hint = false} : vector<400x256xf32>, vector<256x128xf32>, vector<400x128xf32> -> vector<400x128xf32>
    %mul3A_27 = arith.mulf %get3A_7, %dot_general3A_26 : vector<400x128xf32>
    %swap3A_28 = arith.constant 2 : index
    %swap3A_29 = arith.constant 0 : index
    %swap3A_30 = arith.constant 0 : index
    %swap3A_31 = vector.load %arg4[%swap3A_28, %swap3A_29, %swap3A_30] : memref<4x400x128xf32, #tpu.memory_space<vmem>>, vector<1x400x128xf32>
    %swap3A_32 = vector.shape_cast %swap3A_31 : vector<1x400x128xf32> to vector<400x128xf32>
    %swap3A_33 = vector.shape_cast %mul3A_27 : vector<400x128xf32> to vector<1x400x128xf32>
    tpu.vector_store %arg4[%swap3A_28, %swap3A_29, %swap3A_30], %swap3A_33 {strides = array<i32>} : memref<4x400x128xf32, #tpu.memory_space<vmem>>, vector<1x400x128xf32>,
    %slice3A_34 = vector.extract_strided_slice %get3A_4 {offsets = [0, 384], sizes = [256, 128], strides = [1, 1]} : vector<256x512xf32> to vector<256x128xf32>
    %dot_general3A_35 = arith.constant dense<0.000000e+00> : vector<400x128xf32>
    %dot_general3A_36 = tpu.matmul %get3A_1, %slice3A_34, %dot_general3A_35 {dimension_numbers = #tpu.dot_dimension_numbers<[1], [0], [0], [1], [0, 0, 1, 1], [], []>, transpose_lhs_hint = false} : vector<400x256xf32>, vector<256x128xf32>, vector<400x128xf32> -> vector<400x128xf32>
    %mul3A_37 = arith.mulf %get3A_7, %dot_general3A_36 : vector<400x128xf32>
    %swap3A_38 = arith.constant 3 : index
    %swap3A_39 = arith.constant 0 : index
    %swap3A_40 = arith.constant 0 : index
    %swap3A_41 = vector.load %arg4[%swap3A_38, %swap3A_39, %swap3A_40] : memref<4x400x128xf32, #tpu.memory_space<vmem>>, vector<1x400x128xf32>
    %swap3A_42 = vector.shape_cast %swap3A_41 : vector<1x400x128xf32> to vector<400x128xf32>
    %swap3A_43 = vector.shape_cast %mul3A_37 : vector<400x128xf32> to vector<1x400x128xf32>
    tpu.vector_store %arg4[%swap3A_38, %swap3A_39, %swap3A_40], %swap3A_43 {strides = array<i32>} : memref<4x400x128xf32, #tpu.memory_space<vmem>>, vector<1x400x128xf32>,
    return
  }
  func.func @transform_0(%arg0: i32) -> (i32, i32) {
    %c0_i32 = arith.constant 0 : i32
    %c0_i32_0 = arith.constant 0 : i32
    return %arg0, %c0_i32 : i32, i32
  }
  func.func @transform_1(%arg0: i32) -> (i32, i32) {
    %c0_i32 = arith.constant 0 : i32
    %c0_i32_0 = arith.constant 0 : i32
    %c0_i32_1 = arith.constant 0 : i32
    return %c0_i32, %c0_i32_0 : i32, i32
  }
  func.func @transform_2(%arg0: i32) -> (i32, i32) {
    %c0_i32 = arith.constant 0 : i32
    %c0_i32_0 = arith.constant 0 : i32
    return %arg0, %c0_i32 : i32, i32
  }
  func.func @transform_3(%arg0: i32) -> (i32, i32, i32) {
    %c0_i32 = arith.constant 0 : i32
    %c0_i32_0 = arith.constant 0 : i32
    %c0_i32_1 = arith.constant 0 : i32
    return %c0_i32, %arg0, %c0_i32_0 : i32, i32, i32
  }
}

module attributes {stable_mosaic.version = 14 : i64} {
  func.func @_mid_body(%arg0: i32, %arg1: memref<4x400x128xf32, #tpu.memory_space<vmem>>, %arg2: memref<4x400x128xf32, #tpu.memory_space<vmem>>, %arg3: memref<400x128xf32, #tpu.memory_space<vmem>>, %arg4: memref<4x1x128xf32, #tpu.memory_space<vmem>>, %arg5: memref<4x1x128xf32, #tpu.memory_space<vmem>>, %arg6: memref<4x1x128xf32, #tpu.memory_space<vmem>>, %arg7: memref<512x512xf32, #tpu.memory_space<vmem>>, %arg8: memref<4x400x128xf32, #tpu.memory_space<vmem>>) attributes {dimension_semantics = [#tpu.dimension_semantics<arbitrary>], iteration_bounds = array<i64: 25>, scalar_prefetch = 0 : i64, scratch_operands = 0 : i64, tpu.core_type = #tpu.core_type<tc>, window_params = [{transform_indices = @transform_0, window_bounds = array<i64: 4, 400, 128>}, {transform_indices = @transform_1, window_bounds = array<i64: 4, 400, 128>}, {transform_indices = @transform_2, window_bounds = array<i64: 400, 128>}, {pipeline_mode = #tpu.pipeline_mode<synchronous>, transform_indices = @transform_3, window_bounds = array<i64: 4, 1, 128>}, {pipeline_mode = #tpu.pipeline_mode<synchronous>, transform_indices = @transform_4, window_bounds = array<i64: 4, 1, 128>}, {pipeline_mode = #tpu.pipeline_mode<synchronous>, transform_indices = @transform_5, window_bounds = array<i64: 4, 1, 128>}, {pipeline_mode = #tpu.pipeline_mode<synchronous>, transform_indices = @transform_6, window_bounds = array<i64: 512, 512>}, {transform_indices = @transform_7, window_bounds = array<i64: 4, 400, 128>}]} {
    %get3A = arith.constant 0 : index
    %get3A_0 = arith.constant 0 : index
    %get3A_1 = vector.load %arg3[%get3A, %get3A_0] : memref<400x128xf32, #tpu.memory_space<vmem>>, vector<400x128xf32>
    %get3A_2 = arith.constant 0 : index
    %get3A_3 = arith.constant 0 : index
    %get3A_4 = vector.load %arg7[%get3A_2, %get3A_3] : memref<512x512xf32, #tpu.memory_space<vmem>>, vector<512x512xf32>
    %broadcast_in_dim3A = arith.constant 0.000000e+00 : f32
    %broadcast_in_dim3A_5 = vector.broadcast %broadcast_in_dim3A : f32 to vector<400x512xf32>
    %get3A_6 = arith.constant 0 : index
    %get3A_7 = arith.constant 0 : index
    %get3A_8 = arith.constant 0 : index
    %get3A_9 = vector.load %arg1[%get3A_6, %get3A_7, %get3A_8] : memref<4x400x128xf32, #tpu.memory_space<vmem>>, vector<1x400x128xf32>
    %get3A_10 = vector.shape_cast %get3A_9 : vector<1x400x128xf32> to vector<400x128xf32>
    %get3A_11 = arith.constant 0 : index
    %get3A_12 = arith.constant 0 : index
    %get3A_13 = arith.constant 0 : index
    %get3A_14 = vector.load %arg2[%get3A_11, %get3A_12, %get3A_13] : memref<4x400x128xf32, #tpu.memory_space<vmem>>, vector<1x400x128xf32>
    %get3A_15 = vector.shape_cast %get3A_14 : vector<1x400x128xf32> to vector<400x128xf32>
    %add3A = arith.addf %get3A_10, %get3A_15 : vector<400x128xf32>
    %mul3A = arith.mulf %get3A_1, %add3A : vector<400x128xf32>
    %get3A_16 = arith.constant 0 : index
    %get3A_17 = arith.constant 0 : index
    %get3A_18 = arith.constant 0 : index
    %get3A_19 = vector.load %arg4[%get3A_16, %get3A_17, %get3A_18] : memref<4x1x128xf32, #tpu.memory_space<vmem>>, vector<1x1x128xf32>
    %get3A_20 = vector.shape_cast %get3A_19 : vector<1x1x128xf32> to vector<1x128xf32>
    %add3A_21 = vector.broadcast %get3A_20 : vector<1x128xf32> to vector<400x128xf32>
    %add3A_22 = arith.addf %mul3A, %add3A_21 : vector<400x128xf32>
    %get3A_23 = arith.constant 0 : index
    %get3A_24 = arith.constant 0 : index
    %get3A_25 = arith.constant 0 : index
    %get3A_26 = vector.load %arg5[%get3A_23, %get3A_24, %get3A_25] : memref<4x1x128xf32, #tpu.memory_space<vmem>>, vector<1x1x128xf32>
    %get3A_27 = vector.shape_cast %get3A_26 : vector<1x1x128xf32> to vector<1x128xf32>
    %mul3A_28 = arith.constant 0.999994993 : f32
    %mul3A_29 = vector.broadcast %mul3A_28 : f32 to vector<1x128xf32>
    %mul3A_30 = arith.mulf %mul3A_29, %get3A_27 : vector<1x128xf32>
    %mul3A_31 = vector.broadcast %mul3A_30 : vector<1x128xf32> to vector<400x128xf32>
    %mul3A_32 = arith.mulf %add3A_22, %mul3A_31 : vector<400x128xf32>
    %get3A_33 = arith.constant 0 : index
    %get3A_34 = arith.constant 0 : index
    %get3A_35 = arith.constant 0 : index
    %get3A_36 = vector.load %arg6[%get3A_33, %get3A_34, %get3A_35] : memref<4x1x128xf32, #tpu.memory_space<vmem>>, vector<1x1x128xf32>
    %get3A_37 = vector.shape_cast %get3A_36 : vector<1x1x128xf32> to vector<1x128xf32>
    %add3A_38 = vector.broadcast %get3A_37 : vector<1x128xf32> to vector<400x128xf32>
    %add3A_39 = arith.addf %mul3A_32, %add3A_38 : vector<400x128xf32>
    %max3A = arith.constant 0.000000e+00 : f32
    %max3A_40 = vector.broadcast %max3A : f32 to vector<400x128xf32>
    %max3A_41 = arith.maximumf %add3A_39, %max3A_40 : vector<400x128xf32>
    %slice3A = vector.extract_strided_slice %get3A_4 {offsets = [0, 0], sizes = [128, 512], strides = [1, 1]} : vector<512x512xf32> to vector<128x512xf32>
    %dot_general3A = arith.constant dense<0.000000e+00> : vector<400x512xf32>
    %dot_general3A_42 = tpu.matmul %max3A_41, %slice3A, %dot_general3A {dimension_numbers = #tpu.dot_dimension_numbers<[1], [0], [0], [1], [0, 0, 1, 1], [], []>, transpose_lhs_hint = false} : vector<400x128xf32>, vector<128x512xf32>, vector<400x512xf32> -> vector<400x512xf32>
    %add3A_43 = arith.addf %broadcast_in_dim3A_5, %dot_general3A_42 : vector<400x512xf32>
    %get3A_44 = arith.constant 1 : index
    %get3A_45 = arith.constant 0 : index
    %get3A_46 = arith.constant 0 : index
    %get3A_47 = vector.load %arg1[%get3A_44, %get3A_45, %get3A_46] : memref<4x400x128xf32, #tpu.memory_space<vmem>>, vector<1x400x128xf32>
    %get3A_48 = vector.shape_cast %get3A_47 : vector<1x400x128xf32> to vector<400x128xf32>
    %get3A_49 = arith.constant 1 : index
    %get3A_50 = arith.constant 0 : index
    %get3A_51 = arith.constant 0 : index
    %get3A_52 = vector.load %arg2[%get3A_49, %get3A_50, %get3A_51] : memref<4x400x128xf32, #tpu.memory_space<vmem>>, vector<1x400x128xf32>
    %get3A_53 = vector.shape_cast %get3A_52 : vector<1x400x128xf32> to vector<400x128xf32>
    %add3A_54 = arith.addf %get3A_48, %get3A_53 : vector<400x128xf32>
    %mul3A_55 = arith.mulf %get3A_1, %add3A_54 : vector<400x128xf32>
    %get3A_56 = arith.constant 1 : index
    %get3A_57 = arith.constant 0 : index
    %get3A_58 = arith.constant 0 : index
    %get3A_59 = vector.load %arg4[%get3A_56, %get3A_57, %get3A_58] : memref<4x1x128xf32, #tpu.memory_space<vmem>>, vector<1x1x128xf32>
    %get3A_60 = vector.shape_cast %get3A_59 : vector<1x1x128xf32> to vector<1x128xf32>
    %add3A_61 = vector.broadcast %get3A_60 : vector<1x128xf32> to vector<400x128xf32>
    %add3A_62 = arith.addf %mul3A_55, %add3A_61 : vector<400x128xf32>
    %get3A_63 = arith.constant 1 : index
    %get3A_64 = arith.constant 0 : index
    %get3A_65 = arith.constant 0 : index
    %get3A_66 = vector.load %arg5[%get3A_63, %get3A_64, %get3A_65] : memref<4x1x128xf32, #tpu.memory_space<vmem>>, vector<1x1x128xf32>
    %get3A_67 = vector.shape_cast %get3A_66 : vector<1x1x128xf32> to vector<1x128xf32>
    %mul3A_68 = arith.constant 0.999994993 : f32
    %mul3A_69 = vector.broadcast %mul3A_68 : f32 to vector<1x128xf32>
    %mul3A_70 = arith.mulf %mul3A_69, %get3A_67 : vector<1x128xf32>
    %mul3A_71 = vector.broadcast %mul3A_70 : vector<1x128xf32> to vector<400x128xf32>
    %mul3A_72 = arith.mulf %add3A_62, %mul3A_71 : vector<400x128xf32>
    %get3A_73 = arith.constant 1 : index
    %get3A_74 = arith.constant 0 : index
    %get3A_75 = arith.constant 0 : index
    %get3A_76 = vector.load %arg6[%get3A_73, %get3A_74, %get3A_75] : memref<4x1x128xf32, #tpu.memory_space<vmem>>, vector<1x1x128xf32>
    %get3A_77 = vector.shape_cast %get3A_76 : vector<1x1x128xf32> to vector<1x128xf32>
    %add3A_78 = vector.broadcast %get3A_77 : vector<1x128xf32> to vector<400x128xf32>
    %add3A_79 = arith.addf %mul3A_72, %add3A_78 : vector<400x128xf32>
    %max3A_80 = arith.constant 0.000000e+00 : f32
    %max3A_81 = vector.broadcast %max3A_80 : f32 to vector<400x128xf32>
    %max3A_82 = arith.maximumf %add3A_79, %max3A_81 : vector<400x128xf32>
    %slice3A_83 = vector.extract_strided_slice %get3A_4 {offsets = [128, 0], sizes = [128, 512], strides = [1, 1]} : vector<512x512xf32> to vector<128x512xf32>
    %dot_general3A_84 = arith.constant dense<0.000000e+00> : vector<400x512xf32>
    %dot_general3A_85 = tpu.matmul %max3A_82, %slice3A_83, %dot_general3A_84 {dimension_numbers = #tpu.dot_dimension_numbers<[1], [0], [0], [1], [0, 0, 1, 1], [], []>, transpose_lhs_hint = false} : vector<400x128xf32>, vector<128x512xf32>, vector<400x512xf32> -> vector<400x512xf32>
    %add3A_86 = arith.addf %add3A_43, %dot_general3A_85 : vector<400x512xf32>
    %get3A_87 = arith.constant 2 : index
    %get3A_88 = arith.constant 0 : index
    %get3A_89 = arith.constant 0 : index
    %get3A_90 = vector.load %arg1[%get3A_87, %get3A_88, %get3A_89] : memref<4x400x128xf32, #tpu.memory_space<vmem>>, vector<1x400x128xf32>
    %get3A_91 = vector.shape_cast %get3A_90 : vector<1x400x128xf32> to vector<400x128xf32>
    %get3A_92 = arith.constant 2 : index
    %get3A_93 = arith.constant 0 : index
    %get3A_94 = arith.constant 0 : index
    %get3A_95 = vector.load %arg2[%get3A_92, %get3A_93, %get3A_94] : memref<4x400x128xf32, #tpu.memory_space<vmem>>, vector<1x400x128xf32>
    %get3A_96 = vector.shape_cast %get3A_95 : vector<1x400x128xf32> to vector<400x128xf32>
    %add3A_97 = arith.addf %get3A_91, %get3A_96 : vector<400x128xf32>
    %mul3A_98 = arith.mulf %get3A_1, %add3A_97 : vector<400x128xf32>
    %get3A_99 = arith.constant 2 : index
    %get3A_100 = arith.constant 0 : index
    %get3A_101 = arith.constant 0 : index
    %get3A_102 = vector.load %arg4[%get3A_99, %get3A_100, %get3A_101] : memref<4x1x128xf32, #tpu.memory_space<vmem>>, vector<1x1x128xf32>
    %get3A_103 = vector.shape_cast %get3A_102 : vector<1x1x128xf32> to vector<1x128xf32>
    %add3A_104 = vector.broadcast %get3A_103 : vector<1x128xf32> to vector<400x128xf32>
    %add3A_105 = arith.addf %mul3A_98, %add3A_104 : vector<400x128xf32>
    %get3A_106 = arith.constant 2 : index
    %get3A_107 = arith.constant 0 : index
    %get3A_108 = arith.constant 0 : index
    %get3A_109 = vector.load %arg5[%get3A_106, %get3A_107, %get3A_108] : memref<4x1x128xf32, #tpu.memory_space<vmem>>, vector<1x1x128xf32>
    %get3A_110 = vector.shape_cast %get3A_109 : vector<1x1x128xf32> to vector<1x128xf32>
    %mul3A_111 = arith.constant 0.999994993 : f32
    %mul3A_112 = vector.broadcast %mul3A_111 : f32 to vector<1x128xf32>
    %mul3A_113 = arith.mulf %mul3A_112, %get3A_110 : vector<1x128xf32>
    %mul3A_114 = vector.broadcast %mul3A_113 : vector<1x128xf32> to vector<400x128xf32>
    %mul3A_115 = arith.mulf %add3A_105, %mul3A_114 : vector<400x128xf32>
    %get3A_116 = arith.constant 2 : index
    %get3A_117 = arith.constant 0 : index
    %get3A_118 = arith.constant 0 : index
    %get3A_119 = vector.load %arg6[%get3A_116, %get3A_117, %get3A_118] : memref<4x1x128xf32, #tpu.memory_space<vmem>>, vector<1x1x128xf32>
    %get3A_120 = vector.shape_cast %get3A_119 : vector<1x1x128xf32> to vector<1x128xf32>
    %add3A_121 = vector.broadcast %get3A_120 : vector<1x128xf32> to vector<400x128xf32>
    %add3A_122 = arith.addf %mul3A_115, %add3A_121 : vector<400x128xf32>
    %max3A_123 = arith.constant 0.000000e+00 : f32
    %max3A_124 = vector.broadcast %max3A_123 : f32 to vector<400x128xf32>
    %max3A_125 = arith.maximumf %add3A_122, %max3A_124 : vector<400x128xf32>
    %slice3A_126 = vector.extract_strided_slice %get3A_4 {offsets = [256, 0], sizes = [128, 512], strides = [1, 1]} : vector<512x512xf32> to vector<128x512xf32>
    %dot_general3A_127 = arith.constant dense<0.000000e+00> : vector<400x512xf32>
    %dot_general3A_128 = tpu.matmul %max3A_125, %slice3A_126, %dot_general3A_127 {dimension_numbers = #tpu.dot_dimension_numbers<[1], [0], [0], [1], [0, 0, 1, 1], [], []>, transpose_lhs_hint = false} : vector<400x128xf32>, vector<128x512xf32>, vector<400x512xf32> -> vector<400x512xf32>
    %add3A_129 = arith.addf %add3A_86, %dot_general3A_128 : vector<400x512xf32>
    %get3A_130 = arith.constant 3 : index
    %get3A_131 = arith.constant 0 : index
    %get3A_132 = arith.constant 0 : index
    %get3A_133 = vector.load %arg1[%get3A_130, %get3A_131, %get3A_132] : memref<4x400x128xf32, #tpu.memory_space<vmem>>, vector<1x400x128xf32>
    %get3A_134 = vector.shape_cast %get3A_133 : vector<1x400x128xf32> to vector<400x128xf32>
    %get3A_135 = arith.constant 3 : index
    %get3A_136 = arith.constant 0 : index
    %get3A_137 = arith.constant 0 : index
    %get3A_138 = vector.load %arg2[%get3A_135, %get3A_136, %get3A_137] : memref<4x400x128xf32, #tpu.memory_space<vmem>>, vector<1x400x128xf32>
    %get3A_139 = vector.shape_cast %get3A_138 : vector<1x400x128xf32> to vector<400x128xf32>
    %add3A_140 = arith.addf %get3A_134, %get3A_139 : vector<400x128xf32>
    %mul3A_141 = arith.mulf %get3A_1, %add3A_140 : vector<400x128xf32>
    %get3A_142 = arith.constant 3 : index
    %get3A_143 = arith.constant 0 : index
    %get3A_144 = arith.constant 0 : index
    %get3A_145 = vector.load %arg4[%get3A_142, %get3A_143, %get3A_144] : memref<4x1x128xf32, #tpu.memory_space<vmem>>, vector<1x1x128xf32>
    %get3A_146 = vector.shape_cast %get3A_145 : vector<1x1x128xf32> to vector<1x128xf32>
    %add3A_147 = vector.broadcast %get3A_146 : vector<1x128xf32> to vector<400x128xf32>
    %add3A_148 = arith.addf %mul3A_141, %add3A_147 : vector<400x128xf32>
    %get3A_149 = arith.constant 3 : index
    %get3A_150 = arith.constant 0 : index
    %get3A_151 = arith.constant 0 : index
    %get3A_152 = vector.load %arg5[%get3A_149, %get3A_150, %get3A_151] : memref<4x1x128xf32, #tpu.memory_space<vmem>>, vector<1x1x128xf32>
    %get3A_153 = vector.shape_cast %get3A_152 : vector<1x1x128xf32> to vector<1x128xf32>
    %mul3A_154 = arith.constant 0.999994993 : f32
    %mul3A_155 = vector.broadcast %mul3A_154 : f32 to vector<1x128xf32>
    %mul3A_156 = arith.mulf %mul3A_155, %get3A_153 : vector<1x128xf32>
    %mul3A_157 = vector.broadcast %mul3A_156 : vector<1x128xf32> to vector<400x128xf32>
    %mul3A_158 = arith.mulf %add3A_148, %mul3A_157 : vector<400x128xf32>
    %get3A_159 = arith.constant 3 : index
    %get3A_160 = arith.constant 0 : index
    %get3A_161 = arith.constant 0 : index
    %get3A_162 = vector.load %arg6[%get3A_159, %get3A_160, %get3A_161] : memref<4x1x128xf32, #tpu.memory_space<vmem>>, vector<1x1x128xf32>
    %get3A_163 = vector.shape_cast %get3A_162 : vector<1x1x128xf32> to vector<1x128xf32>
    %add3A_164 = vector.broadcast %get3A_163 : vector<1x128xf32> to vector<400x128xf32>
    %add3A_165 = arith.addf %mul3A_158, %add3A_164 : vector<400x128xf32>
    %max3A_166 = arith.constant 0.000000e+00 : f32
    %max3A_167 = vector.broadcast %max3A_166 : f32 to vector<400x128xf32>
    %max3A_168 = arith.maximumf %add3A_165, %max3A_167 : vector<400x128xf32>
    %slice3A_169 = vector.extract_strided_slice %get3A_4 {offsets = [384, 0], sizes = [128, 512], strides = [1, 1]} : vector<512x512xf32> to vector<128x512xf32>
    %dot_general3A_170 = arith.constant dense<0.000000e+00> : vector<400x512xf32>
    %dot_general3A_171 = tpu.matmul %max3A_168, %slice3A_169, %dot_general3A_170 {dimension_numbers = #tpu.dot_dimension_numbers<[1], [0], [0], [1], [0, 0, 1, 1], [], []>, transpose_lhs_hint = false} : vector<400x128xf32>, vector<128x512xf32>, vector<400x512xf32> -> vector<400x512xf32>
    %add3A_172 = arith.addf %add3A_129, %dot_general3A_171 : vector<400x512xf32>
    %slice3A_173 = vector.extract_strided_slice %get3A_1 {offsets = [0, 0], sizes = [400, 1], strides = [1, 1]} : vector<400x128xf32> to vector<400x1xf32>
    %mul3A_174 = vector.broadcast %slice3A_173 : vector<400x1xf32> to vector<400x512xf32>
    %mul3A_175 = arith.mulf %mul3A_174, %add3A_172 : vector<400x512xf32>
    %slice3A_176 = vector.extract_strided_slice %mul3A_175 {offsets = [0, 0], sizes = [400, 128], strides = [1, 1]} : vector<400x512xf32> to vector<400x128xf32>
    %swap3A = arith.constant 0 : index
    %swap3A_177 = arith.constant 0 : index
    %swap3A_178 = arith.constant 0 : index
    %swap3A_179 = vector.load %arg8[%swap3A, %swap3A_177, %swap3A_178] : memref<4x400x128xf32, #tpu.memory_space<vmem>>, vector<1x400x128xf32>
    %swap3A_180 = vector.shape_cast %swap3A_179 : vector<1x400x128xf32> to vector<400x128xf32>
    %swap3A_181 = vector.shape_cast %slice3A_176 : vector<400x128xf32> to vector<1x400x128xf32>
    tpu.vector_store %arg8[%swap3A, %swap3A_177, %swap3A_178], %swap3A_181 {strides = array<i32>} : memref<4x400x128xf32, #tpu.memory_space<vmem>>, vector<1x400x128xf32>,
    %slice3A_182 = vector.extract_strided_slice %mul3A_175 {offsets = [0, 128], sizes = [400, 128], strides = [1, 1]} : vector<400x512xf32> to vector<400x128xf32>
    %swap3A_183 = arith.constant 1 : index
    %swap3A_184 = arith.constant 0 : index
    %swap3A_185 = arith.constant 0 : index
    %swap3A_186 = vector.load %arg8[%swap3A_183, %swap3A_184, %swap3A_185] : memref<4x400x128xf32, #tpu.memory_space<vmem>>, vector<1x400x128xf32>
    %swap3A_187 = vector.shape_cast %swap3A_186 : vector<1x400x128xf32> to vector<400x128xf32>
    %swap3A_188 = vector.shape_cast %slice3A_182 : vector<400x128xf32> to vector<1x400x128xf32>
    tpu.vector_store %arg8[%swap3A_183, %swap3A_184, %swap3A_185], %swap3A_188 {strides = array<i32>} : memref<4x400x128xf32, #tpu.memory_space<vmem>>, vector<1x400x128xf32>,
    %slice3A_189 = vector.extract_strided_slice %mul3A_175 {offsets = [0, 256], sizes = [400, 128], strides = [1, 1]} : vector<400x512xf32> to vector<400x128xf32>
    %swap3A_190 = arith.constant 2 : index
    %swap3A_191 = arith.constant 0 : index
    %swap3A_192 = arith.constant 0 : index
    %swap3A_193 = vector.load %arg8[%swap3A_190, %swap3A_191, %swap3A_192] : memref<4x400x128xf32, #tpu.memory_space<vmem>>, vector<1x400x128xf32>
    %swap3A_194 = vector.shape_cast %swap3A_193 : vector<1x400x128xf32> to vector<400x128xf32>
    %swap3A_195 = vector.shape_cast %slice3A_189 : vector<400x128xf32> to vector<1x400x128xf32>
    tpu.vector_store %arg8[%swap3A_190, %swap3A_191, %swap3A_192], %swap3A_195 {strides = array<i32>} : memref<4x400x128xf32, #tpu.memory_space<vmem>>, vector<1x400x128xf32>,
    %slice3A_196 = vector.extract_strided_slice %mul3A_175 {offsets = [0, 384], sizes = [400, 128], strides = [1, 1]} : vector<400x512xf32> to vector<400x128xf32>
    %swap3A_197 = arith.constant 3 : index
    %swap3A_198 = arith.constant 0 : index
    %swap3A_199 = arith.constant 0 : index
    %swap3A_200 = vector.load %arg8[%swap3A_197, %swap3A_198, %swap3A_199] : memref<4x400x128xf32, #tpu.memory_space<vmem>>, vector<1x400x128xf32>
    %swap3A_201 = vector.shape_cast %swap3A_200 : vector<1x400x128xf32> to vector<400x128xf32>
    %swap3A_202 = vector.shape_cast %slice3A_196 : vector<400x128xf32> to vector<1x400x128xf32>
    tpu.vector_store %arg8[%swap3A_197, %swap3A_198, %swap3A_199], %swap3A_202 {strides = array<i32>} : memref<4x400x128xf32, #tpu.memory_space<vmem>>, vector<1x400x128xf32>,
    return
  }
  func.func @transform_0(%arg0: i32) -> (i32, i32, i32) {
    %c0_i32 = arith.constant 0 : i32
    %c0_i32_0 = arith.constant 0 : i32
    %c0_i32_1 = arith.constant 0 : i32
    return %c0_i32, %arg0, %c0_i32_0 : i32, i32, i32
  }
  func.func @transform_1(%arg0: i32) -> (i32, i32, i32) {
    %c0_i32 = arith.constant 0 : i32
    %c0_i32_0 = arith.constant 0 : i32
    %c0_i32_1 = arith.constant 0 : i32
    return %c0_i32, %arg0, %c0_i32_0 : i32, i32, i32
  }
  func.func @transform_2(%arg0: i32) -> (i32, i32) {
    %c0_i32 = arith.constant 0 : i32
    %c0_i32_0 = arith.constant 0 : i32
    return %arg0, %c0_i32 : i32, i32
  }
  func.func @transform_3(%arg0: i32) -> (i32, i32, i32) {
    %c0_i32 = arith.constant 0 : i32
    %c0_i32_0 = arith.constant 0 : i32
    %c0_i32_1 = arith.constant 0 : i32
    %c0_i32_2 = arith.constant 0 : i32
    return %c0_i32, %c0_i32_0, %c0_i32_1 : i32, i32, i32
  }
  func.func @transform_4(%arg0: i32) -> (i32, i32, i32) {
    %c0_i32 = arith.constant 0 : i32
    %c0_i32_0 = arith.constant 0 : i32
    %c0_i32_1 = arith.constant 0 : i32
    %c0_i32_2 = arith.constant 0 : i32
    return %c0_i32, %c0_i32_0, %c0_i32_1 : i32, i32, i32
  }
  func.func @transform_5(%arg0: i32) -> (i32, i32, i32) {
    %c0_i32 = arith.constant 0 : i32
    %c0_i32_0 = arith.constant 0 : i32
    %c0_i32_1 = arith.constant 0 : i32
    %c0_i32_2 = arith.constant 0 : i32
    return %c0_i32, %c0_i32_0, %c0_i32_1 : i32, i32, i32
  }
  func.func @transform_6(%arg0: i32) -> (i32, i32) {
    %c0_i32 = arith.constant 0 : i32
    %c0_i32_0 = arith.constant 0 : i32
    %c0_i32_1 = arith.constant 0 : i32
    return %c0_i32, %c0_i32_0 : i32, i32
  }
  func.func @transform_7(%arg0: i32) -> (i32, i32, i32) {
    %c0_i32 = arith.constant 0 : i32
    %c0_i32_0 = arith.constant 0 : i32
    %c0_i32_1 = arith.constant 0 : i32
    return %c0_i32, %arg0, %c0_i32_0 : i32, i32, i32
  }
}

module attributes {stable_mosaic.version = 14 : i64} {
  func.func @_fin_body(%arg0: i32, %arg1: memref<4x400x128xf32, #tpu.memory_space<vmem>>, %arg2: memref<4x400x128xf32, #tpu.memory_space<vmem>>, %arg3: memref<400x128xf32, #tpu.memory_space<vmem>>, %arg4: memref<4x1x128xf32, #tpu.memory_space<vmem>>, %arg5: memref<400x512xf32, #tpu.memory_space<vmem>>) attributes {dimension_semantics = [#tpu.dimension_semantics<arbitrary>], iteration_bounds = array<i64: 25>, scalar_prefetch = 0 : i64, scratch_operands = 0 : i64, tpu.core_type = #tpu.core_type<tc>, window_params = [{transform_indices = @transform_0, window_bounds = array<i64: 4, 400, 128>}, {transform_indices = @transform_1, window_bounds = array<i64: 4, 400, 128>}, {transform_indices = @transform_2, window_bounds = array<i64: 400, 128>}, {pipeline_mode = #tpu.pipeline_mode<synchronous>, transform_indices = @transform_3, window_bounds = array<i64: 4, 1, 128>}, {transform_indices = @transform_4, window_bounds = array<i64: 400, 512>}]} {
    %get3A = arith.constant 0 : index
    %get3A_0 = arith.constant 0 : index
    %get3A_1 = vector.load %arg3[%get3A, %get3A_0] : memref<400x128xf32, #tpu.memory_space<vmem>>, vector<400x128xf32>
    %get3A_2 = arith.constant 0 : index
    %get3A_3 = arith.constant 0 : index
    %get3A_4 = arith.constant 0 : index
    %get3A_5 = vector.load %arg1[%get3A_2, %get3A_3, %get3A_4] : memref<4x400x128xf32, #tpu.memory_space<vmem>>, vector<1x400x128xf32>
    %get3A_6 = vector.shape_cast %get3A_5 : vector<1x400x128xf32> to vector<400x128xf32>
    %get3A_7 = arith.constant 0 : index
    %get3A_8 = arith.constant 0 : index
    %get3A_9 = arith.constant 0 : index
    %get3A_10 = vector.load %arg2[%get3A_7, %get3A_8, %get3A_9] : memref<4x400x128xf32, #tpu.memory_space<vmem>>, vector<1x400x128xf32>
    %get3A_11 = vector.shape_cast %get3A_10 : vector<1x400x128xf32> to vector<400x128xf32>
    %add3A = arith.addf %get3A_6, %get3A_11 : vector<400x128xf32>
    %mul3A = arith.mulf %get3A_1, %add3A : vector<400x128xf32>
    %get3A_12 = arith.constant 0 : index
    %get3A_13 = arith.constant 0 : index
    %get3A_14 = arith.constant 0 : index
    %get3A_15 = vector.load %arg4[%get3A_12, %get3A_13, %get3A_14] : memref<4x1x128xf32, #tpu.memory_space<vmem>>, vector<1x1x128xf32>
    %get3A_16 = vector.shape_cast %get3A_15 : vector<1x1x128xf32> to vector<1x128xf32>
    %add3A_17 = vector.broadcast %get3A_16 : vector<1x128xf32> to vector<400x128xf32>
    %add3A_18 = arith.addf %mul3A, %add3A_17 : vector<400x128xf32>
    %swap3A = arith.constant 0 : index
    %swap3A_19 = arith.constant 0 : index
    %swap3A_20 = vector.load %arg5[%swap3A, %swap3A_19] : memref<400x512xf32, #tpu.memory_space<vmem>>, vector<400x128xf32>
    tpu.vector_store %arg5[%swap3A, %swap3A_19], %add3A_18 {strides = array<i32>} : memref<400x512xf32, #tpu.memory_space<vmem>>, vector<400x128xf32>,
    %get3A_21 = arith.constant 1 : index
    %get3A_22 = arith.constant 0 : index
    %get3A_23 = arith.constant 0 : index
    %get3A_24 = vector.load %arg1[%get3A_21, %get3A_22, %get3A_23] : memref<4x400x128xf32, #tpu.memory_space<vmem>>, vector<1x400x128xf32>
    %get3A_25 = vector.shape_cast %get3A_24 : vector<1x400x128xf32> to vector<400x128xf32>
    %get3A_26 = arith.constant 1 : index
    %get3A_27 = arith.constant 0 : index
    %get3A_28 = arith.constant 0 : index
    %get3A_29 = vector.load %arg2[%get3A_26, %get3A_27, %get3A_28] : memref<4x400x128xf32, #tpu.memory_space<vmem>>, vector<1x400x128xf32>
    %get3A_30 = vector.shape_cast %get3A_29 : vector<1x400x128xf32> to vector<400x128xf32>
    %add3A_31 = arith.addf %get3A_25, %get3A_30 : vector<400x128xf32>
    %mul3A_32 = arith.mulf %get3A_1, %add3A_31 : vector<400x128xf32>
    %get3A_33 = arith.constant 1 : index
    %get3A_34 = arith.constant 0 : index
    %get3A_35 = arith.constant 0 : index
    %get3A_36 = vector.load %arg4[%get3A_33, %get3A_34, %get3A_35] : memref<4x1x128xf32, #tpu.memory_space<vmem>>, vector<1x1x128xf32>
    %get3A_37 = vector.shape_cast %get3A_36 : vector<1x1x128xf32> to vector<1x128xf32>
    %add3A_38 = vector.broadcast %get3A_37 : vector<1x128xf32> to vector<400x128xf32>
    %add3A_39 = arith.addf %mul3A_32, %add3A_38 : vector<400x128xf32>
    %swap3A_40 = arith.constant 0 : index
    %swap3A_41 = arith.constant 128 : index
    %swap3A_42 = vector.load %arg5[%swap3A_40, %swap3A_41] : memref<400x512xf32, #tpu.memory_space<vmem>>, vector<400x128xf32>
    tpu.vector_store %arg5[%swap3A_40, %swap3A_41], %add3A_39 {strides = array<i32>} : memref<400x512xf32, #tpu.memory_space<vmem>>, vector<400x128xf32>,
    %get3A_43 = arith.constant 2 : index
    %get3A_44 = arith.constant 0 : index
    %get3A_45 = arith.constant 0 : index
    %get3A_46 = vector.load %arg1[%get3A_43, %get3A_44, %get3A_45] : memref<4x400x128xf32, #tpu.memory_space<vmem>>, vector<1x400x128xf32>
    %get3A_47 = vector.shape_cast %get3A_46 : vector<1x400x128xf32> to vector<400x128xf32>
    %get3A_48 = arith.constant 2 : index
    %get3A_49 = arith.constant 0 : index
    %get3A_50 = arith.constant 0 : index
    %get3A_51 = vector.load %arg2[%get3A_48, %get3A_49, %get3A_50] : memref<4x400x128xf32, #tpu.memory_space<vmem>>, vector<1x400x128xf32>
    %get3A_52 = vector.shape_cast %get3A_51 : vector<1x400x128xf32> to vector<400x128xf32>
    %add3A_53 = arith.addf %get3A_47, %get3A_52 : vector<400x128xf32>
    %mul3A_54 = arith.mulf %get3A_1, %add3A_53 : vector<400x128xf32>
    %get3A_55 = arith.constant 2 : index
    %get3A_56 = arith.constant 0 : index
    %get3A_57 = arith.constant 0 : index
    %get3A_58 = vector.load %arg4[%get3A_55, %get3A_56, %get3A_57] : memref<4x1x128xf32, #tpu.memory_space<vmem>>, vector<1x1x128xf32>
    %get3A_59 = vector.shape_cast %get3A_58 : vector<1x1x128xf32> to vector<1x128xf32>
    %add3A_60 = vector.broadcast %get3A_59 : vector<1x128xf32> to vector<400x128xf32>
    %add3A_61 = arith.addf %mul3A_54, %add3A_60 : vector<400x128xf32>
    %swap3A_62 = arith.constant 0 : index
    %swap3A_63 = arith.constant 256 : index
    %swap3A_64 = vector.load %arg5[%swap3A_62, %swap3A_63] : memref<400x512xf32, #tpu.memory_space<vmem>>, vector<400x128xf32>
    tpu.vector_store %arg5[%swap3A_62, %swap3A_63], %add3A_61 {strides = array<i32>} : memref<400x512xf32, #tpu.memory_space<vmem>>, vector<400x128xf32>,
    %get3A_65 = arith.constant 3 : index
    %get3A_66 = arith.constant 0 : index
    %get3A_67 = arith.constant 0 : index
    %get3A_68 = vector.load %arg1[%get3A_65, %get3A_66, %get3A_67] : memref<4x400x128xf32, #tpu.memory_space<vmem>>, vector<1x400x128xf32>
    %get3A_69 = vector.shape_cast %get3A_68 : vector<1x400x128xf32> to vector<400x128xf32>
    %get3A_70 = arith.constant 3 : index
    %get3A_71 = arith.constant 0 : index
    %get3A_72 = arith.constant 0 : index
    %get3A_73 = vector.load %arg2[%get3A_70, %get3A_71, %get3A_72] : memref<4x400x128xf32, #tpu.memory_space<vmem>>, vector<1x400x128xf32>
    %get3A_74 = vector.shape_cast %get3A_73 : vector<1x400x128xf32> to vector<400x128xf32>
    %add3A_75 = arith.addf %get3A_69, %get3A_74 : vector<400x128xf32>
    %mul3A_76 = arith.mulf %get3A_1, %add3A_75 : vector<400x128xf32>
    %get3A_77 = arith.constant 3 : index
    %get3A_78 = arith.constant 0 : index
    %get3A_79 = arith.constant 0 : index
    %get3A_80 = vector.load %arg4[%get3A_77, %get3A_78, %get3A_79] : memref<4x1x128xf32, #tpu.memory_space<vmem>>, vector<1x1x128xf32>
    %get3A_81 = vector.shape_cast %get3A_80 : vector<1x1x128xf32> to vector<1x128xf32>
    %add3A_82 = vector.broadcast %get3A_81 : vector<1x128xf32> to vector<400x128xf32>
    %add3A_83 = arith.addf %mul3A_76, %add3A_82 : vector<400x128xf32>
    %swap3A_84 = arith.constant 0 : index
    %swap3A_85 = arith.constant 384 : index
    %swap3A_86 = vector.load %arg5[%swap3A_84, %swap3A_85] : memref<400x512xf32, #tpu.memory_space<vmem>>, vector<400x128xf32>
    tpu.vector_store %arg5[%swap3A_84, %swap3A_85], %add3A_83 {strides = array<i32>} : memref<400x512xf32, #tpu.memory_space<vmem>>, vector<400x128xf32>,
    return
  }
  func.func @transform_0(%arg0: i32) -> (i32, i32, i32) {
    %c0_i32 = arith.constant 0 : i32
    %c0_i32_0 = arith.constant 0 : i32
    %c0_i32_1 = arith.constant 0 : i32
    return %c0_i32, %arg0, %c0_i32_0 : i32, i32, i32
  }
  func.func @transform_1(%arg0: i32) -> (i32, i32, i32) {
    %c0_i32 = arith.constant 0 : i32
    %c0_i32_0 = arith.constant 0 : i32
    %c0_i32_1 = arith.constant 0 : i32
    return %c0_i32, %arg0, %c0_i32_0 : i32, i32, i32
  }
  func.func @transform_2(%arg0: i32) -> (i32, i32) {
    %c0_i32 = arith.constant 0 : i32
    %c0_i32_0 = arith.constant 0 : i32
    return %arg0, %c0_i32 : i32, i32
  }
  func.func @transform_3(%arg0: i32) -> (i32, i32, i32) {
    %c0_i32 = arith.constant 0 : i32
    %c0_i32_0 = arith.constant 0 : i32
    %c0_i32_1 = arith.constant 0 : i32
    %c0_i32_2 = arith.constant 0 : i32
    return %c0_i32, %c0_i32_0, %c0_i32_1 : i32, i32, i32
  }
  func.func @transform_4(%arg0: i32) -> (i32, i32) {
    %c0_i32 = arith.constant 0 : i32
    %c0_i32_0 = arith.constant 0 : i32
    return %arg0, %c0_i32 : i32, i32
  }
}

</mosaic_0001>

<sc_bundles>
// kernel: kernel.12.cloned.1.call-start
scs
__scs_entry_jumppad:
0x0: {  	(pc) =	sbr.rel $0x88, $3  }
0x1: {  	(tag) =	ssettag $0x0;
	lr =	simm.s32 $0x1  }
0x2: {  	[smem:$0x3F99] =	sst lr;
	_ =	strace $0xD0000000  }
0x3: {  	_ = 	snop  }
0x4: {  	_ = 	snop  }
0x5: {  	_ = 	snop  }
0x6: {  	_ = 	snop  }
0x7: {  	_ = 	snop  }
__scs_overlays_trampoline_lowered:
0x8: {  	[smem:$0x3FA8] =	sst s0  }
0x9: {  	[smem:$0x3FA9] =	sst s1  }
0xa: {  	[smem:$0x3FAA] =	sst s2  }
0xb: {  	[smem:$0x3FAB] =	sst s3  }
0xc: {  	[smem:$0x3FAC] =	sst s4  }
0xd: {  	[smem:$0x3FAD] =	sst s5  }
0xe: {  	[smem:$0x3FAE] =	sst s6  }
0xf: {  	[smem:$0x3FAF] =	sst s7  }
0x10: {  	[smem:$0x3FB0] =	sst s8  }
0x11: {  	[smem:$0x3FB1] =	sst s9;
	s0 =	simm.s32 @!p0 $0x0  }
0x12: {  	s1 =	sld [smem:$0x3F97];
	s0 =	simm.s32 @p0 $0x1  }
0x13: {  	[smem:$0x3FB2] =	sst s0;
	s0 =	simm.s32 @!p1 $0x0  }
0x14: {  	s2 =	sld [smem:$0x3F96];
	s0 =	simm.s32 @p1 $0x1  }
0x15: {  	[smem:$0x3FB3] =	sst s0;
	s0 =	simm.s32 @!p2 $0x0  }
0x16: {  	s3 =	sld [smem:$0x3FDB];
	s0 =	simm.s32 @p2 $0x1  }
0x17: {  	s4 =	simm.s32 $0x1BF5;
	[smem:$0x3FB5] =	sst s0  }
0x18: {  	s0 =	sld [smem:$0x3F98];
	_ =	swait.ge [sflag:s4], $0x0  }
0x19: {  	s7 =	sld [smem:$0x3F99]  }
0x1a: {  	s8 =	sadd.s32 $0xFFFFE003, lr  }
0x1b: {  	s9 =	sadd.s32 $0xFFFFFEF7, lr;
	s5 =	simm.s32 $0xFFFFFFFF;
	p2 =	slt.u32 s8, $0xFFFFF086  }
0x1c: {  	p1 =	slt.u32 s9, $0xF7A;
	s5 =	simm.s32 @!p2 $0x0  }
0x1d: {  	s5 =	simm.s32 @p1 $0x1;
	p0 =	seq.s32 s7, s2  }
0x1e: {  	s7 =	smul.u32 @!p0 $0xF7A, s2;
	p2 =	seq.s32 @!p0 s5, $0x0  }
0x1f: {  	s9 =	smul.u32 $0xF7A, s1;
	s8 =	simm.s32 @!p0 $0x1BF5;
	p2 =	por !p2, p0  }
0x20: {  	[sflag:s8] =	ssyncset.s32 @!p0 $0xFFFFF086;
	s6 =	sadd.s32 @!p0 s3, s7;
	s7 =	simm.s32 @!p0 $0x108  }
0x21: {  	s3 =	sadd.s32 s3, s9;
	s6 =	sadd.s32 @!p0 $0x88, s6;
	s7 =	simm.s32 @p2 $0x1082  }
0x22: {  	[simem:s7], [sflag:s8] =	dma.local @!p0 [hbm:s6], $0xF7A  }
0x23: {  	s9 =	sor.u32 $0xD0000000, s2;
	s6 =	simm.s32 $0x108;
	_ =	swait.ge @!p0 [sflag:s8], $0x0  }
0x24: {  	s3 =	sadd.s32 $0x88, s3;
	s6 =	simm.s32 @!p1 $0x1082;
	[sflag:s4] =	ssyncset.s32 $0xFFFFF086  }
0x25: {  	[simem:s6], [sflag:s4] =	dma.local [hbm:s3], $0xF7A  }
0x26: {  	[smem:$0x3F99] =	sst s1;
	(tag) =	ssettag s2;
	_ =	strace s9  }
0x27: {  	s1 =	sld [smem:$0x3FA9]  }
0x28: {  	s2 =	sld [smem:$0x3FAA]  }
0x29: {  	s4 =	sld [smem:$0x3FAC]  }
0x2a: {  	p0 =	seq.s32 s5, $0x0;
	s5 =	sld [smem:$0x3FAD]  }
0x2b: {  	s6 =	sld [smem:$0x3FAE]  }
0x2c: {  	s7 =	sld [smem:$0x3FAF]  }
0x2d: {  	s3 =	simm.s32 $0x108;
	s8 =	sld [smem:$0x3FB0]  }
0x2e: {  	s3 =	simm.s32 @!p0 $0x1082;
	s9 =	sld [smem:$0x3FB1]  }
0x2f: {  	lr =	sadd.s32 s0, s3;
	s0 =	sld [smem:$0x3FA8]  }
0x30: {  	s3 =	sld [smem:$0x3FAB]  }
0x31: {  	[smem:$0x3FB4] =	sst s10  }
0x32: {  	s10 =	sld [smem:$0x3FB2];
	_ =	sdelay $0x3  }
0x33: {  	p0 =	seq.s32 s10, $0x1;
	s10 =	sld [smem:$0x3FB4];
	_ =	sdelay $0x3  }
0x34: {  	[smem:$0x3FB4] =	sst s10  }
0x35: {  	s10 =	sld [smem:$0x3FB3];
	_ =	sdelay $0x3  }
0x36: {  	p1 =	seq.s32 s10, $0x1;
	s10 =	sld [smem:$0x3FB4];
	_ =	sdelay $0x3  }
0x37: {  	[smem:$0x3FB4] =	sst s10  }
0x38: {  	s10 =	sld [smem:$0x3FB5]  }
0x39: {  	_ = 	snop;
	(pc) =	sbr.ind lr, $3  }
0x3a: {  	_ = 	snop  }
0x3b: {  	_ = 	snop  }
0x3c: {  	p2 =	seq.s32 s10, $0x1;
	s10 =	sld [smem:$0x3FB4]  }
0x3d: {  	_ =	shalt  }
0x3e: {  	_ =	shalt  }
0x3f: {  	_ =	shalt  }
0x40: {  	_ =	shalt  }
0x41: {  	_ =	shalt  }
0x42: {  	_ =	shalt  }
0x43: {  	_ =	shalt  }
0x44: {  	_ =	shalt  }
0x45: {  	_ =	shalt  }
0x46: {  	_ =	shalt  }
0x47: {  	_ =	shalt  }
0x48: {  	_ =	shalt  }
0x49: {  	_ =	shalt  }
0x4a: {  	_ =	shalt  }
0x4b: {  	_ =	shalt  }
0x4c: {  	_ =	shalt  }
0x4d: {  	_ =	shalt  }
0x4e: {  	_ =	shalt  }
0x4f: {  	_ =	shalt  }
0x50: {  	_ =	shalt  }
0x51: {  	_ =	shalt  }
0x52: {  	_ =	shalt  }
0x53: {  	_ =	shalt  }
0x54: {  	_ =	shalt  }
0x55: {  	_ =	shalt  }
0x56: {  	_ =	shalt  }
0x57: {  	_ =	shalt  }
0x58: {  	_ =	shalt  }
0x59: {  	_ =	shalt  }
0x5a: {  	_ =	shalt  }
0x5b: {  	_ =	shalt  }
0x5c: {  	_ =	shalt  }
0x5d: {  	_ =	shalt  }
0x5e: {  	_ =	shalt  }
0x5f: {  	_ =	shalt  }
0x60: {  	_ =	shalt  }
0x61: {  	_ =	shalt  }
0x62: {  	_ =	shalt  }
0x63: {  	_ =	shalt  }
0x64: {  	_ =	shalt  }
0x65: {  	_ =	shalt  }
0x66: {  	_ =	shalt  }
0x67: {  	_ =	shalt  }
0x68: {  	_ =	shalt  }
0x69: {  	_ =	shalt  }
0x6a: {  	_ =	shalt  }
0x6b: {  	_ =	shalt  }
0x6c: {  	_ =	shalt  }
0x6d: {  	_ =	shalt  }
0x6e: {  	_ =	shalt  }
0x6f: {  	_ =	shalt  }
0x70: {  	_ =	shalt  }
0x71: {  	_ =	shalt  }
0x72: {  	_ =	shalt  }
0x73: {  	_ =	shalt  }
0x74: {  	_ =	shalt  }
0x75: {  	_ =	shalt  }
0x76: {  	_ =	shalt  }
0x77: {  	_ =	shalt  }
0x78: {  	_ =	shalt  }
0x79: {  	_ =	shalt  }
0x7a: {  	_ =	shalt  }
0x7b: {  	_ =	shalt  }
0x7c: {  	_ =	shalt  }
0x7d: {  	_ =	shalt  }
0x7e: {  	_ =	shalt  }
0x7f: {  	_ =	shalt  }
0x80: {  	_ =	shalt  }
0x81: {  	_ =	shalt  }
0x82: {  	_ =	shalt  }
0x83: {  	_ =	shalt  }
0x84: {  	_ =	shalt  }
0x85: {  	_ =	shalt  }
0x86: {  	_ =	shalt  }
0x87: {  	_ =	shalt  }
.Lfunc_end0:
.L_simem_size_0:
called_computation.1_lowered:
.L_overlay_start_0:
0x88: {  	s2 =	sld [smem:$0x3FD9]  }
0x89: {  	s3 =	sld [smem:$0x3FFE];
	_ =	sdelay $0x1  }
0x8a: {  	s1 =	srdreg.scid  }
0x8b: {  	s0 =	sand.u32 $0x1, s1  }
0x8c: {  	s17 =	sshll.u32 s0, $0xA;
	s2 =	sadd.s32 s3, s2  }
0x8d: {  	s2 =	sadd.s32 s2, s17  }
0x8e: {  	[smem:$0x3FC0] =	sst s2  }
0x8f: {  	_ = 	snop  }
0x90: {  	s18 =	sld [smem:$0x3FC9];
	(tm) =	ssettm $0x1  }
0x91: {  	s19 =	sld [smem:$0x3FFB];
	_ =	sdelay $0x3  }
0x92: {  	_ =	strace s19  }
0x93: {  	s2 =	sld [smem:$0x3FFC];
	_ =	sdelay $0x3  }
0x94: {  	_ =	strace s2  }
0x95: {  	s2 =	sld [smem:$0x3FFD];
	_ =	sdelay $0x3  }
0x96: {  	_ =	strace s2  }
0x97: {  	_ =	strace $0x8FFFFFFF  }
0x98: {  	s20 =	sld [smem:$0x3FDB];
	_ =	sdelay $0x1  }
0x99: {  	s4 =	simm.s32 $_scs_section_size  }
0x9a: {  	s5 =	simm.s32 $_size__tile_overlayer_lowered;
	s6 =	simm.s32 $_tile_overlayer_lowered  }
0x9b: {  	s7 =	simm.s32 $0x1BFF;
	s21 =	sshll.u32 s6, $0x1;
	s4 =	sadd.s32 s4, s20  }
0x9c: {  	s22 =	simm.s32 $0x0;
	s5 =	sshll.u32 s5, $0x1;
	s6 =	sadd.s32 s21, s4  }
0x9d: {  	[timem:s22], [sflag:s7] =	dma.local [hbm:s6], s5  }
0x9e: {  	_ =	swait.ge [sflag:s7], s5  }
0x9f: {  	s5 =	ssub.s32 $0x0, s5;
	[sflag:s7] =	ssyncset.done $0x0  }
0xa0: {  	[sflag:s7] =	ssyncadd.s32 s5;
	_ =	sdelay $0x1  }
0xa1: {  	s23 =	simm.s32 $0x1B8B  }
0xa2: {  	_ =	swait.ge [sflag:s23], $0x1  }
0xa3: {  	[sflag:s23] =	ssyncset.done $0x0  }
0xa4: {  	[sflag:s23] =	ssyncadd.s32 $0xFFFFFFFF  }
0xa5: {  	s5 =	sld [smem:$0x0]  }
0xa6: {  	s6 =	sand.u32 $0xFFFFFFFE, s1  }
0xa7: {  	p0 =	sne.s32 s1, s6  }
0xa8: {  	s6 =	sshll.u32 @p0 s6, $0xE  }
0xa9: {  	s6 =	sadd.s32 @p0 $0x11B8D, s6;
	s7 =	sshll.u32 @p0 s5, $0x11  }
0xaa: {  	s6 =	sor.u32 @p0 s7, s6  }
0xab: {  	[sflag:s6] =	ssyncadd.remote.s32 @p0 $0x1;
	_ =	sdelay $0x1  }
0xac: {  	s6 =	simm.s32 @p0 $0x1B8D  }
0xad: {  	_ =	swait.eq @p0 [sflag:s6], $0x1  }
0xae: {  	[sflag:s6] =	ssyncadd.s32 @p0 $0xFFFFFFFF  }
0xaf: {  	s7 =	sshll.u32 @!p0 s1, $0xE  }
0xb0: {  	s7 =	sor.u32 @!p0 $0x4000, s7;
	s6 =	simm.s32 @!p0 $0x1B8D  }
0xb1: {  	s5 =	sshll.u32 @!p0 s5, $0x11;
	s7 =	sadd.s32 @!p0 $0x11B8D, s7;
	_ =	swait.eq @!p0 [sflag:s6], $0x1  }
0xb2: {  	s5 =	sor.u32 @!p0 s5, s7;
	[sflag:s6] =	ssyncadd.s32 @!p0 $0xFFFFFFFF  }
0xb3: {  	s25 =	simm.s32 $0x1B8E;
	s24 =	sld [smem:$0x3FFE];
	[sflag:s5] =	ssyncadd.remote.s32 @!p0 $0x1  }
0xb4: {  	s26 =	simm.s32 $execute0_lowered;
	[smem:$0x3FD2] =	sst s25  }
0xb5: {  	s6 =	sshll.u32 s26, $0x1;
	_ =	strace $0x80000049;
	[dreg:$0x1] =	wrdreg $0xFFFFFFFF  }
0xb6: {  	s28 =	simm.s32 $_size_execute0_lowered;
	s4 =	sadd.s32 s4, s6;
	[dreg:$0x0] =	wrdreg $0x0  }
0xb7: {  	s6 =	sshll.u32 s28, $0x1;
	[dreg:$0x2] =	wrdreg s4  }
0xb8: {  	[dreg:$0x3] =	wrdreg s6  }
0xb9: {  	[dreg:$0x4] =	wrdreg $0xC0  }
0xba: {  	_ =	task [dreg:s22], $0x5FFFF  }
0xbb: {  	[dreg:$0x1] =	wrdreg $0xFFFFFFFF  }
0xbc: {  	[dreg:$0x0] =	wrdreg $0x60  }
0xbd: {  	[dreg:$0x2] =	wrdreg s18  }
0xbe: {  	[dreg:$0x3] =	wrdreg s24  }
0xbf: {  	[dreg:$0x4] =	wrdreg $0xA  }
0xc0: {  	_ =	task.clear_ibuf [dreg:s22], $0x5FFFF;
	_ =	strace $0x90000049  }
0xc1: {  	s29 =	simm.s32 $0xA;
	_ =	strace $0x8000004B  }
0xc2: {  	_ =	swait.ge [sflag:s29], $0x1  }
0xc3: {  	[sflag:s29] =	ssyncadd.s32 $0xFFFFFFFF  }
0xc4: {  	_ =	strace $0x9000004B  }
0xc5: {  	_ =	sfence  }
0xc6: {  	s30 =	sld [smem:$0x0];
	_ =	sdelay $0x2  }
0xc7: {  	s31 =	sshll.u32 s1, $0xD;
	s1 =	sshrl.u32 s1, $0x2  }
0xc8: {  	s4 =	sand.u32 $0x4000, s31;
	s1 =	sadd.s32 s1, s30  }
0xc9: {  	s0 =	sor.u32 s4, s0;
	s1 =	sshll.u32 s1, $0x11  }
0xca: {  	s0 =	sor.u32 s1, s0  }
0xcb: {  	s0 =	sadd.s32 $0x8F2B, s0  }
0xcc: {  	[sflag:s0] =	ssyncadd.remote.s32 $0x1  }
0xcd: {  	_ =	sfence.sel $0xFFFF  }
0xce: {  	[dreg:$0x0] =	wrdreg $0xFFFFFFFF;
	(pc) =	sbr.abs _section_cstart, $3  }
0xcf: {  	[dreg:$0x1] =	wrdreg $0xFFFFFFFF  }
0xd0: {  	_ =	task.clear_ibuf [dreg:s22], $0x2FFFF;
	_ =	strace $0x9FFFFFFF  }
0xd1: {  	(tm) =	ssettm $0x7FFFFFFF  }
tec
execute0_lowered:
.L_overlay_start_1:
0x0: {  	(tag) =	ssettag $0x1  }
0x1: {  	s2 =	rddreg [dreg:$0x0]  }
0x2: {  	s4 =	rddreg [dreg:$0x1]  }
0x3: {  	s0 =	rddreg [dreg:$0x2];
	s3 =	simm.s32 $0x0  }
0x4: {  	s1 =	stileid.u32;
	s5 =	srdreg.scid;
	s9 =	simm.s32 $0x3000  }
0x5: {  	s10 =	simm.s32 $0x3800;
	s11 =	simm.s32 $0x4000;
	s12 =	simm.s32 $0x4800  }
0x6: {  	s13 =	simm.s32 $0x5000;
	s14 =	simm.s32 $0x5800;
	s15 =	simm.s32 $0x6000  }
0x7: {  	s16 =	simm.s32 $0x6800;
	s17 =	simm.s32 $0x7000;
	s18 =	simm.s32 $0x7800  }
0x8: {  	s19 =	simm.s32 $0x8000;
	s20 =	simm.s32 $0x8800;
	s21 =	simm.s32 $0x9000  }
0x9: {  	s22 =	simm.s32 $0x9800;
	s23 =	simm.s32 $0xA000;
	s24 =	simm.s32 $0x1  }
0xa: {  	s25 =	simm.s32 $0x2;
	s26 =	simm.s32 $0x0;
	s6 =	smul.u32 $0x500, s1  }
.Ltmp0:
0xb: {  	[smem:$0x7FF] =	sst s3;
	s5 =	sand.u32 $0x1, s5;
	(pc) =	sbr.rel .LBB2_1-.Ltmp0, $4  }
0xc: {  	s7 =	sshll.u32 s1, $0xB;
	_ =	strace $0x8000004A;
	s5 =	ssub.s32 $0x2, s5  }
0xd: {  	v2 =	vlaneseq.u32;
	s7 =	sadd.s32 s7, s4;
	s6 =	sadd.s32 s6, s4;
	s31 =	sshrl.u32 s5, $0x1  }
0xe: {  	vm0 =	vmmov $0xffff;
	v1 =	vshrl.u32 v2, $0x3;
	s8 =	ssub.s32 s5, s31;
	s4 =	sadd.s32 $0x6400, s6;
	s5 =	sadd.s32 $0xB400, s7  }
0xf: {  	v0 =	vand.u32 $0x7, v2;
	v2 =	vor.u32 $0x8, v2;
	v1 =	vmul.u32 $0x8, v1;
	s7 =	simm.s32 $0x3;
	s6 =	smax.u32 s8, $0x1;
	s8 =	simm.s32 $0x2800  }
.LBB2_11:
0x10: {  	s26 =	sadd.s32 $0x1, s26  }
0x11: {  	p0 =	sne.s32 s26, s6  }
.Ltmp1:
0x12: {  	_ = 	snop;
	(pc) =	sbr.rel @!p0 .LBB2_12-.Ltmp1, $4  }
0x13: {  	[hbm4b:s5+s3] =	stream.linear.scatter [tilespmem:s8], [sflag:$0x3], $0x4000, $0x38;
	[tilespmem:$0xA800] =	vst v63  }
0x14: {  	_ =	swait.ge [sflag:s7], $0x4000  }
0x15: {  	[sflag:s7] =	ssyncset.done $0x0  }
0x16: {  	[sflag:s7] =	ssyncadd.s32 $0xFFFFC000  }
.LBB2_1:
0x17: {  	[tilespmem:s3], [sflag:$0x3] =	stream.linear.gather [hbm4b:s4+s3], $0x2800, $0x38;
	[tilespmem:$0xA800] =	vst v63  }
0x18: {  	_ =	swait.ge [sflag:s7], $0x2800  }
0x19: {  	[sflag:s7] =	ssyncset.done $0x0  }
0x1a: {  	[sflag:s7] =	ssyncadd.s32 $0xFFFFD800  }
0x1b: {  	v3 =	vld [tilespmem:$0x0];
	_ =	sdelay $0x4  }
0x1c: {  	v4 =	vshll.u32 v3, $0x1  }
0x1d: {  	v3 =	vand.u32 $0x7, v3;
	v4 =	vand.u32 $0xFFFFFFF0, v4  }
0x1e: {  	v3 =	vor.u32 v3, v4  }
0x1f: {  	v4 =	vperm.xlane v3, v0;
	_ =	sdelay $0x1  }
0x20: {  	v3 =	vperm.xlane v3, v2;
	v4 =	vadd.s32 v1, v4;
	_ =	sdelay $0x1  }
0x21: {  	v3 =	vadd.s32 v1, v3;
	_ =	sdelay $0x2  }
0x22: {  	[tilespmem:s8], [sflag:$0x1] =	stream.indirect_vreg.gather [hbm4b:s2+s3], $0x80, v4, vm0, $0xb8;
	[tilespmem:$0xA800] =	vst v63  }
0x23: {  	_ = 	snop  }
0x24: {  	[tilespmem:s9], [sflag:$0x1] =	stream.indirect_vreg.gather [hbm4b:s2+s3], $0x80, v3, vm0, $0xb8;
	[tilespmem:$0xA800] =	vst v63  }
0x25: {  	v3 =	vld [tilespmem:$0x10];
	_ =	sdelay $0x4  }
0x26: {  	v57 =	vshll.u32 v3, $0x1  }
0x27: {  	v3 =	vand.u32 $0x7, v3;
	v4 =	vand.u32 $0xFFFFFFF0, v57  }
0x28: {  	v3 =	vor.u32 v3, v4  }
0x29: {  	v4 =	vperm.xlane v3, v0;
	_ =	sdelay $0x1  }
0x2a: {  	v3 =	vperm.xlane v3, v2;
	v4 =	vadd.s32 v1, v4;
	_ =	sdelay $0x1  }
0x2b: {  	v3 =	vadd.s32 v1, v3;
	_ =	sdelay $0x2  }
0x2c: {  	[tilespmem:s10], [sflag:$0x1] =	stream.indirect_vreg.gather [hbm4b:s2+s3], $0x80, v4, vm0, $0xb8;
	[tilespmem:$0xA800] =	vst v63  }
0x2d: {  	_ = 	snop  }
0x2e: {  	[tilespmem:s11], [sflag:$0x1] =	stream.indirect_vreg.gather [hbm4b:s2+s3], $0x80, v3, vm0, $0xb8;
	[tilespmem:$0xA800] =	vst v63  }
0x2f: {  	v3 =	vld [tilespmem:$0x20];
	_ =	sdelay $0x4  }
0x30: {  	v58 =	vshll.u32 v3, $0x1  }
0x31: {  	v3 =	vand.u32 $0x7, v3;
	v4 =	vand.u32 $0xFFFFFFF0, v58  }
0x32: {  	v3 =	vor.u32 v3, v4  }
0x33: {  	v4 =	vperm.xlane v3, v0;
	_ =	sdelay $0x1  }
0x34: {  	v3 =	vperm.xlane v3, v2;
	v4 =	vadd.s32 v1, v4;
	_ =	sdelay $0x1  }
0x35: {  	v3 =	vadd.s32 v1, v3;
	_ =	sdelay $0x2  }
0x36: {  	[tilespmem:s12], [sflag:$0x1] =	stream.indirect_vreg.gather [hbm4b:s2+s3], $0x80, v4, vm0, $0xb8;
	[tilespmem:$0xA800] =	vst v63  }
0x37: {  	_ = 	snop  }
0x38: {  	[tilespmem:s13], [sflag:$0x1] =	stream.indirect_vreg.gather [hbm4b:s2+s3], $0x80, v3, vm0, $0xb8;
	[tilespmem:$0xA800] =	vst v63  }
0x39: {  	v3 =	vld [tilespmem:$0x30];
	_ =	sdelay $0x4  }
0x3a: {  	v59 =	vshll.u32 v3, $0x1  }
0x3b: {  	v3 =	vand.u32 $0x7, v3;
	v4 =	vand.u32 $0xFFFFFFF0, v59  }
0x3c: {  	v3 =	vor.u32 v3, v4  }
0x3d: {  	v4 =	vperm.xlane v3, v0;
	_ =	sdelay $0x1  }
0x3e: {  	v3 =	vperm.xlane v3, v2;
	v4 =	vadd.s32 v1, v4;
	_ =	sdelay $0x1  }
0x3f: {  	v3 =	vadd.s32 v1, v3;
	_ =	sdelay $0x2  }
0x40: {  	[tilespmem:s14], [sflag:$0x1] =	stream.indirect_vreg.gather [hbm4b:s2+s3], $0x80, v4, vm0, $0xb8;
	[tilespmem:$0xA800] =	vst v63  }
0x41: {  	_ = 	snop  }
0x42: {  	[tilespmem:s15], [sflag:$0x1] =	stream.indirect_vreg.gather [hbm4b:s2+s3], $0x80, v3, vm0, $0xb8;
	[tilespmem:$0xA800] =	vst v63  }
0x43: {  	v3 =	vld [tilespmem:$0x40];
	_ =	sdelay $0x4  }
0x44: {  	v60 =	vshll.u32 v3, $0x1  }
0x45: {  	v3 =	vand.u32 $0x7, v3;
	v4 =	vand.u32 $0xFFFFFFF0, v60  }
0x46: {  	v3 =	vor.u32 v3, v4  }
0x47: {  	v4 =	vperm.xlane v3, v0;
	_ =	sdelay $0x1  }
0x48: {  	v3 =	vperm.xlane v3, v2;
	v4 =	vadd.s32 v1, v4;
	_ =	sdelay $0x1  }
0x49: {  	v3 =	vadd.s32 v1, v3;
	_ =	sdelay $0x2  }
0x4a: {  	[tilespmem:s16], [sflag:$0x2] =	stream.indirect_vreg.gather [hbm4b:s2+s3], $0x80, v4, vm0, $0xb8;
	[tilespmem:$0xA800] =	vst v63  }
0x4b: {  	_ = 	snop  }
0x4c: {  	[tilespmem:s17], [sflag:$0x2] =	stream.indirect_vreg.gather [hbm4b:s2+s3], $0x80, v3, vm0, $0xb8;
	[tilespmem:$0xA800] =	vst v63  }
0x4d: {  	v3 =	vld [tilespmem:$0x50];
	_ =	sdelay $0x4  }
0x4e: {  	v61 =	vshll.u32 v3, $0x1  }
0x4f: {  	v3 =	vand.u32 $0x7, v3;
	v4 =	vand.u32 $0xFFFFFFF0, v61  }
0x50: {  	v3 =	vor.u32 v3, v4  }
0x51: {  	v4 =	vperm.xlane v3, v0;
	_ =	sdelay $0x1  }
0x52: {  	v3 =	vperm.xlane v3, v2;
	v4 =	vadd.s32 v1, v4;
	_ =	sdelay $0x1  }
0x53: {  	v3 =	vadd.s32 v1, v3;
	_ =	sdelay $0x2  }
0x54: {  	[tilespmem:s18], [sflag:$0x2] =	stream.indirect_vreg.gather [hbm4b:s2+s3], $0x80, v4, vm0, $0xb8;
	[tilespmem:$0xA800] =	vst v63  }
0x55: {  	_ = 	snop  }
0x56: {  	[tilespmem:s19], [sflag:$0x2] =	stream.indirect_vreg.gather [hbm4b:s2+s3], $0x80, v3, vm0, $0xb8;
	[tilespmem:$0xA800] =	vst v63  }
0x57: {  	v3 =	vld [tilespmem:$0x60];
	_ =	sdelay $0x4  }
0x58: {  	v62 =	vshll.u32 v3, $0x1  }
0x59: {  	v3 =	vand.u32 $0x7, v3;
	v4 =	vand.u32 $0xFFFFFFF0, v62  }
0x5a: {  	v3 =	vor.u32 v3, v4  }
0x5b: {  	v4 =	vperm.xlane v3, v0;
	_ =	sdelay $0x1  }
0x5c: {  	v3 =	vperm.xlane v3, v2;
	v4 =	vadd.s32 v1, v4;
	_ =	sdelay $0x1  }
0x5d: {  	v3 =	vadd.s32 v1, v3;
	_ =	sdelay $0x2  }
0x5e: {  	[tilespmem:s20], [sflag:$0x2] =	stream.indirect_vreg.gather [hbm4b:s2+s3], $0x80, v4, vm0, $0xb8;
	[tilespmem:$0xA800] =	vst v63  }
0x5f: {  	_ = 	snop  }
0x60: {  	[tilespmem:s21], [sflag:$0x2] =	stream.indirect_vreg.gather [hbm4b:s2+s3], $0x80, v3, vm0, $0xb8;
	[tilespmem:$0xA800] =	vst v63  }
0x61: {  	v3 =	vld [tilespmem:$0x70];
	_ =	sdelay $0x4  }
0x62: {  	v63 =	vshll.u32 v3, $0x1  }
0x63: {  	v3 =	vand.u32 $0x7, v3;
	v4 =	vand.u32 $0xFFFFFFF0, v63  }
0x64: {  	v3 =	vor.u32 v3, v4  }
0x65: {  	v4 =	vperm.xlane v3, v0;
	_ =	sdelay $0x1  }
0x66: {  	v3 =	vperm.xlane v3, v2;
	v4 =	vadd.s32 v1, v4;
	_ =	sdelay $0x1  }
0x67: {  	v3 =	vadd.s32 v1, v3  }
.Ltmp2:
0x68: {  	_ = 	snop;
	(pc) =	sbr.rel .LBB2_2-.Ltmp2, $4  }
0x69: {  	_ = 	snop  }
0x6a: {  	[tilespmem:s22], [sflag:$0x2] =	stream.indirect_vreg.gather [hbm4b:s2+s3], $0x80, v4, vm0, $0xb8;
	[tilespmem:$0xA800] =	vst v63  }
0x6b: {  	s28 =	simm.s32 $0x0  }
0x6c: {  	[tilespmem:s23], [sflag:$0x2] =	stream.indirect_vreg.gather [hbm4b:s2+s3], $0x80, v3, vm0, $0xb8;
	[tilespmem:$0xA800] =	vst v63  }
.LBB2_4:
0x6d: {  	v3 =	vld [tilespmem:s29+$0x200];
	_ =	sdelay $0x4  }
0x6e: {  	v4 =	vshll.u32 v3, $0x1  }
0x6f: {  	v3 =	vand.u32 $0x7, v3;
	v4 =	vand.u32 $0xFFFFFFF0, v4  }
0x70: {  	v3 =	vor.u32 v3, v4  }
0x71: {  	v4 =	vperm.xlane v3, v0;
	_ =	sdelay $0x1  }
0x72: {  	v3 =	vperm.xlane v3, v2;
	v4 =	vadd.s32 v1, v4;
	_ =	sdelay $0x1  }
0x73: {  	v3 =	vadd.s32 v1, v3;
	_ =	sdelay $0x2  }
0x74: {  	[tilespmem:s8], [sflag:$0x1] =	stream.indirect_vreg.gather [hbm4b:s2+s3], $0x80, v4, vm0, $0xb8;
	[tilespmem:$0xA800] =	vst v63  }
0x75: {  	_ = 	snop  }
0x76: {  	[tilespmem:s9], [sflag:$0x1] =	stream.indirect_vreg.gather [hbm4b:s2+s3], $0x80, v3, vm0, $0xb8;
	[tilespmem:$0xA800] =	vst v63  }
0x77: {  	v3 =	vld [tilespmem:s29+$0x210];
	_ =	sdelay $0x4  }
0x78: {  	v57 =	vshll.u32 v3, $0x1  }
0x79: {  	v3 =	vand.u32 $0x7, v3;
	v4 =	vand.u32 $0xFFFFFFF0, v57  }
0x7a: {  	v3 =	vor.u32 v3, v4  }
0x7b: {  	v4 =	vperm.xlane v3, v0;
	_ =	sdelay $0x1  }
0x7c: {  	v3 =	vperm.xlane v3, v2;
	v4 =	vadd.s32 v1, v4;
	_ =	sdelay $0x1  }
0x7d: {  	v3 =	vadd.s32 v1, v3;
	_ =	sdelay $0x2  }
0x7e: {  	[tilespmem:s10], [sflag:$0x1] =	stream.indirect_vreg.gather [hbm4b:s2+s3], $0x80, v4, vm0, $0xb8;
	[tilespmem:$0xA800] =	vst v63  }
0x7f: {  	_ = 	snop  }
0x80: {  	[tilespmem:s11], [sflag:$0x1] =	stream.indirect_vreg.gather [hbm4b:s2+s3], $0x80, v3, vm0, $0xb8;
	[tilespmem:$0xA800] =	vst v63  }
0x81: {  	v3 =	vld [tilespmem:s29+$0x220];
	_ =	sdelay $0x4  }
0x82: {  	v58 =	vshll.u32 v3, $0x1  }
0x83: {  	v3 =	vand.u32 $0x7, v3;
	v4 =	vand.u32 $0xFFFFFFF0, v58  }
0x84: {  	v3 =	vor.u32 v3, v4  }
0x85: {  	v4 =	vperm.xlane v3, v0;
	_ =	sdelay $0x1  }
0x86: {  	v3 =	vperm.xlane v3, v2;
	v4 =	vadd.s32 v1, v4;
	_ =	sdelay $0x1  }
0x87: {  	v3 =	vadd.s32 v1, v3;
	_ =	sdelay $0x2  }
0x88: {  	[tilespmem:s12], [sflag:$0x1] =	stream.indirect_vreg.gather [hbm4b:s2+s3], $0x80, v4, vm0, $0xb8;
	[tilespmem:$0xA800] =	vst v63  }
0x89: {  	_ = 	snop  }
0x8a: {  	[tilespmem:s13], [sflag:$0x1] =	stream.indirect_vreg.gather [hbm4b:s2+s3], $0x80, v3, vm0, $0xb8;
	[tilespmem:$0xA800] =	vst v63  }
0x8b: {  	v3 =	vld [tilespmem:s29+$0x230];
	_ =	sdelay $0x4  }
0x8c: {  	v59 =	vshll.u32 v3, $0x1  }
0x8d: {  	v3 =	vand.u32 $0x7, v3;
	v4 =	vand.u32 $0xFFFFFFF0, v59  }
0x8e: {  	v3 =	vor.u32 v3, v4  }
0x8f: {  	v4 =	vperm.xlane v3, v0;
	_ =	sdelay $0x1  }
0x90: {  	v3 =	vperm.xlane v3, v2;
	v4 =	vadd.s32 v1, v4;
	_ =	sdelay $0x1  }
0x91: {  	v3 =	vadd.s32 v1, v3;
	_ =	sdelay $0x2  }
0x92: {  	[tilespmem:s14], [sflag:$0x1] =	stream.indirect_vreg.gather [hbm4b:s2+s3], $0x80, v4, vm0, $0xb8;
	[tilespmem:$0xA800] =	vst v63  }
0x93: {  	_ = 	snop  }
0x94: {  	[tilespmem:s15], [sflag:$0x1] =	stream.indirect_vreg.gather [hbm4b:s2+s3], $0x80, v3, vm0, $0xb8;
	[tilespmem:$0xA800] =	vst v63  }
0x95: {  	_ =	swait.ge [sflag:s24], $0x4000  }
0x96: {  	[sflag:s24] =	ssyncset.done $0x0  }
0x97: {  	[sflag:s24] =	ssyncadd.s32 $0xFFFFC000  }
0x98: {  	v3 =	vld [tilespmem:s29+$0x240];
	_ =	sdelay $0x4  }
0x99: {  	v60 =	vshll.u32 v3, $0x1  }
0x9a: {  	v3 =	vand.u32 $0x7, v3;
	v4 =	vand.u32 $0xFFFFFFF0, v60  }
0x9b: {  	v3 =	vor.u32 v3, v4  }
0x9c: {  	v4 =	vperm.xlane v3, v0;
	_ =	sdelay $0x1  }
0x9d: {  	v3 =	vperm.xlane v3, v2;
	v4 =	vadd.s32 v1, v4;
	_ =	sdelay $0x1  }
0x9e: {  	v3 =	vadd.s32 v1, v3;
	_ =	sdelay $0x2  }
0x9f: {  	[tilespmem:s16], [sflag:$0x2] =	stream.indirect_vreg.gather [hbm4b:s2+s3], $0x80, v4, vm0, $0xb8;
	[tilespmem:$0xA800] =	vst v63  }
0xa0: {  	_ = 	snop  }
0xa1: {  	[tilespmem:s17], [sflag:$0x2] =	stream.indirect_vreg.gather [hbm4b:s2+s3], $0x80, v3, vm0, $0xb8;
	[tilespmem:$0xA800] =	vst v63  }
0xa2: {  	v3 =	vld [tilespmem:s29+$0x250];
	_ =	sdelay $0x4  }
0xa3: {  	v61 =	vshll.u32 v3, $0x1  }
0xa4: {  	v3 =	vand.u32 $0x7, v3;
	v4 =	vand.u32 $0xFFFFFFF0, v61  }
0xa5: {  	v3 =	vor.u32 v3, v4  }
0xa6: {  	v4 =	vperm.xlane v3, v0;
	_ =	sdelay $0x1  }
0xa7: {  	v3 =	vperm.xlane v3, v2;
	v4 =	vadd.s32 v1, v4;
	_ =	sdelay $0x1  }
0xa8: {  	v3 =	vadd.s32 v1, v3;
	_ =	sdelay $0x2  }
0xa9: {  	[tilespmem:s18], [sflag:$0x2] =	stream.indirect_vreg.gather [hbm4b:s2+s3], $0x80, v4, vm0, $0xb8;
	[tilespmem:$0xA800] =	vst v63  }
0xaa: {  	_ = 	snop  }
0xab: {  	[tilespmem:s19], [sflag:$0x2] =	stream.indirect_vreg.gather [hbm4b:s2+s3], $0x80, v3, vm0, $0xb8;
	[tilespmem:$0xA800] =	vst v63  }
0xac: {  	v3 =	vld [tilespmem:s29+$0x260];
	_ =	sdelay $0x4  }
0xad: {  	v62 =	vshll.u32 v3, $0x1  }
0xae: {  	v3 =	vand.u32 $0x7, v3;
	v4 =	vand.u32 $0xFFFFFFF0, v62  }
0xaf: {  	v3 =	vor.u32 v3, v4  }
0xb0: {  	v4 =	vperm.xlane v3, v0;
	_ =	sdelay $0x1  }
0xb1: {  	v3 =	vperm.xlane v3, v2;
	v4 =	vadd.s32 v1, v4;
	_ =	sdelay $0x1  }
0xb2: {  	v3 =	vadd.s32 v1, v3;
	_ =	sdelay $0x2  }
0xb3: {  	[tilespmem:s20], [sflag:$0x2] =	stream.indirect_vreg.gather [hbm4b:s2+s3], $0x80, v4, vm0, $0xb8;
	[tilespmem:$0xA800] =	vst v63  }
0xb4: {  	_ = 	snop  }
0xb5: {  	[tilespmem:s21], [sflag:$0x2] =	stream.indirect_vreg.gather [hbm4b:s2+s3], $0x80, v3, vm0, $0xb8;
	[tilespmem:$0xA800] =	vst v63  }
0xb6: {  	v3 =	vld [tilespmem:s29+$0x270];
	_ =	sdelay $0x4  }
0xb7: {  	v63 =	vshll.u32 v3, $0x1  }
0xb8: {  	v3 =	vand.u32 $0x7, v3;
	v4 =	vand.u32 $0xFFFFFFF0, v63  }
0xb9: {  	v3 =	vor.u32 v3, v4  }
0xba: {  	v4 =	vperm.xlane v3, v0;
	_ =	sdelay $0x1  }
0xbb: {  	v3 =	vperm.xlane v3, v2;
	v4 =	vadd.s32 v1, v4;
	_ =	sdelay $0x1  }
0xbc: {  	v3 =	vadd.s32 v1, v3;
	_ =	sdelay $0x2  }
0xbd: {  	[tilespmem:s22], [sflag:$0x2] =	stream.indirect_vreg.gather [hbm4b:s2+s3], $0x80, v4, vm0, $0xb8;
	[tilespmem:$0xA800] =	vst v63  }
0xbe: {  	_ = 	snop  }
0xbf: {  	[tilespmem:s23], [sflag:$0x2] =	stream.indirect_vreg.gather [hbm4b:s2+s3], $0x80, v3, vm0, $0xb8;
	[tilespmem:$0xA800] =	vst v63  }
.LBB2_5:
0xc0: {  	s28 =	sadd.s32 $0x800, s28  }
0xc1: {  	p0 =	sne.s32 s28, $0xA000  }
.Ltmp3:
0xc2: {  	_ = 	snop;
	(pc) =	sbr.rel @!p0 .LBB2_6-.Ltmp3, $4  }
0xc3: {  	_ = 	snop  }
0xc4: {  	_ =	swait.ge [sflag:s25], $0x4000  }
0xc5: {  	[sflag:s25] =	ssyncset.done $0x0  }
0xc6: {  	[sflag:s25] =	ssyncadd.s32 $0xFFFFC000  }
.LBB2_2:
0xc7: {  	s29 =	sshra.s32 s28, $0x2  }
0xc8: {  	v3 =	vld [tilespmem:s29+$0x80];
	_ =	sdelay $0x4  }
0xc9: {  	v4 =	vshll.u32 v3, $0x1  }
0xca: {  	v3 =	vand.u32 $0x7, v3;
	v4 =	vand.u32 $0xFFFFFFF0, v4  }
0xcb: {  	v3 =	vor.u32 v3, v4  }
0xcc: {  	v4 =	vperm.xlane v3, v0;
	_ =	sdelay $0x1  }
0xcd: {  	v3 =	vperm.xlane v3, v2;
	v4 =	vadd.s32 v1, v4;
	_ =	sdelay $0x1  }
0xce: {  	v3 =	vadd.s32 v1, v3;
	_ =	sdelay $0x2  }
0xcf: {  	[tilespmem:s8], [sflag:$0x1] =	stream.indirect_vreg.gather [hbm4b:s2+s3], $0x80, v4, vm0, $0xb8;
	[tilespmem:$0xA800] =	vst v63  }
0xd0: {  	_ = 	snop  }
0xd1: {  	[tilespmem:s9], [sflag:$0x1] =	stream.indirect_vreg.gather [hbm4b:s2+s3], $0x80, v3, vm0, $0xb8;
	[tilespmem:$0xA800] =	vst v63  }
0xd2: {  	v3 =	vld [tilespmem:s29+$0x90];
	_ =	sdelay $0x4  }
0xd3: {  	v41 =	vshll.u32 v3, $0x1  }
0xd4: {  	v3 =	vand.u32 $0x7, v3;
	v4 =	vand.u32 $0xFFFFFFF0, v41  }
0xd5: {  	v3 =	vor.u32 v3, v4  }
0xd6: {  	v4 =	vperm.xlane v3, v0;
	_ =	sdelay $0x1  }
0xd7: {  	v3 =	vperm.xlane v3, v2;
	v4 =	vadd.s32 v1, v4;
	_ =	sdelay $0x1  }
0xd8: {  	v3 =	vadd.s32 v1, v3;
	_ =	sdelay $0x2  }
0xd9: {  	[tilespmem:s10], [sflag:$0x1] =	stream.indirect_vreg.gather [hbm4b:s2+s3], $0x80, v4, vm0, $0xb8;
	[tilespmem:$0xA800] =	vst v63  }
0xda: {  	_ = 	snop  }
0xdb: {  	[tilespmem:s11], [sflag:$0x1] =	stream.indirect_vreg.gather [hbm4b:s2+s3], $0x80, v3, vm0, $0xb8;
	[tilespmem:$0xA800] =	vst v63  }
0xdc: {  	v3 =	vld [tilespmem:s29+$0xA0];
	_ =	sdelay $0x4  }
0xdd: {  	v42 =	vshll.u32 v3, $0x1  }
0xde: {  	v3 =	vand.u32 $0x7, v3;
	v4 =	vand.u32 $0xFFFFFFF0, v42  }
0xdf: {  	v3 =	vor.u32 v3, v4  }
0xe0: {  	v4 =	vperm.xlane v3, v0;
	_ =	sdelay $0x1  }
0xe1: {  	v3 =	vperm.xlane v3, v2;
	v4 =	vadd.s32 v1, v4;
	_ =	sdelay $0x1  }
0xe2: {  	v3 =	vadd.s32 v1, v3;
	_ =	sdelay $0x2  }
0xe3: {  	[tilespmem:s12], [sflag:$0x1] =	stream.indirect_vreg.gather [hbm4b:s2+s3], $0x80, v4, vm0, $0xb8;
	[tilespmem:$0xA800] =	vst v63  }
0xe4: {  	_ = 	snop  }
0xe5: {  	[tilespmem:s13], [sflag:$0x1] =	stream.indirect_vreg.gather [hbm4b:s2+s3], $0x80, v3, vm0, $0xb8;
	[tilespmem:$0xA800] =	vst v63  }
0xe6: {  	v3 =	vld [tilespmem:s29+$0xB0];
	_ =	sdelay $0x4  }
0xe7: {  	v43 =	vshll.u32 v3, $0x1  }
0xe8: {  	v3 =	vand.u32 $0x7, v3;
	v4 =	vand.u32 $0xFFFFFFF0, v43  }
0xe9: {  	v3 =	vor.u32 v3, v4  }
0xea: {  	v4 =	vperm.xlane v3, v0;
	_ =	sdelay $0x1  }
0xeb: {  	v3 =	vperm.xlane v3, v2;
	v4 =	vadd.s32 v1, v4;
	_ =	sdelay $0x1  }
0xec: {  	v3 =	vadd.s32 v1, v3;
	_ =	sdelay $0x2  }
0xed: {  	[tilespmem:s14], [sflag:$0x1] =	stream.indirect_vreg.gather [hbm4b:s2+s3], $0x80, v4, vm0, $0xb8;
	[tilespmem:$0xA800] =	vst v63  }
0xee: {  	_ = 	snop  }
0xef: {  	[tilespmem:s15], [sflag:$0x1] =	stream.indirect_vreg.gather [hbm4b:s2+s3], $0x80, v3, vm0, $0xb8;
	[tilespmem:$0xA800] =	vst v63  }
0xf0: {  	_ =	swait.ge [sflag:s24], $0x4000  }
0xf1: {  	[sflag:s24] =	ssyncset.done $0x0  }
0xf2: {  	[sflag:s24] =	ssyncadd.s32 $0xFFFFC000  }
0xf3: {  	v3 =	vld [tilespmem:s29+$0xC0];
	_ =	sdelay $0x4  }
0xf4: {  	v44 =	vshll.u32 v3, $0x1  }
0xf5: {  	v3 =	vand.u32 $0x7, v3;
	v4 =	vand.u32 $0xFFFFFFF0, v44  }
0xf6: {  	v3 =	vor.u32 v3, v4  }
0xf7: {  	v4 =	vperm.xlane v3, v0;
	_ =	sdelay $0x1  }
0xf8: {  	v3 =	vperm.xlane v3, v2;
	v4 =	vadd.s32 v1, v4;
	_ =	sdelay $0x1  }
0xf9: {  	v3 =	vadd.s32 v1, v3;
	_ =	sdelay $0x2  }
0xfa: {  	[tilespmem:s16], [sflag:$0x2] =	stream.indirect_vreg.gather [hbm4b:s2+s3], $0x80, v4, vm0, $0xb8;
	[tilespmem:$0xA800] =	vst v63  }
0xfb: {  	_ = 	snop  }
0xfc: {  	[tilespmem:s17], [sflag:$0x2] =	stream.indirect_vreg.gather [hbm4b:s2+s3], $0x80, v3, vm0, $0xb8;
	[tilespmem:$0xA800] =	vst v63  }
0xfd: {  	v3 =	vld [tilespmem:s29+$0xD0];
	_ =	sdelay $0x4  }
0xfe: {  	v45 =	vshll.u32 v3, $0x1  }
0xff: {  	v3 =	vand.u32 $0x7, v3;
	v4 =	vand.u32 $0xFFFFFFF0, v45  }
0x100: {  	v3 =	vor.u32 v3, v4  }
0x101: {  	v4 =	vperm.xlane v3, v0;
	_ =	sdelay $0x1  }
0x102: {  	v3 =	vperm.xlane v3, v2;
	v4 =	vadd.s32 v1, v4;
	_ =	sdelay $0x1  }
0x103: {  	v3 =	vadd.s32 v1, v3;
	_ =	sdelay $0x2  }
0x104: {  	[tilespmem:s18], [sflag:$0x2] =	stream.indirect_vreg.gather [hbm4b:s2+s3], $0x80, v4, vm0, $0xb8;
	[tilespmem:$0xA800] =	vst v63  }
0x105: {  	_ = 	snop  }
0x106: {  	[tilespmem:s19], [sflag:$0x2] =	stream.indirect_vreg.gather [hbm4b:s2+s3], $0x80, v3, vm0, $0xb8;
	[tilespmem:$0xA800] =	vst v63  }
0x107: {  	v3 =	vld [tilespmem:s29+$0xE0];
	_ =	sdelay $0x4  }
0x108: {  	v46 =	vshll.u32 v3, $0x1  }
0x109: {  	v3 =	vand.u32 $0x7, v3;
	v4 =	vand.u32 $0xFFFFFFF0, v46  }
0x10a: {  	v3 =	vor.u32 v3, v4  }
0x10b: {  	v4 =	vperm.xlane v3, v0;
	_ =	sdelay $0x1  }
0x10c: {  	v3 =	vperm.xlane v3, v2;
	v4 =	vadd.s32 v1, v4;
	_ =	sdelay $0x1  }
0x10d: {  	v3 =	vadd.s32 v1, v3;
	_ =	sdelay $0x2  }
0x10e: {  	[tilespmem:s20], [sflag:$0x2] =	stream.indirect_vreg.gather [hbm4b:s2+s3], $0x80, v4, vm0, $0xb8;
	[tilespmem:$0xA800] =	vst v63  }
0x10f: {  	_ = 	snop  }
0x110: {  	[tilespmem:s21], [sflag:$0x2] =	stream.indirect_vreg.gather [hbm4b:s2+s3], $0x80, v3, vm0, $0xb8;
	[tilespmem:$0xA800] =	vst v63  }
0x111: {  	v3 =	vld [tilespmem:s29+$0xF0];
	_ =	sdelay $0x4  }
0x112: {  	v47 =	vshll.u32 v3, $0x1  }
0x113: {  	v3 =	vand.u32 $0x7, v3;
	v4 =	vand.u32 $0xFFFFFFF0, v47  }
0x114: {  	v3 =	vor.u32 v3, v4  }
0x115: {  	v4 =	vperm.xlane v3, v0;
	_ =	sdelay $0x1  }
0x116: {  	v3 =	vperm.xlane v3, v2;
	v4 =	vadd.s32 v1, v4;
	_ =	sdelay $0x1  }
0x117: {  	v3 =	vadd.s32 v1, v3;
	_ =	sdelay $0x2  }
0x118: {  	[tilespmem:s22], [sflag:$0x2] =	stream.indirect_vreg.gather [hbm4b:s2+s3], $0x80, v4, vm0, $0xb8;
	[tilespmem:$0xA800] =	vst v63  }
0x119: {  	_ = 	snop  }
0x11a: {  	[tilespmem:s23], [sflag:$0x2] =	stream.indirect_vreg.gather [hbm4b:s2+s3], $0x80, v3, vm0, $0xb8;
	[tilespmem:$0xA800] =	vst v63  }
0x11b: {  	_ =	swait.ge [sflag:s25], $0x4000  }
0x11c: {  	[sflag:s25] =	ssyncset.done $0x0  }
0x11d: {  	[sflag:s25] =	ssyncadd.s32 $0xFFFFC000  }
0x11e: {  	v3 =	vld [tilespmem:s29+$0x100];
	_ =	sdelay $0x4  }
0x11f: {  	v48 =	vshll.u32 v3, $0x1  }
0x120: {  	v3 =	vand.u32 $0x7, v3;
	v4 =	vand.u32 $0xFFFFFFF0, v48  }
0x121: {  	v3 =	vor.u32 v3, v4  }
0x122: {  	v4 =	vperm.xlane v3, v0;
	_ =	sdelay $0x1  }
0x123: {  	v3 =	vperm.xlane v3, v2;
	v4 =	vadd.s32 v1, v4;
	_ =	sdelay $0x1  }
0x124: {  	v3 =	vadd.s32 v1, v3;
	_ =	sdelay $0x2  }
0x125: {  	[tilespmem:s8], [sflag:$0x1] =	stream.indirect_vreg.gather [hbm4b:s2+s3], $0x80, v4, vm0, $0xb8;
	[tilespmem:$0xA800] =	vst v63  }
0x126: {  	_ = 	snop  }
0x127: {  	[tilespmem:s9], [sflag:$0x1] =	stream.indirect_vreg.gather [hbm4b:s2+s3], $0x80, v3, vm0, $0xb8;
	[tilespmem:$0xA800] =	vst v63  }
0x128: {  	v3 =	vld [tilespmem:s29+$0x110];
	_ =	sdelay $0x4  }
0x129: {  	v49 =	vshll.u32 v3, $0x1  }
0x12a: {  	v3 =	vand.u32 $0x7, v3;
	v4 =	vand.u32 $0xFFFFFFF0, v49  }
0x12b: {  	v3 =	vor.u32 v3, v4  }
0x12c: {  	v4 =	vperm.xlane v3, v0;
	_ =	sdelay $0x1  }
0x12d: {  	v3 =	vperm.xlane v3, v2;
	v4 =	vadd.s32 v1, v4;
	_ =	sdelay $0x1  }
0x12e: {  	v3 =	vadd.s32 v1, v3;
	_ =	sdelay $0x2  }
0x12f: {  	[tilespmem:s10], [sflag:$0x1] =	stream.indirect_vreg.gather [hbm4b:s2+s3], $0x80, v4, vm0, $0xb8;
	[tilespmem:$0xA800] =	vst v63  }
0x130: {  	_ = 	snop  }
0x131: {  	[tilespmem:s11], [sflag:$0x1] =	stream.indirect_vreg.gather [hbm4b:s2+s3], $0x80, v3, vm0, $0xb8;
	[tilespmem:$0xA800] =	vst v63  }
0x132: {  	v3 =	vld [tilespmem:s29+$0x120];
	_ =	sdelay $0x4  }
0x133: {  	v50 =	vshll.u32 v3, $0x1  }
0x134: {  	v3 =	vand.u32 $0x7, v3;
	v4 =	vand.u32 $0xFFFFFFF0, v50  }
0x135: {  	v3 =	vor.u32 v3, v4  }
0x136: {  	v4 =	vperm.xlane v3, v0;
	_ =	sdelay $0x1  }
0x137: {  	v3 =	vperm.xlane v3, v2;
	v4 =	vadd.s32 v1, v4;
	_ =	sdelay $0x1  }
0x138: {  	v3 =	vadd.s32 v1, v3;
	_ =	sdelay $0x2  }
0x139: {  	[tilespmem:s12], [sflag:$0x1] =	stream.indirect_vreg.gather [hbm4b:s2+s3], $0x80, v4, vm0, $0xb8;
	[tilespmem:$0xA800] =	vst v63  }
0x13a: {  	_ = 	snop  }
0x13b: {  	[tilespmem:s13], [sflag:$0x1] =	stream.indirect_vreg.gather [hbm4b:s2+s3], $0x80, v3, vm0, $0xb8;
	[tilespmem:$0xA800] =	vst v63  }
0x13c: {  	v3 =	vld [tilespmem:s29+$0x130];
	_ =	sdelay $0x4  }
0x13d: {  	v51 =	vshll.u32 v3, $0x1  }
0x13e: {  	v3 =	vand.u32 $0x7, v3;
	v4 =	vand.u32 $0xFFFFFFF0, v51  }
0x13f: {  	v3 =	vor.u32 v3, v4  }
0x140: {  	v4 =	vperm.xlane v3, v0;
	_ =	sdelay $0x1  }
0x141: {  	v3 =	vperm.xlane v3, v2;
	v4 =	vadd.s32 v1, v4;
	_ =	sdelay $0x1  }
0x142: {  	v3 =	vadd.s32 v1, v3;
	_ =	sdelay $0x2  }
0x143: {  	[tilespmem:s14], [sflag:$0x1] =	stream.indirect_vreg.gather [hbm4b:s2+s3], $0x80, v4, vm0, $0xb8;
	[tilespmem:$0xA800] =	vst v63  }
0x144: {  	_ = 	snop  }
0x145: {  	[tilespmem:s15], [sflag:$0x1] =	stream.indirect_vreg.gather [hbm4b:s2+s3], $0x80, v3, vm0, $0xb8;
	[tilespmem:$0xA800] =	vst v63  }
0x146: {  	_ =	swait.ge [sflag:s24], $0x4000  }
0x147: {  	[sflag:s24] =	ssyncset.done $0x0  }
0x148: {  	[sflag:s24] =	ssyncadd.s32 $0xFFFFC000  }
0x149: {  	v3 =	vld [tilespmem:s29+$0x140];
	_ =	sdelay $0x4  }
0x14a: {  	v52 =	vshll.u32 v3, $0x1  }
0x14b: {  	v3 =	vand.u32 $0x7, v3;
	v4 =	vand.u32 $0xFFFFFFF0, v52  }
0x14c: {  	v3 =	vor.u32 v3, v4  }
0x14d: {  	v4 =	vperm.xlane v3, v0;
	_ =	sdelay $0x1  }
0x14e: {  	v3 =	vperm.xlane v3, v2;
	v4 =	vadd.s32 v1, v4;
	_ =	sdelay $0x1  }
0x14f: {  	v3 =	vadd.s32 v1, v3;
	_ =	sdelay $0x2  }
0x150: {  	[tilespmem:s16], [sflag:$0x2] =	stream.indirect_vreg.gather [hbm4b:s2+s3], $0x80, v4, vm0, $0xb8;
	[tilespmem:$0xA800] =	vst v63  }
0x151: {  	_ = 	snop  }
0x152: {  	[tilespmem:s17], [sflag:$0x2] =	stream.indirect_vreg.gather [hbm4b:s2+s3], $0x80, v3, vm0, $0xb8;
	[tilespmem:$0xA800] =	vst v63  }
0x153: {  	v3 =	vld [tilespmem:s29+$0x150];
	_ =	sdelay $0x4  }
0x154: {  	v53 =	vshll.u32 v3, $0x1  }
0x155: {  	v3 =	vand.u32 $0x7, v3;
	v4 =	vand.u32 $0xFFFFFFF0, v53  }
0x156: {  	v3 =	vor.u32 v3, v4  }
0x157: {  	v4 =	vperm.xlane v3, v0;
	_ =	sdelay $0x1  }
0x158: {  	v3 =	vperm.xlane v3, v2;
	v4 =	vadd.s32 v1, v4;
	_ =	sdelay $0x1  }
0x159: {  	v3 =	vadd.s32 v1, v3;
	_ =	sdelay $0x2  }
0x15a: {  	[tilespmem:s18], [sflag:$0x2] =	stream.indirect_vreg.gather [hbm4b:s2+s3], $0x80, v4, vm0, $0xb8;
	[tilespmem:$0xA800] =	vst v63  }
0x15b: {  	_ = 	snop  }
0x15c: {  	[tilespmem:s19], [sflag:$0x2] =	stream.indirect_vreg.gather [hbm4b:s2+s3], $0x80, v3, vm0, $0xb8;
	[tilespmem:$0xA800] =	vst v63  }
0x15d: {  	v3 =	vld [tilespmem:s29+$0x160];
	_ =	sdelay $0x4  }
0x15e: {  	v54 =	vshll.u32 v3, $0x1  }
0x15f: {  	v3 =	vand.u32 $0x7, v3;
	v4 =	vand.u32 $0xFFFFFFF0, v54  }
0x160: {  	v3 =	vor.u32 v3, v4  }
0x161: {  	v4 =	vperm.xlane v3, v0;
	_ =	sdelay $0x1  }
0x162: {  	v3 =	vperm.xlane v3, v2;
	v4 =	vadd.s32 v1, v4;
	_ =	sdelay $0x1  }
0x163: {  	v3 =	vadd.s32 v1, v3;
	_ =	sdelay $0x2  }
0x164: {  	[tilespmem:s20], [sflag:$0x2] =	stream.indirect_vreg.gather [hbm4b:s2+s3], $0x80, v4, vm0, $0xb8;
	[tilespmem:$0xA800] =	vst v63  }
0x165: {  	_ = 	snop  }
0x166: {  	[tilespmem:s21], [sflag:$0x2] =	stream.indirect_vreg.gather [hbm4b:s2+s3], $0x80, v3, vm0, $0xb8;
	[tilespmem:$0xA800] =	vst v63  }
0x167: {  	v3 =	vld [tilespmem:s29+$0x170];
	_ =	sdelay $0x4  }
0x168: {  	v55 =	vshll.u32 v3, $0x1  }
0x169: {  	v3 =	vand.u32 $0x7, v3;
	v4 =	vand.u32 $0xFFFFFFF0, v55  }
0x16a: {  	v3 =	vor.u32 v3, v4  }
0x16b: {  	v4 =	vperm.xlane v3, v0;
	_ =	sdelay $0x1  }
0x16c: {  	v3 =	vperm.xlane v3, v2;
	v4 =	vadd.s32 v1, v4;
	_ =	sdelay $0x1  }
0x16d: {  	v3 =	vadd.s32 v1, v3;
	_ =	sdelay $0x2  }
0x16e: {  	[tilespmem:s22], [sflag:$0x2] =	stream.indirect_vreg.gather [hbm4b:s2+s3], $0x80, v4, vm0, $0xb8;
	[tilespmem:$0xA800] =	vst v63  }
0x16f: {  	_ = 	snop  }
0x170: {  	[tilespmem:s23], [sflag:$0x2] =	stream.indirect_vreg.gather [hbm4b:s2+s3], $0x80, v3, vm0, $0xb8;
	[tilespmem:$0xA800] =	vst v63  }
0x171: {  	_ =	swait.ge [sflag:s25], $0x4000  }
0x172: {  	[sflag:s25] =	ssyncset.done $0x0  }
0x173: {  	[sflag:s25] =	ssyncadd.s32 $0xFFFFC000  }
0x174: {  	v3 =	vld [tilespmem:s29+$0x180];
	_ =	sdelay $0x4  }
0x175: {  	v56 =	vshll.u32 v3, $0x1  }
0x176: {  	v3 =	vand.u32 $0x7, v3;
	v4 =	vand.u32 $0xFFFFFFF0, v56  }
0x177: {  	v3 =	vor.u32 v3, v4  }
0x178: {  	v4 =	vperm.xlane v3, v0;
	_ =	sdelay $0x1  }
0x179: {  	v3 =	vperm.xlane v3, v2;
	v4 =	vadd.s32 v1, v4;
	_ =	sdelay $0x1  }
0x17a: {  	v3 =	vadd.s32 v1, v3;
	_ =	sdelay $0x2  }
0x17b: {  	[tilespmem:s8], [sflag:$0x1] =	stream.indirect_vreg.gather [hbm4b:s2+s3], $0x80, v4, vm0, $0xb8;
	[tilespmem:$0xA800] =	vst v63  }
0x17c: {  	_ = 	snop  }
0x17d: {  	[tilespmem:s9], [sflag:$0x1] =	stream.indirect_vreg.gather [hbm4b:s2+s3], $0x80, v3, vm0, $0xb8;
	[tilespmem:$0xA800] =	vst v63  }
0x17e: {  	v3 =	vld [tilespmem:s29+$0x190];
	_ =	sdelay $0x4  }
0x17f: {  	v57 =	vshll.u32 v3, $0x1  }
0x180: {  	v3 =	vand.u32 $0x7, v3;
	v4 =	vand.u32 $0xFFFFFFF0, v57  }
0x181: {  	v3 =	vor.u32 v3, v4  }
0x182: {  	v4 =	vperm.xlane v3, v0;
	_ =	sdelay $0x1  }
0x183: {  	v3 =	vperm.xlane v3, v2;
	v4 =	vadd.s32 v1, v4;
	_ =	sdelay $0x1  }
0x184: {  	v3 =	vadd.s32 v1, v3;
	_ =	sdelay $0x2  }
0x185: {  	[tilespmem:s10], [sflag:$0x1] =	stream.indirect_vreg.gather [hbm4b:s2+s3], $0x80, v4, vm0, $0xb8;
	[tilespmem:$0xA800] =	vst v63  }
0x186: {  	_ = 	snop  }
0x187: {  	[tilespmem:s11], [sflag:$0x1] =	stream.indirect_vreg.gather [hbm4b:s2+s3], $0x80, v3, vm0, $0xb8;
	[tilespmem:$0xA800] =	vst v63  }
0x188: {  	v3 =	vld [tilespmem:s29+$0x1A0];
	_ =	sdelay $0x4  }
0x189: {  	v58 =	vshll.u32 v3, $0x1  }
0x18a: {  	v3 =	vand.u32 $0x7, v3;
	v4 =	vand.u32 $0xFFFFFFF0, v58  }
0x18b: {  	v3 =	vor.u32 v3, v4  }
0x18c: {  	v4 =	vperm.xlane v3, v0;
	_ =	sdelay $0x1  }
0x18d: {  	v3 =	vperm.xlane v3, v2;
	v4 =	vadd.s32 v1, v4;
	_ =	sdelay $0x1  }
0x18e: {  	v3 =	vadd.s32 v1, v3;
	_ =	sdelay $0x2  }
0x18f: {  	[tilespmem:s12], [sflag:$0x1] =	stream.indirect_vreg.gather [hbm4b:s2+s3], $0x80, v4, vm0, $0xb8;
	[tilespmem:$0xA800] =	vst v63  }
0x190: {  	_ = 	snop  }
0x191: {  	[tilespmem:s13], [sflag:$0x1] =	stream.indirect_vreg.gather [hbm4b:s2+s3], $0x80, v3, vm0, $0xb8;
	[tilespmem:$0xA800] =	vst v63  }
0x192: {  	v3 =	vld [tilespmem:s29+$0x1B0];
	_ =	sdelay $0x4  }
0x193: {  	v59 =	vshll.u32 v3, $0x1  }
0x194: {  	v3 =	vand.u32 $0x7, v3;
	v4 =	vand.u32 $0xFFFFFFF0, v59  }
0x195: {  	v3 =	vor.u32 v3, v4  }
0x196: {  	v4 =	vperm.xlane v3, v0;
	_ =	sdelay $0x1  }
0x197: {  	v3 =	vperm.xlane v3, v2;
	v4 =	vadd.s32 v1, v4;
	_ =	sdelay $0x1  }
0x198: {  	v3 =	vadd.s32 v1, v3;
	_ =	sdelay $0x2  }
0x199: {  	[tilespmem:s14], [sflag:$0x1] =	stream.indirect_vreg.gather [hbm4b:s2+s3], $0x80, v4, vm0, $0xb8;
	[tilespmem:$0xA800] =	vst v63  }
0x19a: {  	_ = 	snop  }
0x19b: {  	[tilespmem:s15], [sflag:$0x1] =	stream.indirect_vreg.gather [hbm4b:s2+s3], $0x80, v3, vm0, $0xb8;
	[tilespmem:$0xA800] =	vst v63  }
0x19c: {  	_ =	swait.ge [sflag:s24], $0x4000  }
0x19d: {  	[sflag:s24] =	ssyncset.done $0x0  }
0x19e: {  	[sflag:s24] =	ssyncadd.s32 $0xFFFFC000  }
0x19f: {  	v3 =	vld [tilespmem:s29+$0x1C0];
	_ =	sdelay $0x4  }
0x1a0: {  	v60 =	vshll.u32 v3, $0x1  }
0x1a1: {  	v3 =	vand.u32 $0x7, v3;
	v4 =	vand.u32 $0xFFFFFFF0, v60  }
0x1a2: {  	v3 =	vor.u32 v3, v4  }
0x1a3: {  	v4 =	vperm.xlane v3, v0;
	_ =	sdelay $0x1  }
0x1a4: {  	v3 =	vperm.xlane v3, v2;
	v4 =	vadd.s32 v1, v4;
	_ =	sdelay $0x1  }
0x1a5: {  	v3 =	vadd.s32 v1, v3;
	_ =	sdelay $0x2  }
0x1a6: {  	[tilespmem:s16], [sflag:$0x2] =	stream.indirect_vreg.gather [hbm4b:s2+s3], $0x80, v4, vm0, $0xb8;
	[tilespmem:$0xA800] =	vst v63  }
0x1a7: {  	_ = 	snop  }
0x1a8: {  	[tilespmem:s17], [sflag:$0x2] =	stream.indirect_vreg.gather [hbm4b:s2+s3], $0x80, v3, vm0, $0xb8;
	[tilespmem:$0xA800] =	vst v63  }
0x1a9: {  	v3 =	vld [tilespmem:s29+$0x1D0];
	_ =	sdelay $0x4  }
0x1aa: {  	v61 =	vshll.u32 v3, $0x1  }
0x1ab: {  	v3 =	vand.u32 $0x7, v3;
	v4 =	vand.u32 $0xFFFFFFF0, v61  }
0x1ac: {  	v3 =	vor.u32 v3, v4  }
0x1ad: {  	v4 =	vperm.xlane v3, v0;
	_ =	sdelay $0x1  }
0x1ae: {  	v3 =	vperm.xlane v3, v2;
	v4 =	vadd.s32 v1, v4;
	_ =	sdelay $0x1  }
0x1af: {  	v3 =	vadd.s32 v1, v3;
	_ =	sdelay $0x2  }
0x1b0: {  	[tilespmem:s18], [sflag:$0x2] =	stream.indirect_vreg.gather [hbm4b:s2+s3], $0x80, v4, vm0, $0xb8;
	[tilespmem:$0xA800] =	vst v63  }
0x1b1: {  	_ = 	snop  }
0x1b2: {  	[tilespmem:s19], [sflag:$0x2] =	stream.indirect_vreg.gather [hbm4b:s2+s3], $0x80, v3, vm0, $0xb8;
	[tilespmem:$0xA800] =	vst v63  }
0x1b3: {  	v3 =	vld [tilespmem:s29+$0x1E0];
	_ =	sdelay $0x4  }
0x1b4: {  	v62 =	vshll.u32 v3, $0x1  }
0x1b5: {  	v3 =	vand.u32 $0x7, v3;
	v4 =	vand.u32 $0xFFFFFFF0, v62  }
0x1b6: {  	v3 =	vor.u32 v3, v4  }
0x1b7: {  	v4 =	vperm.xlane v3, v0;
	_ =	sdelay $0x1  }
0x1b8: {  	v3 =	vperm.xlane v3, v2;
	v4 =	vadd.s32 v1, v4;
	_ =	sdelay $0x1  }
0x1b9: {  	v3 =	vadd.s32 v1, v3;
	_ =	sdelay $0x2  }
0x1ba: {  	[tilespmem:s20], [sflag:$0x2] =	stream.indirect_vreg.gather [hbm4b:s2+s3], $0x80, v4, vm0, $0xb8;
	[tilespmem:$0xA800] =	vst v63  }
0x1bb: {  	_ = 	snop  }
0x1bc: {  	[tilespmem:s21], [sflag:$0x2] =	stream.indirect_vreg.gather [hbm4b:s2+s3], $0x80, v3, vm0, $0xb8;
	[tilespmem:$0xA800] =	vst v63  }
0x1bd: {  	v3 =	vld [tilespmem:s29+$0x1F0];
	_ =	sdelay $0x4  }
0x1be: {  	v63 =	vshll.u32 v3, $0x1  }
0x1bf: {  	v3 =	vand.u32 $0x7, v3;
	v4 =	vand.u32 $0xFFFFFFF0, v63  }
0x1c0: {  	v3 =	vor.u32 v3, v4  }
0x1c1: {  	v4 =	vperm.xlane v3, v0;
	_ =	sdelay $0x1  }
0x1c2: {  	v3 =	vperm.xlane v3, v2;
	v4 =	vadd.s32 v1, v4;
	_ =	sdelay $0x1  }
0x1c3: {  	v3 =	vadd.s32 v1, v3;
	_ =	sdelay $0x1  }
0x1c4: {  	p0 =	sne.s32 s28, $0x9800  }
0x1c5: {  	[tilespmem:s22], [sflag:$0x2] =	stream.indirect_vreg.gather [hbm4b:s2+s3], $0x80, v4, vm0, $0xb8;
	[tilespmem:$0xA800] =	vst v63  }
.Ltmp4:
0x1c6: {  	_ = 	snop;
	(pc) =	sbr.rel @p0 .LBB2_4-.Ltmp4, $4  }
0x1c7: {  	[tilespmem:s23], [sflag:$0x2] =	stream.indirect_vreg.gather [hbm4b:s2+s3], $0x80, v3, vm0, $0xb8;
	[tilespmem:$0xA800] =	vst v63  }
0x1c8: {  	_ =	swait.ge [sflag:s25], $0x4000  }
0x1c9: {  	[sflag:s25] =	ssyncset.done $0x0  }
0x1ca: {  	[sflag:s25] =	ssyncadd.s32 $0xFFFFC000  }
.Ltmp5:
0x1cb: {  	(pc) =	sbr.rel .LBB2_5-.Ltmp5, $4  }
0x1cc: {  	_ = 	snop  }
0x1cd: {  	_ =	swait.ge [sflag:s24], $0x4000  }
0x1ce: {  	[sflag:s24] =	ssyncset.done $0x0  }
0x1cf: {  	[sflag:s24] =	ssyncadd.s32 $0xFFFFC000  }
.LBB2_6:
0x1d0: {  	v3 =	vld [tilespmem:$0x0];
	_ =	sdelay $0x4  }
0x1d1: {  	v4 =	vshll.u32 v3, $0x1  }
0x1d2: {  	v3 =	vand.u32 $0x7, v3;
	v4 =	vand.u32 $0xFFFFFFF0, v4  }
0x1d3: {  	v3 =	vor.u32 v3, v4  }
0x1d4: {  	v4 =	vperm.xlane v3, v0;
	_ =	sdelay $0x1  }
0x1d5: {  	v3 =	vperm.xlane v3, v2;
	v4 =	vadd.s32 v1, v4;
	_ =	sdelay $0x1  }
0x1d6: {  	v3 =	vadd.s32 v1, v3;
	_ =	sdelay $0x1  }
0x1d7: {  	s28 =	simm.s32 $0x0  }
0x1d8: {  	[tilespmem:s8], [sflag:$0x1] =	stream.indirect_vreg.gather [hbm4b:s2+s28], $0x80, v4, vm0, $0xb8;
	[tilespmem:$0xA800] =	vst v63  }
0x1d9: {  	_ = 	snop  }
0x1da: {  	[tilespmem:s9], [sflag:$0x1] =	stream.indirect_vreg.gather [hbm4b:s2+s28], $0x80, v3, vm0, $0xb8;
	[tilespmem:$0xA800] =	vst v63  }
0x1db: {  	v3 =	vld [tilespmem:$0x10];
	_ =	sdelay $0x4  }
0x1dc: {  	v57 =	vshll.u32 v3, $0x1  }
0x1dd: {  	v3 =	vand.u32 $0x7, v3;
	v4 =	vand.u32 $0xFFFFFFF0, v57  }
0x1de: {  	v3 =	vor.u32 v3, v4  }
0x1df: {  	v4 =	vperm.xlane v3, v0;
	_ =	sdelay $0x1  }
0x1e0: {  	v3 =	vperm.xlane v3, v2;
	v4 =	vadd.s32 v1, v4;
	_ =	sdelay $0x1  }
0x1e1: {  	v3 =	vadd.s32 v1, v3;
	_ =	sdelay $0x2  }
0x1e2: {  	[tilespmem:s10], [sflag:$0x1] =	stream.indirect_vreg.gather [hbm4b:s2+s28], $0x80, v4, vm0, $0xb8;
	[tilespmem:$0xA800] =	vst v63  }
0x1e3: {  	_ = 	snop  }
0x1e4: {  	[tilespmem:s11], [sflag:$0x1] =	stream.indirect_vreg.gather [hbm4b:s2+s28], $0x80, v3, vm0, $0xb8;
	[tilespmem:$0xA800] =	vst v63  }
0x1e5: {  	v3 =	vld [tilespmem:$0x20];
	_ =	sdelay $0x4  }
0x1e6: {  	v58 =	vshll.u32 v3, $0x1  }
0x1e7: {  	v3 =	vand.u32 $0x7, v3;
	v4 =	vand.u32 $0xFFFFFFF0, v58  }
0x1e8: {  	v3 =	vor.u32 v3, v4  }
0x1e9: {  	v4 =	vperm.xlane v3, v0;
	_ =	sdelay $0x1  }
0x1ea: {  	v3 =	vperm.xlane v3, v2;
	v4 =	vadd.s32 v1, v4;
	_ =	sdelay $0x1  }
0x1eb: {  	v3 =	vadd.s32 v1, v3;
	_ =	sdelay $0x2  }
0x1ec: {  	[tilespmem:s12], [sflag:$0x1] =	stream.indirect_vreg.gather [hbm4b:s2+s28], $0x80, v4, vm0, $0xb8;
	[tilespmem:$0xA800] =	vst v63  }
0x1ed: {  	_ = 	snop  }
0x1ee: {  	[tilespmem:s13], [sflag:$0x1] =	stream.indirect_vreg.gather [hbm4b:s2+s28], $0x80, v3, vm0, $0xb8;
	[tilespmem:$0xA800] =	vst v63  }
0x1ef: {  	v3 =	vld [tilespmem:$0x30];
	_ =	sdelay $0x4  }
0x1f0: {  	v59 =	vshll.u32 v3, $0x1  }
0x1f1: {  	v3 =	vand.u32 $0x7, v3;
	v4 =	vand.u32 $0xFFFFFFF0, v59  }
0x1f2: {  	v3 =	vor.u32 v3, v4  }
0x1f3: {  	v4 =	vperm.xlane v3, v0;
	_ =	sdelay $0x1  }
0x1f4: {  	v3 =	vperm.xlane v3, v2;
	v4 =	vadd.s32 v1, v4;
	_ =	sdelay $0x1  }
0x1f5: {  	v3 =	vadd.s32 v1, v3;
	_ =	sdelay $0x2  }
0x1f6: {  	[tilespmem:s14], [sflag:$0x1] =	stream.indirect_vreg.gather [hbm4b:s2+s28], $0x80, v4, vm0, $0xb8;
	[tilespmem:$0xA800] =	vst v63  }
0x1f7: {  	_ = 	snop  }
0x1f8: {  	[tilespmem:s15], [sflag:$0x1] =	stream.indirect_vreg.gather [hbm4b:s2+s28], $0x80, v3, vm0, $0xb8;
	[tilespmem:$0xA800] =	vst v63  }
0x1f9: {  	v3 =	vld [tilespmem:$0x40];
	_ =	sdelay $0x4  }
0x1fa: {  	v60 =	vshll.u32 v3, $0x1  }
0x1fb: {  	v3 =	vand.u32 $0x7, v3;
	v4 =	vand.u32 $0xFFFFFFF0, v60  }
0x1fc: {  	v3 =	vor.u32 v3, v4  }
0x1fd: {  	v4 =	vperm.xlane v3, v0;
	_ =	sdelay $0x1  }
0x1fe: {  	v3 =	vperm.xlane v3, v2;
	v4 =	vadd.s32 v1, v4;
	_ =	sdelay $0x1  }
0x1ff: {  	v3 =	vadd.s32 v1, v3;
	_ =	sdelay $0x2  }
0x200: {  	[tilespmem:s16], [sflag:$0x2] =	stream.indirect_vreg.gather [hbm4b:s2+s28], $0x80, v4, vm0, $0xb8;
	[tilespmem:$0xA800] =	vst v63  }
0x201: {  	_ = 	snop  }
0x202: {  	[tilespmem:s17], [sflag:$0x2] =	stream.indirect_vreg.gather [hbm4b:s2+s28], $0x80, v3, vm0, $0xb8;
	[tilespmem:$0xA800] =	vst v63  }
0x203: {  	v3 =	vld [tilespmem:$0x50];
	_ =	sdelay $0x4  }
0x204: {  	v61 =	vshll.u32 v3, $0x1  }
0x205: {  	v3 =	vand.u32 $0x7, v3;
	v4 =	vand.u32 $0xFFFFFFF0, v61  }
0x206: {  	v3 =	vor.u32 v3, v4  }
0x207: {  	v4 =	vperm.xlane v3, v0;
	_ =	sdelay $0x1  }
0x208: {  	v3 =	vperm.xlane v3, v2;
	v4 =	vadd.s32 v1, v4;
	_ =	sdelay $0x1  }
0x209: {  	v3 =	vadd.s32 v1, v3;
	_ =	sdelay $0x2  }
0x20a: {  	[tilespmem:s18], [sflag:$0x2] =	stream.indirect_vreg.gather [hbm4b:s2+s28], $0x80, v4, vm0, $0xb8;
	[tilespmem:$0xA800] =	vst v63  }
0x20b: {  	_ = 	snop  }
0x20c: {  	[tilespmem:s19], [sflag:$0x2] =	stream.indirect_vreg.gather [hbm4b:s2+s28], $0x80, v3, vm0, $0xb8;
	[tilespmem:$0xA800] =	vst v63  }
0x20d: {  	v3 =	vld [tilespmem:$0x60];
	_ =	sdelay $0x4  }
0x20e: {  	v62 =	vshll.u32 v3, $0x1  }
0x20f: {  	v3 =	vand.u32 $0x7, v3;
	v4 =	vand.u32 $0xFFFFFFF0, v62  }
0x210: {  	v3 =	vor.u32 v3, v4  }
0x211: {  	v4 =	vperm.xlane v3, v0;
	_ =	sdelay $0x1  }
0x212: {  	v3 =	vperm.xlane v3, v2;
	v4 =	vadd.s32 v1, v4;
	_ =	sdelay $0x1  }
0x213: {  	v3 =	vadd.s32 v1, v3;
	_ =	sdelay $0x2  }
0x214: {  	[tilespmem:s20], [sflag:$0x2] =	stream.indirect_vreg.gather [hbm4b:s2+s28], $0x80, v4, vm0, $0xb8;
	[tilespmem:$0xA800] =	vst v63  }
0x215: {  	_ = 	snop  }
0x216: {  	[tilespmem:s21], [sflag:$0x2] =	stream.indirect_vreg.gather [hbm4b:s2+s28], $0x80, v3, vm0, $0xb8;
	[tilespmem:$0xA800] =	vst v63  }
0x217: {  	v3 =	vld [tilespmem:$0x70];
	_ =	sdelay $0x4  }
0x218: {  	v63 =	vshll.u32 v3, $0x1  }
0x219: {  	v3 =	vand.u32 $0x7, v3;
	v4 =	vand.u32 $0xFFFFFFF0, v63  }
0x21a: {  	v3 =	vor.u32 v3, v4  }
0x21b: {  	v4 =	vperm.xlane v3, v0;
	_ =	sdelay $0x1  }
0x21c: {  	v3 =	vperm.xlane v3, v2;
	v4 =	vadd.s32 v1, v4;
	_ =	sdelay $0x1  }
0x21d: {  	v3 =	vadd.s32 v1, v3  }
.Ltmp6:
0x21e: {  	_ = 	snop;
	(pc) =	sbr.rel .LBB2_7-.Ltmp6, $4  }
0x21f: {  	_ = 	snop  }
0x220: {  	[tilespmem:s22], [sflag:$0x2] =	stream.indirect_vreg.gather [hbm4b:s2+s28], $0x80, v4, vm0, $0xb8;
	[tilespmem:$0xA800] =	vst v63  }
0x221: {  	_ = 	snop  }
0x222: {  	[tilespmem:s23], [sflag:$0x2] =	stream.indirect_vreg.gather [hbm4b:s2+s28], $0x80, v3, vm0, $0xb8;
	[tilespmem:$0xA800] =	vst v63  }
.LBB2_9:
0x223: {  	v3 =	vld [tilespmem:s29+$0x200];
	_ =	sdelay $0x4  }
0x224: {  	v4 =	vshll.u32 v3, $0x1  }
0x225: {  	v3 =	vand.u32 $0x7, v3;
	v4 =	vand.u32 $0xFFFFFFF0, v4  }
0x226: {  	v3 =	vor.u32 v3, v4  }
0x227: {  	v4 =	vperm.xlane v3, v0;
	_ =	sdelay $0x1  }
0x228: {  	v3 =	vperm.xlane v3, v2;
	v4 =	vadd.s32 v1, v4;
	_ =	sdelay $0x1  }
0x229: {  	v3 =	vadd.s32 v1, v3;
	_ =	sdelay $0x2  }
0x22a: {  	[tilespmem:s8], [sflag:$0x1] =	stream.indirect_vreg.gather [hbm4b:s2+s3], $0x80, v4, vm0, $0xb8;
	[tilespmem:$0xA800] =	vst v63  }
0x22b: {  	_ = 	snop  }
0x22c: {  	[tilespmem:s9], [sflag:$0x1] =	stream.indirect_vreg.gather [hbm4b:s2+s3], $0x80, v3, vm0, $0xb8;
	[tilespmem:$0xA800] =	vst v63  }
0x22d: {  	v3 =	vld [tilespmem:s29+$0x210];
	_ =	sdelay $0x4  }
0x22e: {  	v57 =	vshll.u32 v3, $0x1  }
0x22f: {  	v3 =	vand.u32 $0x7, v3;
	v4 =	vand.u32 $0xFFFFFFF0, v57  }
0x230: {  	v3 =	vor.u32 v3, v4  }
0x231: {  	v4 =	vperm.xlane v3, v0;
	_ =	sdelay $0x1  }
0x232: {  	v3 =	vperm.xlane v3, v2;
	v4 =	vadd.s32 v1, v4;
	_ =	sdelay $0x1  }
0x233: {  	v3 =	vadd.s32 v1, v3;
	_ =	sdelay $0x2  }
0x234: {  	[tilespmem:s10], [sflag:$0x1] =	stream.indirect_vreg.gather [hbm4b:s2+s3], $0x80, v4, vm0, $0xb8;
	[tilespmem:$0xA800] =	vst v63  }
0x235: {  	_ = 	snop  }
0x236: {  	[tilespmem:s11], [sflag:$0x1] =	stream.indirect_vreg.gather [hbm4b:s2+s3], $0x80, v3, vm0, $0xb8;
	[tilespmem:$0xA800] =	vst v63  }
0x237: {  	v3 =	vld [tilespmem:s29+$0x220];
	_ =	sdelay $0x4  }
0x238: {  	v58 =	vshll.u32 v3, $0x1  }
0x239: {  	v3 =	vand.u32 $0x7, v3;
	v4 =	vand.u32 $0xFFFFFFF0, v58  }
0x23a: {  	v3 =	vor.u32 v3, v4  }
0x23b: {  	v4 =	vperm.xlane v3, v0;
	_ =	sdelay $0x1  }
0x23c: {  	v3 =	vperm.xlane v3, v2;
	v4 =	vadd.s32 v1, v4;
	_ =	sdelay $0x1  }
0x23d: {  	v3 =	vadd.s32 v1, v3;
	_ =	sdelay $0x2  }
0x23e: {  	[tilespmem:s12], [sflag:$0x1] =	stream.indirect_vreg.gather [hbm4b:s2+s3], $0x80, v4, vm0, $0xb8;
	[tilespmem:$0xA800] =	vst v63  }
0x23f: {  	_ = 	snop  }
0x240: {  	[tilespmem:s13], [sflag:$0x1] =	stream.indirect_vreg.gather [hbm4b:s2+s3], $0x80, v3, vm0, $0xb8;
	[tilespmem:$0xA800] =	vst v63  }
0x241: {  	v3 =	vld [tilespmem:s29+$0x230];
	_ =	sdelay $0x4  }
0x242: {  	v59 =	vshll.u32 v3, $0x1  }
0x243: {  	v3 =	vand.u32 $0x7, v3;
	v4 =	vand.u32 $0xFFFFFFF0, v59  }
0x244: {  	v3 =	vor.u32 v3, v4  }
0x245: {  	v4 =	vperm.xlane v3, v0;
	_ =	sdelay $0x1  }
0x246: {  	v3 =	vperm.xlane v3, v2;
	v4 =	vadd.s32 v1, v4;
	_ =	sdelay $0x1  }
0x247: {  	v3 =	vadd.s32 v1, v3;
	_ =	sdelay $0x2  }
0x248: {  	[tilespmem:s14], [sflag:$0x1] =	stream.indirect_vreg.gather [hbm4b:s2+s3], $0x80, v4, vm0, $0xb8;
	[tilespmem:$0xA800] =	vst v63  }
0x249: {  	_ = 	snop  }
0x24a: {  	[tilespmem:s15], [sflag:$0x1] =	stream.indirect_vreg.gather [hbm4b:s2+s3], $0x80, v3, vm0, $0xb8;
	[tilespmem:$0xA800] =	vst v63  }
0x24b: {  	_ =	swait.ge [sflag:s24], $0x4000  }
0x24c: {  	[sflag:s24] =	ssyncset.done $0x0  }
0x24d: {  	[sflag:s24] =	ssyncadd.s32 $0xFFFFC000  }
0x24e: {  	v3 =	vld [tilespmem:s29+$0x240];
	_ =	sdelay $0x4  }
0x24f: {  	v60 =	vshll.u32 v3, $0x1  }
0x250: {  	v3 =	vand.u32 $0x7, v3;
	v4 =	vand.u32 $0xFFFFFFF0, v60  }
0x251: {  	v3 =	vor.u32 v3, v4  }
0x252: {  	v4 =	vperm.xlane v3, v0;
	_ =	sdelay $0x1  }
0x253: {  	v3 =	vperm.xlane v3, v2;
	v4 =	vadd.s32 v1, v4;
	_ =	sdelay $0x1  }
0x254: {  	v3 =	vadd.s32 v1, v3;
	_ =	sdelay $0x2  }
0x255: {  	[tilespmem:s16], [sflag:$0x2] =	stream.indirect_vreg.gather [hbm4b:s2+s3], $0x80, v4, vm0, $0xb8;
	[tilespmem:$0xA800] =	vst v63  }
0x256: {  	_ = 	snop  }
0x257: {  	[tilespmem:s17], [sflag:$0x2] =	stream.indirect_vreg.gather [hbm4b:s2+s3], $0x80, v3, vm0, $0xb8;
	[tilespmem:$0xA800] =	vst v63  }
0x258: {  	v3 =	vld [tilespmem:s29+$0x250];
	_ =	sdelay $0x4  }
0x259: {  	v61 =	vshll.u32 v3, $0x1  }
0x25a: {  	v3 =	vand.u32 $0x7, v3;
	v4 =	vand.u32 $0xFFFFFFF0, v61  }
0x25b: {  	v3 =	vor.u32 v3, v4  }
0x25c: {  	v4 =	vperm.xlane v3, v0;
	_ =	sdelay $0x1  }
0x25d: {  	v3 =	vperm.xlane v3, v2;
	v4 =	vadd.s32 v1, v4;
	_ =	sdelay $0x1  }
0x25e: {  	v3 =	vadd.s32 v1, v3;
	_ =	sdelay $0x2  }
0x25f: {  	[tilespmem:s18], [sflag:$0x2] =	stream.indirect_vreg.gather [hbm4b:s2+s3], $0x80, v4, vm0, $0xb8;
	[tilespmem:$0xA800] =	vst v63  }
0x260: {  	_ = 	snop  }
0x261: {  	[tilespmem:s19], [sflag:$0x2] =	stream.indirect_vreg.gather [hbm4b:s2+s3], $0x80, v3, vm0, $0xb8;
	[tilespmem:$0xA800] =	vst v63  }
0x262: {  	v3 =	vld [tilespmem:s29+$0x260];
	_ =	sdelay $0x4  }
0x263: {  	v62 =	vshll.u32 v3, $0x1  }
0x264: {  	v3 =	vand.u32 $0x7, v3;
	v4 =	vand.u32 $0xFFFFFFF0, v62  }
0x265: {  	v3 =	vor.u32 v3, v4  }
0x266: {  	v4 =	vperm.xlane v3, v0;
	_ =	sdelay $0x1  }
0x267: {  	v3 =	vperm.xlane v3, v2;
	v4 =	vadd.s32 v1, v4;
	_ =	sdelay $0x1  }
0x268: {  	v3 =	vadd.s32 v1, v3;
	_ =	sdelay $0x2  }
0x269: {  	[tilespmem:s20], [sflag:$0x2] =	stream.indirect_vreg.gather [hbm4b:s2+s3], $0x80, v4, vm0, $0xb8;
	[tilespmem:$0xA800] =	vst v63  }
0x26a: {  	_ = 	snop  }
0x26b: {  	[tilespmem:s21], [sflag:$0x2] =	stream.indirect_vreg.gather [hbm4b:s2+s3], $0x80, v3, vm0, $0xb8;
	[tilespmem:$0xA800] =	vst v63  }
0x26c: {  	v3 =	vld [tilespmem:s29+$0x270];
	_ =	sdelay $0x4  }
0x26d: {  	v63 =	vshll.u32 v3, $0x1  }
0x26e: {  	v3 =	vand.u32 $0x7, v3;
	v4 =	vand.u32 $0xFFFFFFF0, v63  }
0x26f: {  	v3 =	vor.u32 v3, v4  }
0x270: {  	v4 =	vperm.xlane v3, v0;
	_ =	sdelay $0x1  }
0x271: {  	v3 =	vperm.xlane v3, v2;
	v4 =	vadd.s32 v1, v4;
	_ =	sdelay $0x1  }
0x272: {  	v3 =	vadd.s32 v1, v3;
	_ =	sdelay $0x2  }
0x273: {  	[tilespmem:s22], [sflag:$0x2] =	stream.indirect_vreg.gather [hbm4b:s2+s3], $0x80, v4, vm0, $0xb8;
	[tilespmem:$0xA800] =	vst v63  }
0x274: {  	_ = 	snop  }
0x275: {  	[tilespmem:s23], [sflag:$0x2] =	stream.indirect_vreg.gather [hbm4b:s2+s3], $0x80, v3, vm0, $0xb8;
	[tilespmem:$0xA800] =	vst v63  }
.LBB2_10:
0x276: {  	s28 =	sadd.s32 $0x800, s28  }
0x277: {  	p0 =	sne.s32 s28, $0xA000  }
.Ltmp7:
0x278: {  	_ = 	snop;
	(pc) =	sbr.rel @!p0 .LBB2_11-.Ltmp7, $4  }
0x279: {  	_ = 	snop  }
0x27a: {  	_ =	swait.ge [sflag:s25], $0x4000  }
0x27b: {  	[sflag:s25] =	ssyncset.done $0x0  }
0x27c: {  	[sflag:s25] =	ssyncadd.s32 $0xFFFFC000  }
.LBB2_7:
0x27d: {  	s29 =	sshra.s32 s28, $0x2  }
0x27e: {  	v3 =	vld [tilespmem:s29+$0x80];
	_ =	sdelay $0x4  }
0x27f: {  	v4 =	vshll.u32 v3, $0x1  }
0x280: {  	v3 =	vand.u32 $0x7, v3;
	v4 =	vand.u32 $0xFFFFFFF0, v4  }
0x281: {  	v3 =	vor.u32 v3, v4  }
0x282: {  	v4 =	vperm.xlane v3, v0;
	_ =	sdelay $0x1  }
0x283: {  	v3 =	vperm.xlane v3, v2;
	v4 =	vadd.s32 v1, v4;
	_ =	sdelay $0x1  }
0x284: {  	v3 =	vadd.s32 v1, v3;
	_ =	sdelay $0x2  }
0x285: {  	[tilespmem:s8], [sflag:$0x1] =	stream.indirect_vreg.gather [hbm4b:s2+s3], $0x80, v4, vm0, $0xb8;
	[tilespmem:$0xA800] =	vst v63  }
0x286: {  	_ = 	snop  }
0x287: {  	[tilespmem:s9], [sflag:$0x1] =	stream.indirect_vreg.gather [hbm4b:s2+s3], $0x80, v3, vm0, $0xb8;
	[tilespmem:$0xA800] =	vst v63  }
0x288: {  	v3 =	vld [tilespmem:s29+$0x90];
	_ =	sdelay $0x4  }
0x289: {  	v41 =	vshll.u32 v3, $0x1  }
0x28a: {  	v3 =	vand.u32 $0x7, v3;
	v4 =	vand.u32 $0xFFFFFFF0, v41  }
0x28b: {  	v3 =	vor.u32 v3, v4  }
0x28c: {  	v4 =	vperm.xlane v3, v0;
	_ =	sdelay $0x1  }
0x28d: {  	v3 =	vperm.xlane v3, v2;
	v4 =	vadd.s32 v1, v4;
	_ =	sdelay $0x1  }
0x28e: {  	v3 =	vadd.s32 v1, v3;
	_ =	sdelay $0x2  }
0x28f: {  	[tilespmem:s10], [sflag:$0x1] =	stream.indirect_vreg.gather [hbm4b:s2+s3], $0x80, v4, vm0, $0xb8;
	[tilespmem:$0xA800] =	vst v63  }
0x290: {  	_ = 	snop  }
0x291: {  	[tilespmem:s11], [sflag:$0x1] =	stream.indirect_vreg.gather [hbm4b:s2+s3], $0x80, v3, vm0, $0xb8;
	[tilespmem:$0xA800] =	vst v63  }
0x292: {  	v3 =	vld [tilespmem:s29+$0xA0];
	_ =	sdelay $0x4  }
0x293: {  	v42 =	vshll.u32 v3, $0x1  }
0x294: {  	v3 =	vand.u32 $0x7, v3;
	v4 =	vand.u32 $0xFFFFFFF0, v42  }
0x295: {  	v3 =	vor.u32 v3, v4  }
0x296: {  	v4 =	vperm.xlane v3, v0;
	_ =	sdelay $0x1  }
0x297: {  	v3 =	vperm.xlane v3, v2;
	v4 =	vadd.s32 v1, v4;
	_ =	sdelay $0x1  }
0x298: {  	v3 =	vadd.s32 v1, v3;
	_ =	sdelay $0x2  }
0x299: {  	[tilespmem:s12], [sflag:$0x1] =	stream.indirect_vreg.gather [hbm4b:s2+s3], $0x80, v4, vm0, $0xb8;
	[tilespmem:$0xA800] =	vst v63  }
0x29a: {  	_ = 	snop  }
0x29b: {  	[tilespmem:s13], [sflag:$0x1] =	stream.indirect_vreg.gather [hbm4b:s2+s3], $0x80, v3, vm0, $0xb8;
	[tilespmem:$0xA800] =	vst v63  }
0x29c: {  	v3 =	vld [tilespmem:s29+$0xB0];
	_ =	sdelay $0x4  }
0x29d: {  	v43 =	vshll.u32 v3, $0x1  }
0x29e: {  	v3 =	vand.u32 $0x7, v3;
	v4 =	vand.u32 $0xFFFFFFF0, v43  }
0x29f: {  	v3 =	vor.u32 v3, v4  }
0x2a0: {  	v4 =	vperm.xlane v3, v0;
	_ =	sdelay $0x1  }
0x2a1: {  	v3 =	vperm.xlane v3, v2;
	v4 =	vadd.s32 v1, v4;
	_ =	sdelay $0x1  }
0x2a2: {  	v3 =	vadd.s32 v1, v3;
	_ =	sdelay $0x2  }
0x2a3: {  	[tilespmem:s14], [sflag:$0x1] =	stream.indirect_vreg.gather [hbm4b:s2+s3], $0x80, v4, vm0, $0xb8;
	[tilespmem:$0xA800] =	vst v63  }
0x2a4: {  	_ = 	snop  }
0x2a5: {  	[tilespmem:s15], [sflag:$0x1] =	stream.indirect_vreg.gather [hbm4b:s2+s3], $0x80, v3, vm0, $0xb8;
	[tilespmem:$0xA800] =	vst v63  }
0x2a6: {  	_ =	swait.ge [sflag:s24], $0x4000  }
0x2a7: {  	[sflag:s24] =	ssyncset.done $0x0  }
0x2a8: {  	[sflag:s24] =	ssyncadd.s32 $0xFFFFC000  }
0x2a9: {  	v3 =	vld [tilespmem:s29+$0xC0];
	_ =	sdelay $0x4  }
0x2aa: {  	v44 =	vshll.u32 v3, $0x1  }
0x2ab: {  	v3 =	vand.u32 $0x7, v3;
	v4 =	vand.u32 $0xFFFFFFF0, v44  }
0x2ac: {  	v3 =	vor.u32 v3, v4  }
0x2ad: {  	v4 =	vperm.xlane v3, v0;
	_ =	sdelay $0x1  }
0x2ae: {  	v3 =	vperm.xlane v3, v2;
	v4 =	vadd.s32 v1, v4;
	_ =	sdelay $0x1  }
0x2af: {  	v3 =	vadd.s32 v1, v3;
	_ =	sdelay $0x2  }
0x2b0: {  	[tilespmem:s16], [sflag:$0x2] =	stream.indirect_vreg.gather [hbm4b:s2+s3], $0x80, v4, vm0, $0xb8;
	[tilespmem:$0xA800] =	vst v63  }
0x2b1: {  	_ = 	snop  }
0x2b2: {  	[tilespmem:s17], [sflag:$0x2] =	stream.indirect_vreg.gather [hbm4b:s2+s3], $0x80, v3, vm0, $0xb8;
	[tilespmem:$0xA800] =	vst v63  }
0x2b3: {  	v3 =	vld [tilespmem:s29+$0xD0];
	_ =	sdelay $0x4  }
0x2b4: {  	v45 =	vshll.u32 v3, $0x1  }
0x2b5: {  	v3 =	vand.u32 $0x7, v3;
	v4 =	vand.u32 $0xFFFFFFF0, v45  }
0x2b6: {  	v3 =	vor.u32 v3, v4  }
0x2b7: {  	v4 =	vperm.xlane v3, v0;
	_ =	sdelay $0x1  }
0x2b8: {  	v3 =	vperm.xlane v3, v2;
	v4 =	vadd.s32 v1, v4;
	_ =	sdelay $0x1  }
0x2b9: {  	v3 =	vadd.s32 v1, v3;
	_ =	sdelay $0x2  }
0x2ba: {  	[tilespmem:s18], [sflag:$0x2] =	stream.indirect_vreg.gather [hbm4b:s2+s3], $0x80, v4, vm0, $0xb8;
	[tilespmem:$0xA800] =	vst v63  }
0x2bb: {  	_ = 	snop  }
0x2bc: {  	[tilespmem:s19], [sflag:$0x2] =	stream.indirect_vreg.gather [hbm4b:s2+s3], $0x80, v3, vm0, $0xb8;
	[tilespmem:$0xA800] =	vst v63  }
0x2bd: {  	v3 =	vld [tilespmem:s29+$0xE0];
	_ =	sdelay $0x4  }
0x2be: {  	v46 =	vshll.u32 v3, $0x1  }
0x2bf: {  	v3 =	vand.u32 $0x7, v3;
	v4 =	vand.u32 $0xFFFFFFF0, v46  }
0x2c0: {  	v3 =	vor.u32 v3, v4  }
0x2c1: {  	v4 =	vperm.xlane v3, v0;
	_ =	sdelay $0x1  }
0x2c2: {  	v3 =	vperm.xlane v3, v2;
	v4 =	vadd.s32 v1, v4;
	_ =	sdelay $0x1  }
0x2c3: {  	v3 =	vadd.s32 v1, v3;
	_ =	sdelay $0x2  }
0x2c4: {  	[tilespmem:s20], [sflag:$0x2] =	stream.indirect_vreg.gather [hbm4b:s2+s3], $0x80, v4, vm0, $0xb8;
	[tilespmem:$0xA800] =	vst v63  }
0x2c5: {  	_ = 	snop  }
0x2c6: {  	[tilespmem:s21], [sflag:$0x2] =	stream.indirect_vreg.gather [hbm4b:s2+s3], $0x80, v3, vm0, $0xb8;
	[tilespmem:$0xA800] =	vst v63  }
0x2c7: {  	v3 =	vld [tilespmem:s29+$0xF0];
	_ =	sdelay $0x4  }
0x2c8: {  	v47 =	vshll.u32 v3, $0x1  }
0x2c9: {  	v3 =	vand.u32 $0x7, v3;
	v4 =	vand.u32 $0xFFFFFFF0, v47  }
0x2ca: {  	v3 =	vor.u32 v3, v4  }
0x2cb: {  	v4 =	vperm.xlane v3, v0;
	_ =	sdelay $0x1  }
0x2cc: {  	v3 =	vperm.xlane v3, v2;
	v4 =	vadd.s32 v1, v4;
	_ =	sdelay $0x1  }
0x2cd: {  	v3 =	vadd.s32 v1, v3;
	_ =	sdelay $0x2  }
0x2ce: {  	[tilespmem:s22], [sflag:$0x2] =	stream.indirect_vreg.gather [hbm4b:s2+s3], $0x80, v4, vm0, $0xb8;
	[tilespmem:$0xA800] =	vst v63  }
0x2cf: {  	_ = 	snop  }
0x2d0: {  	[tilespmem:s23], [sflag:$0x2] =	stream.indirect_vreg.gather [hbm4b:s2+s3], $0x80, v3, vm0, $0xb8;
	[tilespmem:$0xA800] =	vst v63  }
0x2d1: {  	_ =	swait.ge [sflag:s25], $0x4000  }
0x2d2: {  	[sflag:s25] =	ssyncset.done $0x0  }
0x2d3: {  	[sflag:s25] =	ssyncadd.s32 $0xFFFFC000  }
0x2d4: {  	v3 =	vld [tilespmem:s29+$0x100];
	_ =	sdelay $0x4  }
0x2d5: {  	v48 =	vshll.u32 v3, $0x1  }
0x2d6: {  	v3 =	vand.u32 $0x7, v3;
	v4 =	vand.u32 $0xFFFFFFF0, v48  }
0x2d7: {  	v3 =	vor.u32 v3, v4  }
0x2d8: {  	v4 =	vperm.xlane v3, v0;
	_ =	sdelay $0x1  }
0x2d9: {  	v3 =	vperm.xlane v3, v2;
	v4 =	vadd.s32 v1, v4;
	_ =	sdelay $0x1  }
0x2da: {  	v3 =	vadd.s32 v1, v3;
	_ =	sdelay $0x2  }
0x2db: {  	[tilespmem:s8], [sflag:$0x1] =	stream.indirect_vreg.gather [hbm4b:s2+s3], $0x80, v4, vm0, $0xb8;
	[tilespmem:$0xA800] =	vst v63  }
0x2dc: {  	_ = 	snop  }
0x2dd: {  	[tilespmem:s9], [sflag:$0x1] =	stream.indirect_vreg.gather [hbm4b:s2+s3], $0x80, v3, vm0, $0xb8;
	[tilespmem:$0xA800] =	vst v63  }
0x2de: {  	v3 =	vld [tilespmem:s29+$0x110];
	_ =	sdelay $0x4  }
0x2df: {  	v49 =	vshll.u32 v3, $0x1  }
0x2e0: {  	v3 =	vand.u32 $0x7, v3;
	v4 =	vand.u32 $0xFFFFFFF0, v49  }
0x2e1: {  	v3 =	vor.u32 v3, v4  }
0x2e2: {  	v4 =	vperm.xlane v3, v0;
	_ =	sdelay $0x1  }
0x2e3: {  	v3 =	vperm.xlane v3, v2;
	v4 =	vadd.s32 v1, v4;
	_ =	sdelay $0x1  }
0x2e4: {  	v3 =	vadd.s32 v1, v3;
	_ =	sdelay $0x2  }
0x2e5: {  	[tilespmem:s10], [sflag:$0x1] =	stream.indirect_vreg.gather [hbm4b:s2+s3], $0x80, v4, vm0, $0xb8;
	[tilespmem:$0xA800] =	vst v63  }
0x2e6: {  	_ = 	snop  }
0x2e7: {  	[tilespmem:s11], [sflag:$0x1] =	stream.indirect_vreg.gather [hbm4b:s2+s3], $0x80, v3, vm0, $0xb8;
	[tilespmem:$0xA800] =	vst v63  }
0x2e8: {  	v3 =	vld [tilespmem:s29+$0x120];
	_ =	sdelay $0x4  }
0x2e9: {  	v50 =	vshll.u32 v3, $0x1  }
0x2ea: {  	v3 =	vand.u32 $0x7, v3;
	v4 =	vand.u32 $0xFFFFFFF0, v50  }
0x2eb: {  	v3 =	vor.u32 v3, v4  }
0x2ec: {  	v4 =	vperm.xlane v3, v0;
	_ =	sdelay $0x1  }
0x2ed: {  	v3 =	vperm.xlane v3, v2;
	v4 =	vadd.s32 v1, v4;
	_ =	sdelay $0x1  }
0x2ee: {  	v3 =	vadd.s32 v1, v3;
	_ =	sdelay $0x2  }
0x2ef: {  	[tilespmem:s12], [sflag:$0x1] =	stream.indirect_vreg.gather [hbm4b:s2+s3], $0x80, v4, vm0, $0xb8;
	[tilespmem:$0xA800] =	vst v63  }
0x2f0: {  	_ = 	snop  }
0x2f1: {  	[tilespmem:s13], [sflag:$0x1] =	stream.indirect_vreg.gather [hbm4b:s2+s3], $0x80, v3, vm0, $0xb8;
	[tilespmem:$0xA800] =	vst v63  }
0x2f2: {  	v3 =	vld [tilespmem:s29+$0x130];
	_ =	sdelay $0x4  }
0x2f3: {  	v51 =	vshll.u32 v3, $0x1  }
0x2f4: {  	v3 =	vand.u32 $0x7, v3;
	v4 =	vand.u32 $0xFFFFFFF0, v51  }
0x2f5: {  	v3 =	vor.u32 v3, v4  }
0x2f6: {  	v4 =	vperm.xlane v3, v0;
	_ =	sdelay $0x1  }
0x2f7: {  	v3 =	vperm.xlane v3, v2;
	v4 =	vadd.s32 v1, v4;
	_ =	sdelay $0x1  }
0x2f8: {  	v3 =	vadd.s32 v1, v3;
	_ =	sdelay $0x2  }
0x2f9: {  	[tilespmem:s14], [sflag:$0x1] =	stream.indirect_vreg.gather [hbm4b:s2+s3], $0x80, v4, vm0, $0xb8;
	[tilespmem:$0xA800] =	vst v63  }
0x2fa: {  	_ = 	snop  }
0x2fb: {  	[tilespmem:s15], [sflag:$0x1] =	stream.indirect_vreg.gather [hbm4b:s2+s3], $0x80, v3, vm0, $0xb8;
	[tilespmem:$0xA800] =	vst v63  }
0x2fc: {  	_ =	swait.ge [sflag:s24], $0x4000  }
0x2fd: {  	[sflag:s24] =	ssyncset.done $0x0  }
0x2fe: {  	[sflag:s24] =	ssyncadd.s32 $0xFFFFC000  }
0x2ff: {  	v3 =	vld [tilespmem:s29+$0x140];
	_ =	sdelay $0x4  }
0x300: {  	v52 =	vshll.u32 v3, $0x1  }
0x301: {  	v3 =	vand.u32 $0x7, v3;
	v4 =	vand.u32 $0xFFFFFFF0, v52  }
0x302: {  	v3 =	vor.u32 v3, v4  }
0x303: {  	v4 =	vperm.xlane v3, v0;
	_ =	sdelay $0x1  }
0x304: {  	v3 =	vperm.xlane v3, v2;
	v4 =	vadd.s32 v1, v4;
	_ =	sdelay $0x1  }
0x305: {  	v3 =	vadd.s32 v1, v3;
	_ =	sdelay $0x2  }
0x306: {  	[tilespmem:s16], [sflag:$0x2] =	stream.indirect_vreg.gather [hbm4b:s2+s3], $0x80, v4, vm0, $0xb8;
	[tilespmem:$0xA800] =	vst v63  }
0x307: {  	_ = 	snop  }
0x308: {  	[tilespmem:s17], [sflag:$0x2] =	stream.indirect_vreg.gather [hbm4b:s2+s3], $0x80, v3, vm0, $0xb8;
	[tilespmem:$0xA800] =	vst v63  }
0x309: {  	v3 =	vld [tilespmem:s29+$0x150];
	_ =	sdelay $0x4  }
0x30a: {  	v53 =	vshll.u32 v3, $0x1  }
0x30b: {  	v3 =	vand.u32 $0x7, v3;
	v4 =	vand.u32 $0xFFFFFFF0, v53  }
0x30c: {  	v3 =	vor.u32 v3, v4  }
0x30d: {  	v4 =	vperm.xlane v3, v0;
	_ =	sdelay $0x1  }
0x30e: {  	v3 =	vperm.xlane v3, v2;
	v4 =	vadd.s32 v1, v4;
	_ =	sdelay $0x1  }
0x30f: {  	v3 =	vadd.s32 v1, v3;
	_ =	sdelay $0x2  }
0x310: {  	[tilespmem:s18], [sflag:$0x2] =	stream.indirect_vreg.gather [hbm4b:s2+s3], $0x80, v4, vm0, $0xb8;
	[tilespmem:$0xA800] =	vst v63  }
0x311: {  	_ = 	snop  }
0x312: {  	[tilespmem:s19], [sflag:$0x2] =	stream.indirect_vreg.gather [hbm4b:s2+s3], $0x80, v3, vm0, $0xb8;
	[tilespmem:$0xA800] =	vst v63  }
0x313: {  	v3 =	vld [tilespmem:s29+$0x160];
	_ =	sdelay $0x4  }
0x314: {  	v54 =	vshll.u32 v3, $0x1  }
0x315: {  	v3 =	vand.u32 $0x7, v3;
	v4 =	vand.u32 $0xFFFFFFF0, v54  }
0x316: {  	v3 =	vor.u32 v3, v4  }
0x317: {  	v4 =	vperm.xlane v3, v0;
	_ =	sdelay $0x1  }
0x318: {  	v3 =	vperm.xlane v3, v2;
	v4 =	vadd.s32 v1, v4;
	_ =	sdelay $0x1  }
0x319: {  	v3 =	vadd.s32 v1, v3;
	_ =	sdelay $0x2  }
0x31a: {  	[tilespmem:s20], [sflag:$0x2] =	stream.indirect_vreg.gather [hbm4b:s2+s3], $0x80, v4, vm0, $0xb8;
	[tilespmem:$0xA800] =	vst v63  }
0x31b: {  	_ = 	snop  }
0x31c: {  	[tilespmem:s21], [sflag:$0x2] =	stream.indirect_vreg.gather [hbm4b:s2+s3], $0x80, v3, vm0, $0xb8;
	[tilespmem:$0xA800] =	vst v63  }
0x31d: {  	v3 =	vld [tilespmem:s29+$0x170];
	_ =	sdelay $0x4  }
0x31e: {  	v55 =	vshll.u32 v3, $0x1  }
0x31f: {  	v3 =	vand.u32 $0x7, v3;
	v4 =	vand.u32 $0xFFFFFFF0, v55  }
0x320: {  	v3 =	vor.u32 v3, v4  }
0x321: {  	v4 =	vperm.xlane v3, v0;
	_ =	sdelay $0x1  }
0x322: {  	v3 =	vperm.xlane v3, v2;
	v4 =	vadd.s32 v1, v4;
	_ =	sdelay $0x1  }
0x323: {  	v3 =	vadd.s32 v1, v3;
	_ =	sdelay $0x2  }
0x324: {  	[tilespmem:s22], [sflag:$0x2] =	stream.indirect_vreg.gather [hbm4b:s2+s3], $0x80, v4, vm0, $0xb8;
	[tilespmem:$0xA800] =	vst v63  }
0x325: {  	_ = 	snop  }
0x326: {  	[tilespmem:s23], [sflag:$0x2] =	stream.indirect_vreg.gather [hbm4b:s2+s3], $0x80, v3, vm0, $0xb8;
	[tilespmem:$0xA800] =	vst v63  }
0x327: {  	_ =	swait.ge [sflag:s25], $0x4000  }
0x328: {  	[sflag:s25] =	ssyncset.done $0x0  }
0x329: {  	[sflag:s25] =	ssyncadd.s32 $0xFFFFC000  }
0x32a: {  	v3 =	vld [tilespmem:s29+$0x180];
	_ =	sdelay $0x4  }
0x32b: {  	v56 =	vshll.u32 v3, $0x1  }
0x32c: {  	v3 =	vand.u32 $0x7, v3;
	v4 =	vand.u32 $0xFFFFFFF0, v56  }
0x32d: {  	v3 =	vor.u32 v3, v4  }
0x32e: {  	v4 =	vperm.xlane v3, v0;
	_ =	sdelay $0x1  }
0x32f: {  	v3 =	vperm.xlane v3, v2;
	v4 =	vadd.s32 v1, v4;
	_ =	sdelay $0x1  }
0x330: {  	v3 =	vadd.s32 v1, v3;
	_ =	sdelay $0x2  }
0x331: {  	[tilespmem:s8], [sflag:$0x1] =	stream.indirect_vreg.gather [hbm4b:s2+s3], $0x80, v4, vm0, $0xb8;
	[tilespmem:$0xA800] =	vst v63  }
0x332: {  	_ = 	snop  }
0x333: {  	[tilespmem:s9], [sflag:$0x1] =	stream.indirect_vreg.gather [hbm4b:s2+s3], $0x80, v3, vm0, $0xb8;
	[tilespmem:$0xA800] =	vst v63  }
0x334: {  	v3 =	vld [tilespmem:s29+$0x190];
	_ =	sdelay $0x4  }
0x335: {  	v57 =	vshll.u32 v3, $0x1  }
0x336: {  	v3 =	vand.u32 $0x7, v3;
	v4 =	vand.u32 $0xFFFFFFF0, v57  }
0x337: {  	v3 =	vor.u32 v3, v4  }
0x338: {  	v4 =	vperm.xlane v3, v0;
	_ =	sdelay $0x1  }
0x339: {  	v3 =	vperm.xlane v3, v2;
	v4 =	vadd.s32 v1, v4;
	_ =	sdelay $0x1  }
0x33a: {  	v3 =	vadd.s32 v1, v3;
	_ =	sdelay $0x2  }
0x33b: {  	[tilespmem:s10], [sflag:$0x1] =	stream.indirect_vreg.gather [hbm4b:s2+s3], $0x80, v4, vm0, $0xb8;
	[tilespmem:$0xA800] =	vst v63  }
0x33c: {  	_ = 	snop  }
0x33d: {  	[tilespmem:s11], [sflag:$0x1] =	stream.indirect_vreg.gather [hbm4b:s2+s3], $0x80, v3, vm0, $0xb8;
	[tilespmem:$0xA800] =	vst v63  }
0x33e: {  	v3 =	vld [tilespmem:s29+$0x1A0];
	_ =	sdelay $0x4  }
0x33f: {  	v58 =	vshll.u32 v3, $0x1  }
0x340: {  	v3 =	vand.u32 $0x7, v3;
	v4 =	vand.u32 $0xFFFFFFF0, v58  }
0x341: {  	v3 =	vor.u32 v3, v4  }
0x342: {  	v4 =	vperm.xlane v3, v0;
	_ =	sdelay $0x1  }
0x343: {  	v3 =	vperm.xlane v3, v2;
	v4 =	vadd.s32 v1, v4;
	_ =	sdelay $0x1  }
0x344: {  	v3 =	vadd.s32 v1, v3;
	_ =	sdelay $0x2  }
0x345: {  	[tilespmem:s12], [sflag:$0x1] =	stream.indirect_vreg.gather [hbm4b:s2+s3], $0x80, v4, vm0, $0xb8;
	[tilespmem:$0xA800] =	vst v63  }
0x346: {  	_ = 	snop  }
0x347: {  	[tilespmem:s13], [sflag:$0x1] =	stream.indirect_vreg.gather [hbm4b:s2+s3], $0x80, v3, vm0, $0xb8;
	[tilespmem:$0xA800] =	vst v63  }
0x348: {  	v3 =	vld [tilespmem:s29+$0x1B0];
	_ =	sdelay $0x4  }
0x349: {  	v59 =	vshll.u32 v3, $0x1  }
0x34a: {  	v3 =	vand.u32 $0x7, v3;
	v4 =	vand.u32 $0xFFFFFFF0, v59  }
0x34b: {  	v3 =	vor.u32 v3, v4  }
0x34c: {  	v4 =	vperm.xlane v3, v0;
	_ =	sdelay $0x1  }
0x34d: {  	v3 =	vperm.xlane v3, v2;
	v4 =	vadd.s32 v1, v4;
	_ =	sdelay $0x1  }
0x34e: {  	v3 =	vadd.s32 v1, v3;
	_ =	sdelay $0x2  }
0x34f: {  	[tilespmem:s14], [sflag:$0x1] =	stream.indirect_vreg.gather [hbm4b:s2+s3], $0x80, v4, vm0, $0xb8;
	[tilespmem:$0xA800] =	vst v63  }
0x350: {  	_ = 	snop  }
0x351: {  	[tilespmem:s15], [sflag:$0x1] =	stream.indirect_vreg.gather [hbm4b:s2+s3], $0x80, v3, vm0, $0xb8;
	[tilespmem:$0xA800] =	vst v63  }
0x352: {  	_ =	swait.ge [sflag:s24], $0x4000  }
0x353: {  	[sflag:s24] =	ssyncset.done $0x0  }
0x354: {  	[sflag:s24] =	ssyncadd.s32 $0xFFFFC000  }
0x355: {  	v3 =	vld [tilespmem:s29+$0x1C0];
	_ =	sdelay $0x4  }
0x356: {  	v60 =	vshll.u32 v3, $0x1  }
0x357: {  	v3 =	vand.u32 $0x7, v3;
	v4 =	vand.u32 $0xFFFFFFF0, v60  }
0x358: {  	v3 =	vor.u32 v3, v4  }
0x359: {  	v4 =	vperm.xlane v3, v0;
	_ =	sdelay $0x1  }
0x35a: {  	v3 =	vperm.xlane v3, v2;
	v4 =	vadd.s32 v1, v4;
	_ =	sdelay $0x1  }
0x35b: {  	v3 =	vadd.s32 v1, v3;
	_ =	sdelay $0x2  }
0x35c: {  	[tilespmem:s16], [sflag:$0x2] =	stream.indirect_vreg.gather [hbm4b:s2+s3], $0x80, v4, vm0, $0xb8;
	[tilespmem:$0xA800] =	vst v63  }
0x35d: {  	_ = 	snop  }
0x35e: {  	[tilespmem:s17], [sflag:$0x2] =	stream.indirect_vreg.gather [hbm4b:s2+s3], $0x80, v3, vm0, $0xb8;
	[tilespmem:$0xA800] =	vst v63  }
0x35f: {  	v3 =	vld [tilespmem:s29+$0x1D0];
	_ =	sdelay $0x4  }
0x360: {  	v61 =	vshll.u32 v3, $0x1  }
0x361: {  	v3 =	vand.u32 $0x7, v3;
	v4 =	vand.u32 $0xFFFFFFF0, v61  }
0x362: {  	v3 =	vor.u32 v3, v4  }
0x363: {  	v4 =	vperm.xlane v3, v0;
	_ =	sdelay $0x1  }
0x364: {  	v3 =	vperm.xlane v3, v2;
	v4 =	vadd.s32 v1, v4;
	_ =	sdelay $0x1  }
0x365: {  	v3 =	vadd.s32 v1, v3;
	_ =	sdelay $0x2  }
0x366: {  	[tilespmem:s18], [sflag:$0x2] =	stream.indirect_vreg.gather [hbm4b:s2+s3], $0x80, v4, vm0, $0xb8;
	[tilespmem:$0xA800] =	vst v63  }
0x367: {  	_ = 	snop  }
0x368: {  	[tilespmem:s19], [sflag:$0x2] =	stream.indirect_vreg.gather [hbm4b:s2+s3], $0x80, v3, vm0, $0xb8;
	[tilespmem:$0xA800] =	vst v63  }
0x369: {  	v3 =	vld [tilespmem:s29+$0x1E0];
	_ =	sdelay $0x4  }
0x36a: {  	v62 =	vshll.u32 v3, $0x1  }
0x36b: {  	v3 =	vand.u32 $0x7, v3;
	v4 =	vand.u32 $0xFFFFFFF0, v62  }
0x36c: {  	v3 =	vor.u32 v3, v4  }
0x36d: {  	v4 =	vperm.xlane v3, v0;
	_ =	sdelay $0x1  }
0x36e: {  	v3 =	vperm.xlane v3, v2;
	v4 =	vadd.s32 v1, v4;
	_ =	sdelay $0x1  }
0x36f: {  	v3 =	vadd.s32 v1, v3;
	_ =	sdelay $0x2  }
0x370: {  	[tilespmem:s20], [sflag:$0x2] =	stream.indirect_vreg.gather [hbm4b:s2+s3], $0x80, v4, vm0, $0xb8;
	[tilespmem:$0xA800] =	vst v63  }
0x371: {  	_ = 	snop  }
0x372: {  	[tilespmem:s21], [sflag:$0x2] =	stream.indirect_vreg.gather [hbm4b:s2+s3], $0x80, v3, vm0, $0xb8;
	[tilespmem:$0xA800] =	vst v63  }
0x373: {  	v3 =	vld [tilespmem:s29+$0x1F0];
	_ =	sdelay $0x4  }
0x374: {  	v63 =	vshll.u32 v3, $0x1  }
0x375: {  	v3 =	vand.u32 $0x7, v3;
	v4 =	vand.u32 $0xFFFFFFF0, v63  }
0x376: {  	v3 =	vor.u32 v3, v4  }
0x377: {  	v4 =	vperm.xlane v3, v0;
	_ =	sdelay $0x1  }
0x378: {  	v3 =	vperm.xlane v3, v2;
	v4 =	vadd.s32 v1, v4;
	_ =	sdelay $0x1  }
0x379: {  	v3 =	vadd.s32 v1, v3;
	_ =	sdelay $0x1  }
0x37a: {  	p0 =	sne.s32 s28, $0x9800  }
0x37b: {  	[tilespmem:s22], [sflag:$0x2] =	stream.indirect_vreg.gather [hbm4b:s2+s3], $0x80, v4, vm0, $0xb8;
	[tilespmem:$0xA800] =	vst v63  }
.Ltmp8:
0x37c: {  	_ = 	snop;
	(pc) =	sbr.rel @p0 .LBB2_9-.Ltmp8, $4  }
0x37d: {  	[tilespmem:s23], [sflag:$0x2] =	stream.indirect_vreg.gather [hbm4b:s2+s3], $0x80, v3, vm0, $0xb8;
	[tilespmem:$0xA800] =	vst v63  }
0x37e: {  	_ =	swait.ge [sflag:s25], $0x4000  }
0x37f: {  	[sflag:s25] =	ssyncset.done $0x0  }
0x380: {  	[sflag:s25] =	ssyncadd.s32 $0xFFFFC000  }
.Ltmp9:
0x381: {  	(pc) =	sbr.rel .LBB2_10-.Ltmp9, $4  }
0x382: {  	_ = 	snop  }
0x383: {  	_ =	swait.ge [sflag:s24], $0x4000  }
0x384: {  	[sflag:s24] =	ssyncset.done $0x0  }
0x385: {  	[sflag:s24] =	ssyncadd.s32 $0xFFFFC000  }
.LBB2_12:
0x386: {  	_ =	sfence.sel $0x180000  }
0x387: {  	[bflag:$0x0] =	sbarrier.arrive $0xFFFF  }
0x388: {  	p0 =	sne.s32 s1, $0x0;
	_ =	strace $0x9000004A  }
0x389: {  	s0 =	sadd.s32 @!p0 $0x100000, s0;
	[bflag:$0x2] =	sbarrier.arrive $0xFFFF  }
0x38a: {  	[sflag:s0] =	ssyncadd.tile.s32 @!p0 $0x1;
	_ =	shalt  }
.Lfunc_end2:
_tile_overlayer_lowered:
.L_overlay_start_2:
0x38b: {  	(tag) =	ssettag $0x2  }
0x38c: {  	s0 =	rddreg [dreg:$0x0];
	s2 =	stileid.u32  }
0x38d: {  	s1 =	rddreg [dreg:$0x1];
	p0 =	sne.s32 s2, $0x0  }
0x38e: {  	s3 =	rddreg [dreg:$0x2];
	[bflag:$0x3] =	sbarrier.arrive $0xFFFF;
	s2 =	simm.s32 @!p0 $0x1C03  }
0x38f: {  	[timem:s3], [sflag:s2] =	dma.local @!p0 [hbm:s0], s1  }
0x390: {  	s0 =	simm.s32 @!p0 $0x3  }
0x391: {  	_ =	swait.ge @!p0 [sflag:s0], s1  }
0x392: {  	s1 =	ssub.s32 @!p0 $0x0, s1;
	[sflag:s0] =	ssyncset.done @!p0 $0x0  }
0x393: {  	[sflag:s0] =	ssyncadd.s32 @!p0 s1  }
0x394: {  	[bflag:$0x3] =	sbarrier.arrive $0xFFFF  }
0x395: {  	_ =	shalt  }

// kernel: kernel.9.cloned.1.call-start
scs
__scs_entry_jumppad:
0x0: {  	(pc) =	sbr.rel $0x88, $3  }
0x1: {  	(tag) =	ssettag $0x0;
	lr =	simm.s32 $0x1  }
0x2: {  	[smem:$0x3F99] =	sst lr;
	_ =	strace $0xD0000000  }
0x3: {  	_ = 	snop  }
0x4: {  	_ = 	snop  }
0x5: {  	_ = 	snop  }
0x6: {  	_ = 	snop  }
0x7: {  	_ = 	snop  }
__scs_overlays_trampoline_lowered:
0x8: {  	[smem:$0x3FA8] =	sst s0  }
0x9: {  	[smem:$0x3FA9] =	sst s1  }
0xa: {  	[smem:$0x3FAA] =	sst s2  }
0xb: {  	[smem:$0x3FAB] =	sst s3  }
0xc: {  	[smem:$0x3FAC] =	sst s4  }
0xd: {  	[smem:$0x3FAD] =	sst s5  }
0xe: {  	[smem:$0x3FAE] =	sst s6  }
0xf: {  	[smem:$0x3FAF] =	sst s7  }
0x10: {  	[smem:$0x3FB0] =	sst s8  }
0x11: {  	[smem:$0x3FB1] =	sst s9;
	s0 =	simm.s32 @!p0 $0x0  }
0x12: {  	s1 =	sld [smem:$0x3F97];
	s0 =	simm.s32 @p0 $0x1  }
0x13: {  	[smem:$0x3FB2] =	sst s0;
	s0 =	simm.s32 @!p1 $0x0  }
0x14: {  	s2 =	sld [smem:$0x3F96];
	s0 =	simm.s32 @p1 $0x1  }
0x15: {  	[smem:$0x3FB3] =	sst s0;
	s0 =	simm.s32 @!p2 $0x0  }
0x16: {  	s3 =	sld [smem:$0x3FDB];
	s0 =	simm.s32 @p2 $0x1  }
0x17: {  	s4 =	simm.s32 $0x1BF5;
	[smem:$0x3FB5] =	sst s0  }
0x18: {  	s0 =	sld [smem:$0x3F98];
	_ =	swait.ge [sflag:s4], $0x0  }
0x19: {  	s7 =	sld [smem:$0x3F99]  }
0x1a: {  	s8 =	sadd.s32 $0xFFFFE003, lr  }
0x1b: {  	s9 =	sadd.s32 $0xFFFFFEF7, lr;
	s5 =	simm.s32 $0xFFFFFFFF;
	p2 =	slt.u32 s8, $0xFFFFF086  }
0x1c: {  	p1 =	slt.u32 s9, $0xF7A;
	s5 =	simm.s32 @!p2 $0x0  }
0x1d: {  	s5 =	simm.s32 @p1 $0x1;
	p0 =	seq.s32 s7, s2  }
0x1e: {  	s7 =	smul.u32 @!p0 $0xF7A, s2;
	p2 =	seq.s32 @!p0 s5, $0x0  }
0x1f: {  	s9 =	smul.u32 $0xF7A, s1;
	s8 =	simm.s32 @!p0 $0x1BF5;
	p2 =	por !p2, p0  }
0x20: {  	[sflag:s8] =	ssyncset.s32 @!p0 $0xFFFFF086;
	s6 =	sadd.s32 @!p0 s3, s7;
	s7 =	simm.s32 @!p0 $0x108  }
0x21: {  	s3 =	sadd.s32 s3, s9;
	s6 =	sadd.s32 @!p0 $0x88, s6;
	s7 =	simm.s32 @p2 $0x1082  }
0x22: {  	[simem:s7], [sflag:s8] =	dma.local @!p0 [hbm:s6], $0xF7A  }
0x23: {  	s9 =	sor.u32 $0xD0000000, s2;
	s6 =	simm.s32 $0x108;
	_ =	swait.ge @!p0 [sflag:s8], $0x0  }
0x24: {  	s3 =	sadd.s32 $0x88, s3;
	s6 =	simm.s32 @!p1 $0x1082;
	[sflag:s4] =	ssyncset.s32 $0xFFFFF086  }
0x25: {  	[simem:s6], [sflag:s4] =	dma.local [hbm:s3], $0xF7A  }
0x26: {  	[smem:$0x3F99] =	sst s1;
	(tag) =	ssettag s2;
	_ =	strace s9  }
0x27: {  	s1 =	sld [smem:$0x3FA9]  }
0x28: {  	s2 =	sld [smem:$0x3FAA]  }
0x29: {  	s4 =	sld [smem:$0x3FAC]  }
0x2a: {  	p0 =	seq.s32 s5, $0x0;
	s5 =	sld [smem:$0x3FAD]  }
0x2b: {  	s6 =	sld [smem:$0x3FAE]  }
0x2c: {  	s7 =	sld [smem:$0x3FAF]  }
0x2d: {  	s3 =	simm.s32 $0x108;
	s8 =	sld [smem:$0x3FB0]  }
0x2e: {  	s3 =	simm.s32 @!p0 $0x1082;
	s9 =	sld [smem:$0x3FB1]  }
0x2f: {  	lr =	sadd.s32 s0, s3;
	s0 =	sld [smem:$0x3FA8]  }
0x30: {  	s3 =	sld [smem:$0x3FAB]  }
0x31: {  	[smem:$0x3FB4] =	sst s10  }
0x32: {  	s10 =	sld [smem:$0x3FB2];
	_ =	sdelay $0x3  }
0x33: {  	p0 =	seq.s32 s10, $0x1;
	s10 =	sld [smem:$0x3FB4];
	_ =	sdelay $0x3  }
0x34: {  	[smem:$0x3FB4] =	sst s10  }
0x35: {  	s10 =	sld [smem:$0x3FB3];
	_ =	sdelay $0x3  }
0x36: {  	p1 =	seq.s32 s10, $0x1;
	s10 =	sld [smem:$0x3FB4];
	_ =	sdelay $0x3  }
0x37: {  	[smem:$0x3FB4] =	sst s10  }
0x38: {  	s10 =	sld [smem:$0x3FB5]  }
0x39: {  	_ = 	snop;
	(pc) =	sbr.ind lr, $3  }
0x3a: {  	_ = 	snop  }
0x3b: {  	_ = 	snop  }
0x3c: {  	p2 =	seq.s32 s10, $0x1;
	s10 =	sld [smem:$0x3FB4]  }
0x3d: {  	_ =	shalt  }
0x3e: {  	_ =	shalt  }
0x3f: {  	_ =	shalt  }
0x40: {  	_ =	shalt  }
0x41: {  	_ =	shalt  }
0x42: {  	_ =	shalt  }
0x43: {  	_ =	shalt  }
0x44: {  	_ =	shalt  }
0x45: {  	_ =	shalt  }
0x46: {  	_ =	shalt  }
0x47: {  	_ =	shalt  }
0x48: {  	_ =	shalt  }
0x49: {  	_ =	shalt  }
0x4a: {  	_ =	shalt  }
0x4b: {  	_ =	shalt  }
0x4c: {  	_ =	shalt  }
0x4d: {  	_ =	shalt  }
0x4e: {  	_ =	shalt  }
0x4f: {  	_ =	shalt  }
0x50: {  	_ =	shalt  }
0x51: {  	_ =	shalt  }
0x52: {  	_ =	shalt  }
0x53: {  	_ =	shalt  }
0x54: {  	_ =	shalt  }
0x55: {  	_ =	shalt  }
0x56: {  	_ =	shalt  }
0x57: {  	_ =	shalt  }
0x58: {  	_ =	shalt  }
0x59: {  	_ =	shalt  }
0x5a: {  	_ =	shalt  }
0x5b: {  	_ =	shalt  }
0x5c: {  	_ =	shalt  }
0x5d: {  	_ =	shalt  }
0x5e: {  	_ =	shalt  }
0x5f: {  	_ =	shalt  }
0x60: {  	_ =	shalt  }
0x61: {  	_ =	shalt  }
0x62: {  	_ =	shalt  }
0x63: {  	_ =	shalt  }
0x64: {  	_ =	shalt  }
0x65: {  	_ =	shalt  }
0x66: {  	_ =	shalt  }
0x67: {  	_ =	shalt  }
0x68: {  	_ =	shalt  }
0x69: {  	_ =	shalt  }
0x6a: {  	_ =	shalt  }
0x6b: {  	_ =	shalt  }
0x6c: {  	_ =	shalt  }
0x6d: {  	_ =	shalt  }
0x6e: {  	_ =	shalt  }
0x6f: {  	_ =	shalt  }
0x70: {  	_ =	shalt  }
0x71: {  	_ =	shalt  }
0x72: {  	_ =	shalt  }
0x73: {  	_ =	shalt  }
0x74: {  	_ =	shalt  }
0x75: {  	_ =	shalt  }
0x76: {  	_ =	shalt  }
0x77: {  	_ =	shalt  }
0x78: {  	_ =	shalt  }
0x79: {  	_ =	shalt  }
0x7a: {  	_ =	shalt  }
0x7b: {  	_ =	shalt  }
0x7c: {  	_ =	shalt  }
0x7d: {  	_ =	shalt  }
0x7e: {  	_ =	shalt  }
0x7f: {  	_ =	shalt  }
0x80: {  	_ =	shalt  }
0x81: {  	_ =	shalt  }
0x82: {  	_ =	shalt  }
0x83: {  	_ =	shalt  }
0x84: {  	_ =	shalt  }
0x85: {  	_ =	shalt  }
0x86: {  	_ =	shalt  }
0x87: {  	_ =	shalt  }
.Lfunc_end0:
.L_simem_size_0:
called_computation_lowered:
.L_overlay_start_0:
0x88: {  	s2 =	sld [smem:$0x3FD9]  }
0x89: {  	s3 =	sld [smem:$0x3FFE];
	_ =	sdelay $0x1  }
0x8a: {  	s1 =	srdreg.scid  }
0x8b: {  	s0 =	sand.u32 $0x1, s1  }
0x8c: {  	s17 =	sshll.u32 s0, $0xA;
	s2 =	sadd.s32 s3, s2  }
0x8d: {  	s2 =	sadd.s32 s2, s17  }
0x8e: {  	[smem:$0x3FC0] =	sst s2  }
0x8f: {  	_ = 	snop  }
0x90: {  	s2 =	sld [smem:$0x3FD0];
	(tm) =	ssettm $0x1  }
0x91: {  	s18 =	sld [smem:$0x3FFB];
	_ =	sdelay $0x3  }
0x92: {  	_ =	strace s18  }
0x93: {  	s3 =	sld [smem:$0x3FFC];
	_ =	sdelay $0x3  }
0x94: {  	_ =	strace s3  }
0x95: {  	s3 =	sld [smem:$0x3FFD];
	_ =	sdelay $0x3  }
0x96: {  	_ =	strace s3  }
0x97: {  	_ =	strace $0x8FFFFFFF  }
0x98: {  	s19 =	sld [smem:$0x3FDB];
	_ =	sdelay $0x1  }
0x99: {  	s4 =	simm.s32 $_scs_section_size  }
0x9a: {  	s5 =	simm.s32 $_size__tile_overlayer_lowered;
	s6 =	simm.s32 $_tile_overlayer_lowered  }
0x9b: {  	s22 =	simm.s32 $0x1BFF;
	s21 =	sshll.u32 s6, $0x1;
	s3 =	sadd.s32 s4, s19  }
0x9c: {  	s7 =	simm.s32 $0x0;
	s20 =	sshll.u32 s5, $0x1;
	s5 =	sadd.s32 s21, s3  }
0x9d: {  	[timem:s7], [sflag:s22] =	dma.local [hbm:s5], s20  }
0x9e: {  	_ =	swait.ge [sflag:s22], s20  }
0x9f: {  	s4 =	ssub.s32 $0x0, s20;
	[sflag:s22] =	ssyncset.done $0x0  }
0xa0: {  	[sflag:s22] =	ssyncadd.s32 s4;
	_ =	sdelay $0x1  }
0xa1: {  	s23 =	simm.s32 $0x1B8B  }
0xa2: {  	_ =	swait.ge [sflag:s23], $0x1  }
0xa3: {  	[sflag:s23] =	ssyncset.done $0x0  }
0xa4: {  	s25 =	simm.s32 $0x1B8E;
	s24 =	sld [smem:$0x3FFE];
	[sflag:s23] =	ssyncadd.s32 $0xFFFFFFFF  }
0xa5: {  	s26 =	simm.s32 $execute0_lowered;
	[smem:$0x3FD2] =	sst s25  }
0xa6: {  	s5 =	sshll.u32 s26, $0x1;
	_ =	strace $0x80000046;
	[dreg:$0x1] =	wrdreg $0xFFFFFFFF  }
0xa7: {  	s28 =	simm.s32 $_size_execute0_lowered;
	s3 =	sadd.s32 s3, s5;
	[dreg:$0x0] =	wrdreg $0x0  }
0xa8: {  	s5 =	sshll.u32 s28, $0x1;
	[dreg:$0x2] =	wrdreg s3  }
0xa9: {  	[dreg:$0x3] =	wrdreg s5  }
0xaa: {  	[dreg:$0x4] =	wrdreg $0xC0  }
0xab: {  	_ =	task [dreg:s7], $0x5FFFF  }
0xac: {  	[dreg:$0x1] =	wrdreg $0xFFFFFFFF  }
0xad: {  	[dreg:$0x0] =	wrdreg $0x60  }
0xae: {  	[dreg:$0x2] =	wrdreg s24  }
0xaf: {  	[dreg:$0x3] =	wrdreg s2  }
0xb0: {  	[dreg:$0x4] =	wrdreg $0x9  }
0xb1: {  	_ =	task.clear_ibuf [dreg:s7], $0x5FFFF;
	_ =	strace $0x90000046  }
0xb2: {  	s29 =	simm.s32 $0x9;
	_ =	strace $0x80000048  }
0xb3: {  	_ =	swait.ge [sflag:s29], $0x1  }
0xb4: {  	[sflag:s29] =	ssyncadd.s32 $0xFFFFFFFF  }
0xb5: {  	_ =	strace $0x90000048  }
0xb6: {  	_ =	sfence  }
0xb7: {  	s30 =	sld [smem:$0x0];
	_ =	sdelay $0x2  }
0xb8: {  	s31 =	sshll.u32 s1, $0xD;
	s1 =	sshrl.u32 s1, $0x2  }
0xb9: {  	s3 =	sand.u32 $0x4000, s31;
	s1 =	sadd.s32 s1, s30  }
0xba: {  	s0 =	sor.u32 s3, s0;
	s1 =	sshll.u32 s1, $0x11  }
0xbb: {  	s0 =	sor.u32 s1, s0  }
0xbc: {  	s0 =	sadd.s32 $0x8F2B, s0  }
0xbd: {  	[sflag:s0] =	ssyncadd.remote.s32 $0x1  }
0xbe: {  	_ =	sfence.sel $0xFFFF  }
0xbf: {  	[dreg:$0x0] =	wrdreg $0xFFFFFFFF;
	(pc) =	sbr.abs _section_cstart, $3  }
0xc0: {  	[dreg:$0x1] =	wrdreg $0xFFFFFFFF  }
0xc1: {  	_ =	task.clear_ibuf [dreg:s7], $0x2FFFF;
	_ =	strace $0x9FFFFFFF  }
0xc2: {  	(tm) =	ssettm $0x7FFFFFFF  }
0xc3: {  	_ =	shalt  }
tec
execute0_lowered:
.L_overlay_start_1:
0x0: {  	(tag) =	ssettag $0x1  }
0x1: {  	s0 =	srdreg.scid  }
0x2: {  	s3 =	sand.u32 $0x1, s0  }
0x3: {  	s4 =	rddreg [dreg:$0x0];
	s0 =	stileid.u32;
	s1 =	sshll.u32 s3, $0x4  }
0x4: {  	s5 =	rddreg [dreg:$0x1];
	s9 =	simm.s32 $0x1400;
	s2 =	sor.u32 s0, s1  }
0x5: {  	s10 =	simm.s32 $0x0;
	s7 =	sshll.u32 s0, $0x7;
	s6 =	sshrl.u32 s2, $0x3  }
0x6: {  	s3 =	ssub.s32 $0x2, s3;
	s1 =	rddreg [dreg:$0x2];
	s8 =	smul.u32 $0xA000, s6  }
0x7: {  	s7 =	sand.u32 $0x380, s7;
	s2 =	simm.s32 $0x0;
	s6 =	smul.u32 $0x14000, s6  }
0x8: {  	s31 =	sshrl.u32 s3, $0x1;
	[smem:$0x7FF] =	sst s2;
	s8 =	sor.u32 s7, s8  }
0x9: {  	_ =	strace $0x80000047;
	s6 =	sor.u32 s7, s6;
	s8 =	sshrl.u32 s8, $0x3  }
0xa: {  	s7 =	ssub.s32 s3, s31;
	s6 =	sshrl.u32 s6, $0x3;
	s4 =	sadd.s32 s8, s4  }
0xb: {  	s8 =	simm.s32 $0x1;
	s3 =	sadd.s32 $0x1400, s4;
	s4 =	sadd.s32 s5, s6  }
0xc: {  	v0 =	vimm.f32 $0.0e+00;
	v1 =	vimm.f32 $1.000000000e+00;
	s5 =	smax.u32 s7, $0x1;
	s6 =	simm.s32 $0x80;
	s7 =	simm.s32 $0x400  }
.LBB2_1:
0xd: {  	[tilespmem:s2], [sflag:$0x1] =	stream.strided.gather [hbm4b:s3+s6], $0x1400, s7, s6, $0x38;
	[tilespmem:$0x3C00] =	vst v63  }
0xe: {  	_ =	swait.ge [sflag:s8], $0x1400  }
0xf: {  	[sflag:s8] =	ssyncset.done $0x0  }
0x10: {  	s11 =	simm.s32 $0x0;
	[sflag:s8] =	ssyncadd.s32 $0xFFFFEC00  }
.LBB2_2:
0x11: {  	p0 =	sne.s32 s11, $0x9FC0  }
.Ltmp0:
0x12: {  	_ = 	snop;
	(pc) =	sbr.rel @p0 .LBB2_2-.Ltmp0, $3  }
0x13: {  	_ =	sdelay $0x1  }
0x14: {  	s12 =	sshra.s32 s11, $0x2  }
0x15: {  	s11 =	sadd.s32 $0x40, s11;
	[tilespmem:s12+$0x1400] =	vst v0  }
0x16: {  	s12 =	simm.s32 $0x0;
	s11 =	simm.s32 $0x40  }
.LBB2_4:
0x17: {  	p0 =	sne.s32 s11, $0x4E00;
	v2 =	vld [tilespmem:s12+$0x0];
	_ =	sdelay $0x3  }
.Ltmp1:
0x18: {  	(pc) =	sbr.rel @p0 .LBB2_4-.Ltmp1, $2  }
0x19: {  	_ =	sdelay $0x2  }
0x1a: {  	s12 =	sshra.s32 s11, $0x2;
	s11 =	sadd.s32 $0x40, s11;
	[tilespmem:v2+s9+$0x0] =	vst.idx.add.f32.msk $0xffff, v1  }
0x1b: {  	v2 =	vld [tilespmem:s12+$0x0];
	_ =	sdelay $0x5  }
0x1c: {  	s10 =	sadd.s32 $0x1, s10  }
0x1d: {  	p0 =	sne.s32 s10, s5  }
.Ltmp2:
0x1e: {  	[tilespmem:v2+s9+$0x0] =	vst.idx.add.f32.msk $0xffff, v1;
	(pc) =	sbr.rel @p0 .LBB2_1-.Ltmp2, $4  }
0x1f: {  	[hbm4b:s4+s6] =	stream.strided.scatter [tilespmem:s9], [sflag:$0x1], $0x2800, s7, s6, $0x38;
	[tilespmem:$0x3C00] =	vst v63  }
0x20: {  	_ =	swait.ge [sflag:s8], $0x2800  }
0x21: {  	[sflag:s8] =	ssyncset.done $0x0  }
0x22: {  	[sflag:s8] =	ssyncadd.s32 $0xFFFFD800  }
0x23: {  	_ =	sfence.sel $0x180000  }
0x24: {  	[bflag:$0x0] =	sbarrier.arrive $0xFFFF  }
0x25: {  	p0 =	sne.s32 s0, $0x0;
	_ =	strace $0x90000047  }
0x26: {  	s0 =	sadd.s32 @!p0 $0x100000, s1;
	[bflag:$0x2] =	sbarrier.arrive $0xFFFF  }
0x27: {  	[sflag:s0] =	ssyncadd.tile.s32 @!p0 $0x1;
	_ =	shalt  }
.Lfunc_end2:
_tile_overlayer_lowered:
.L_overlay_start_2:
0x28: {  	(tag) =	ssettag $0x2  }
0x29: {  	s0 =	rddreg [dreg:$0x0];
	s2 =	stileid.u32  }
0x2a: {  	s1 =	rddreg [dreg:$0x1];
	p0 =	sne.s32 s2, $0x0  }
0x2b: {  	s3 =	rddreg [dreg:$0x2];
	[bflag:$0x3] =	sbarrier.arrive $0xFFFF;
	s2 =	simm.s32 @!p0 $0x1C01  }
0x2c: {  	[timem:s3], [sflag:s2] =	dma.local @!p0 [hbm:s0], s1  }
0x2d: {  	s0 =	simm.s32 @!p0 $0x1  }
0x2e: {  	_ =	swait.ge @!p0 [sflag:s0], s1  }
0x2f: {  	s1 =	ssub.s32 @!p0 $0x0, s1;
	[sflag:s0] =	ssyncset.done @!p0 $0x0  }
0x30: {  	[sflag:s0] =	ssyncadd.s32 @!p0 s1  }
0x31: {  	[bflag:$0x3] =	sbarrier.arrive $0xFFFF  }
0x32: {  	_ =	shalt  }

</sc_bundles>
